<compile_context>
chip_gen: v7x
topology: tpu7x:2x2x1
jax: 0.10.2.dev20260603
libtpu: 0.0.44.dev20260713+nightly
codegen_flags: <defaults>
</compile_context>

<pallas_src>
import functools

import jax
import jax.numpy as jnp
from jax import lax
from jax.experimental import pallas as pl
from jax.experimental.pallas import tpu as pltpu
from jax.experimental.pallas import tpu_sc as plsc

Q = 200
N = 50000
NTOT = Q * N
NCLS = 19
NON_OBJECT_WEIGHT = 0.1

NC = 2
NS = 16
NW = NC * NS

K = 2048
XLO = -8.0
XHI = 8.0
CHUNK = 20000
NCHUNKS = NTOT // CHUNK
ROWS_PER_STEP = 8
GRID1 = Q // ROWS_PER_STEP


def _pass1_body(x_ref, t_ref, rowstats_ref, scal_ref):
    i = pl.program_id(0)
    x = x_ref[...]
    t = t_ref[...]
    p = 1.0 / (1.0 + jnp.exp(-x))
    bce = jnp.maximum(x, 0.0) - x * t - jnp.log(jnp.maximum(p, 1.0 - p))
    bce_s = jnp.sum(bce)
    s_pt = jnp.sum(p * t, axis=1)
    s_p = jnp.sum(p, axis=1)
    s_t = jnp.sum(t, axis=1)
    col = lax.broadcasted_iota(jnp.int32, x.shape, 1).astype(jnp.float32)
    pm = p > 0.0
    gm = t > 0.0
    big = jnp.float32(N + 1)
    pmax_s = jnp.max(jnp.where(pm, col, -1.0))
    pmin_s = jnp.min(jnp.where(pm, col, big))
    gmax_s = jnp.max(jnp.where(gm, col, -1.0))
    gmin_s = jnp.min(jnp.where(gm, col, big))
    s1_s = jnp.sum(jnp.where(t > 0.5, 1.0 - p, 0.0))

    lane_r = lax.broadcasted_iota(jnp.int32, (ROWS_PER_STEP, 128), 1)
    rs = jnp.where(lane_r == 0, s_pt[:, None],
                   jnp.where(lane_r == 1, s_p[:, None],
                             jnp.where(lane_r == 2, s_t[:, None], 0.0)))
    rowstats_ref[...] = rs

    lane = lax.broadcasted_iota(jnp.int32, (1, 128), 1)
    v = jnp.where(lane == 0, bce_s,
        jnp.where(lane == 1, s1_s,
        jnp.where(lane == 2, pmax_s,
        jnp.where(lane == 3, pmin_s,
        jnp.where(lane == 4, gmax_s,
        jnp.where(lane == 5, gmin_s, 0.0))))))

    @pl.when(i == 0)
    def _init():
        scal_ref[...] = v

    @pl.when(i != 0)
    def _acc():
        old = scal_ref[...]
        upd = jnp.where(lane < 2, old + v,
              jnp.where((lane == 2) | (lane == 4), jnp.maximum(old, v),
              jnp.where((lane == 3) | (lane == 5), jnp.minimum(old, v), old)))
        scal_ref[...] = upd


def _run_pass1(pred_mask, tgt_mask):
    return pl.pallas_call(
        _pass1_body,
        grid=(GRID1,),
        in_specs=[
            pl.BlockSpec((ROWS_PER_STEP, N), lambda i: (i, 0)),
            pl.BlockSpec((ROWS_PER_STEP, N), lambda i: (i, 0)),
        ],
        out_specs=[
            pl.BlockSpec((ROWS_PER_STEP, 128), lambda i: (i, 0)),
            pl.BlockSpec((1, 128), lambda i: (0, 0)),
        ],
        out_shape=[
            jax.ShapeDtypeStruct((Q, 128), jnp.float32),
            jax.ShapeDtypeStruct((1, 128), jnp.float32),
        ],
    )(pred_mask, tgt_mask)


def _sc_hist_body(x_hbm, out_hbm,
                  xbuf0, xbuf1, hist, histb,
                  semx0, semx1):
    wid = lax.axis_index("s") * NC + lax.axis_index("c")
    zeros16 = jnp.zeros((16,), jnp.float32)
    ones16 = jnp.ones((16,), jnp.float32)
    lane16 = lax.iota(jnp.int32, 16)
    scale = jnp.float32(K / (XHI - XLO))
    off0 = jnp.float32(-XLO * K / (XHI - XLO))
    xbufs = (xbuf0, xbuf1)
    semxs = (semx0, semx1)

    @plsc.parallel_loop(0, (NS * K) // 16)
    def _zero(z):
        hist[pl.ds(z * 16, 16)] = zeros16
        histb[pl.ds(z * 16, 16)] = zeros16

    nchunks = jnp.where(wid < (NCHUNKS % NW), NCHUNKS // NW + 1, NCHUNKS // NW)

    def issue(ci, b):
        base = (wid + ci * NW) * CHUNK
        pltpu.async_copy(x_hbm.at[pl.ds(base, CHUNK)], xbufs[b], semxs[b])

    issue(0, 0)
    npairs = (NCHUNKS // NW + 2) // 2

    @pl.loop(0, npairs)
    def _pair(pi):
        for b in (0, 1):
            ci = pi * 2 + b

            @pl.when(ci < nchunks)
            def _one():
                pltpu.make_async_copy(
                    x_hbm.at[pl.ds(0, CHUNK)], xbufs[b], semxs[b]).wait()

                @pl.when(ci + 1 < nchunks)
                def _prefetch():
                    issue(ci + 1, 1 - b)

                xbuf = xbufs[b]

                @plsc.parallel_loop(0, CHUNK // 128, unroll=2)
                def _vec(j8):
                    base8 = j8 * 128
                    for u in range(8):
                        xv = xbuf[pl.ds(base8 + u * 16, 16)]
                        binf = jnp.clip(xv * scale + off0, 0.0,
                                        jnp.float32(K - 1))
                        bin_ = binf.astype(jnp.int32)
                        idx = bin_ * 16 + lane16
                        plsc.addupdate_scatter(hist if u % 2 == 0 else histb,
                                               [idx], ones16)

    @plsc.parallel_loop(0, (NS * K) // 16)
    def _merge(z):
        hist[pl.ds(z * 16, 16)] += histb[pl.ds(z * 16, 16)]

    pltpu.sync_copy(hist, out_hbm.at[pl.ds(wid * NS * K, NS * K)])


def _run_sc_hist(x_flat):
    mesh = plsc.VectorSubcoreMesh(core_axis_name="c", subcore_axis_name="s")
    k = pl.kernel(
        _sc_hist_body,
        out_type=jax.ShapeDtypeStruct((NW * NS * K,), jnp.float32),
        mesh=mesh,
        scratch_types=[
            pltpu.VMEM((CHUNK,), jnp.float32),
            pltpu.VMEM((CHUNK,), jnp.float32),
            pltpu.VMEM((NS * K,), jnp.float32),
            pltpu.VMEM((NS * K,), jnp.float32),
            pltpu.SemaphoreType.DMA,
            pltpu.SemaphoreType.DMA,
        ],
        compiler_params=pltpu.CompilerParams(needs_layout_passes=False),
    )
    return k(x_flat)


def _combine_body(hist_ref, rowstats_ref, scal_ref, pl_ref, gt_ref, lw_ref,
                  out_ref):
    scal = scal_ref[...]
    lane = lax.broadcasted_iota(jnp.int32, (1, 128), 1)

    def pick(j):
        return jnp.sum(jnp.where(lane == j, scal, 0.0))

    bce_sum = pick(0)
    s1 = pick(1)
    pmax = pick(2)
    pmin = pick(3)
    gmax = pick(4)
    gmin = pick(5)

    rs = rowstats_ref[...]
    s_pt = rs[:, 0:1]
    s_p = rs[:, 1:2]
    s_t = rs[:, 2:3]

    plog = pl_ref[...]
    g = gt_ref[...]
    m = jnp.max(plog, axis=1, keepdims=True)
    lse = m + jnp.log(jnp.sum(jnp.exp(plog - m), axis=1, keepdims=True))
    cls_iota = lax.broadcasted_iota(jnp.int32, (Q, NCLS), 1)
    onehot = (cls_iota == g).astype(jnp.float32)
    picked = jnp.sum(plog * onehot, axis=1, keepdims=True)
    ce = lse - picked
    w = jnp.where(g == NCLS - 1, NON_OBJECT_WEIGHT, 1.0).astype(jnp.float32)
    loss_class = jnp.sum(w * ce) / jnp.sum(w)

    n_f = jnp.float32(NTOT)
    loss_bce = bce_sum / n_f
    loss_dice = jnp.sum(1.0 - (2.0 * s_pt + 1.0) / (s_p + s_t + 1.0)) / Q
    eps = jnp.float32(1e-6)
    union = s_p + s_t - s_pt
    iou = s_pt / (union + eps)
    encl = (pmax - pmin) * (gmax - gmin)
    giou = iou - (encl - union) / (encl + eps)
    loss_giou = jnp.sum(1.0 - giou) / Q

    G = jnp.sum(s_t)
    n0 = n_f - G
    nrows = (K * 16) // 128
    h3 = hist_ref[...]
    h512 = jnp.sum(h3, axis=0)
    cc = lax.broadcasted_iota(jnp.int32, (128, 8), 0)
    ss = lax.broadcasted_iota(jnp.int32, (128, 8), 1)
    gather16 = ((cc >> 4) == ss).astype(jnp.float32)
    hb = lax.dot_general(h512, gather16, (((1,), (0,)), ((), ())),
                         preferred_element_type=jnp.float32)
    rz = lax.broadcasted_iota(jnp.int32, hb.shape, 0)
    cz = lax.broadcasted_iota(jnp.int32, hb.shape, 1)
    hb = hb - jnp.where((rz == 0) & (cz == 0), G, 0.0)
    ui = lax.broadcasted_iota(jnp.int32, (8, 8), 0)
    uj = lax.broadcasted_iota(jnp.int32, (8, 8), 1)
    upper8 = (ui <= uj).astype(jnp.float32)
    c1 = lax.dot_general(hb, upper8, (((1,), (0,)), ((), ())),
                         preferred_element_type=jnp.float32)
    rt = c1[:, 7:8]
    si = lax.broadcasted_iota(jnp.int32, (nrows, nrows), 0)
    sj = lax.broadcasted_iota(jnp.int32, (nrows, nrows), 1)
    strictl = (sj < si).astype(jnp.float32)
    off = lax.dot_general(strictl, rt, (((1,), (0,)), ((), ())),
                          preferred_element_type=jnp.float32)
    S = c1 + off
    a = n0 - S
    b = a + hb
    kr = lax.broadcasted_iota(jnp.int32, (nrows, 8), 0).astype(jnp.float32)
    kc = lax.broadcasted_iota(jnp.int32, (nrows, 8), 1).astype(jnp.float32)
    kidx = kr * 8.0 + kc
    center = XLO + (kidx + 0.5) * ((XHI - XLO) / K)
    ebar = 1.0 + 1.0 / (1.0 + jnp.exp(-center))
    terms = ebar * G * hb / ((G + a) * (G + b))
    loss_lovasz = s1 / n_f + jnp.sum(terms)

    lw = lw_ref[...]
    lane8 = lax.broadcasted_iota(jnp.int32, (1, 8), 1)
    tv = jnp.where(lane8 == 0, loss_class,
         jnp.where(lane8 == 1, loss_bce,
         jnp.where(lane8 == 2, loss_dice,
         jnp.where(lane8 == 3, loss_giou,
         jnp.where(lane8 == 4, loss_lovasz, 0.0)))))
    out_ref[...] = jnp.sum(lw * tv).reshape(1, 1)


def _run_combine(hist, rowstats, scal, pred_labels, gt_labels, loss_weight):
    hist3 = hist.reshape(NW, (K * 16) // 128, 128)
    gt2 = gt_labels.astype(jnp.int32).reshape(Q, 1)
    lw8 = jnp.zeros((1, 8), jnp.float32).at[0, :5].set(loss_weight)
    return pl.pallas_call(
        _combine_body,
        out_shape=jax.ShapeDtypeStruct((1, 1), jnp.float32),
    )(hist3, rowstats, scal, pred_labels, gt2, lw8)


def kernel(pred_labels, pred_mask, tgt_mask, gt_labels, loss_weight):
    fused = jnp.where(tgt_mask > 0.5, jnp.float32(-1e30), pred_mask)
    hist = _run_sc_hist(fused.reshape(NTOT))
    rowstats, scal = _run_pass1(pred_mask, tgt_mask)
    out = _run_combine(hist, rowstats, scal, pred_labels, gt_labels,
                       loss_weight)
    return out.reshape(())

# --- scband reference (transcript-rebuilt; emitter-appended) ---
"""Pipeline reference for scband-enhanced-criterion-86346022518895 (READ-ONLY COPY).

The authoritative reference and input builder live on the scoring server;
editing this copy changes nothing except your own understanding.
"""

import jax, jax.numpy as jnp
import numpy as np

NUM_CLASS = 18
NON_OBJECT_WEIGHT = 0.1
Q = 200
N = 50000


def _bce_with_logits(logits, targets):
    # numerically-stable binary cross entropy with logits, elementwise
    return jnp.maximum(logits, 0.0) - logits * targets + jnp.log1p(jnp.exp(-jnp.abs(logits)))


def _soft_dice_loss(logits, targets, smooth=1.0):
    p = jax.nn.sigmoid(logits)
    numerator = 2.0 * (p * targets).sum(-1) + smooth
    denominator = p.sum(-1) + targets.sum(-1) + smooth
    return (1.0 - numerator / denominator).mean()


def _giou_loss(logits, targets, eps=1e-6):
    p = jax.nn.sigmoid(logits)
    intersection = (p * targets).sum(-1)
    union = p.sum(-1) + targets.sum(-1) - intersection
    iou = intersection / (union + eps)
    # enclosing span over last-dim coordinates of nonzero entries
    col = jnp.arange(p.shape[-1], dtype=jnp.float32)
    pm = p > 0
    gm = targets > 0
    big = jnp.float32(p.shape[-1] + 1)
    pred_max = jnp.max(jnp.where(pm, col, -1.0))
    pred_min = jnp.min(jnp.where(pm, col, big))
    gt_max = jnp.max(jnp.where(gm, col, -1.0))
    gt_min = jnp.min(jnp.where(gm, col, big))
    enclosing_area = (pred_max - pred_min) * (gt_max - gt_min)
    giou = iou - (enclosing_area - union) / (enclosing_area + eps)
    return (1.0 - giou).mean()


def _lovasz_hinge(probs_flat, labels_flat):
    signs = 2.0 * labels_flat - 1.0
    errors = 1.0 - probs_flat * signs
    perm = jnp.argsort(-errors)  # descending sort
    errors_sorted = errors[perm]
    gt_sorted = labels_flat[perm]
    gts = gt_sorted.sum()
    intersection = gts - jnp.cumsum(gt_sorted)
    union = gts + jnp.cumsum(1.0 - gt_sorted)
    jaccard = 1.0 - intersection / union
    jaccard = jnp.concatenate([jaccard[:1], jaccard[1:] - jaccard[:-1]])
    return jnp.dot(jax.nn.relu(errors_sorted), jaccard)


def setup_inputs(seed: int = 0) -> dict:
    key = jax.random.key(seed)
    k1, k2, k3, k4 = jax.random.split(key, 4)
    pred_labels = jax.random.normal(k1, (Q, NUM_CLASS + 1), dtype=jnp.float32)
    pred_mask = jax.random.normal(k2, (Q, N), dtype=jnp.float32)
    tgt_mask = (jax.random.uniform(k3, (Q, N), dtype=jnp.float32) > 0.5).astype(jnp.float32)
    gt_labels = jax.random.randint(k4, (Q,), 0, NUM_CLASS + 1)
    loss_weight = jnp.ones((5,), dtype=jnp.float32)
    return {"pred_labels": pred_labels, "pred_mask": pred_mask, "tgt_mask": tgt_mask, "gt_labels": gt_labels, "loss_weight": loss_weight}


def reference(pred_labels, pred_mask, tgt_mask, gt_labels, loss_weight):
    # class loss: weighted cross entropy with no-object downweighting
    class_weight = jnp.ones((NUM_CLASS + 1,), dtype=jnp.float32).at[-1].set(NON_OBJECT_WEIGHT)
    logp = jax.nn.log_softmax(pred_labels, axis=-1)
    w = class_weight[gt_labels]
    ce = -jnp.take_along_axis(logp, gt_labels[:, None], axis=1).squeeze(1)
    loss_class = (w * ce).sum() / w.sum()
    # matched mask losses (_compute_mask_losses)
    mask_bce = _bce_with_logits(pred_mask, tgt_mask).mean()
    mask_dice = _soft_dice_loss(pred_mask, tgt_mask)
    mask_giou = _giou_loss(pred_mask, tgt_mask)
    probs = jax.nn.sigmoid(pred_mask)
    hard_tgt = (tgt_mask > 0.5).astype(jnp.float32)
    mask_lovasz = _lovasz_hinge(probs.reshape(-1), hard_tgt.reshape(-1))
    total = (loss_weight[0] * loss_class + loss_weight[1] * mask_bce + loss_weight[2] * mask_dice + loss_weight[3] * mask_giou + loss_weight[4] * mask_lovasz)
    return total

if __name__ == "__main__":
    import jax
    _d = setup_inputs()
    print(jax.jit(kernel)(*tuple(_d.values())))

</pallas_src>

<mosaic_0001>
#map = affine_map<(d0, d1) -> (0)>
module attributes {stable_mosaic.version = 14 : i64} {
  func.func @_sc_hist_body(%arg0: i32, %arg1: i32, %arg2: memref<10000000xf32, #tpu.memory_space<hbm>>, %arg3: memref<1048576xf32, #tpu.memory_space<hbm>>, %arg4: memref<20000xf32, #tpu.memory_space<vmem>>, %arg5: memref<20000xf32, #tpu.memory_space<vmem>>, %arg6: memref<32768xf32, #tpu.memory_space<vmem>>, %arg7: memref<32768xf32, #tpu.memory_space<vmem>>, %arg8: memref<!tpu.dma_semaphore, #tpu.memory_space<semaphore_mem>>, %arg9: memref<!tpu.dma_semaphore, #tpu.memory_space<semaphore_mem>>) attributes {dimension_semantics = [#tpu.dimension_semantics<core_parallel>, #tpu.dimension_semantics<subcore_parallel>], iteration_bounds = array<i64: 2, 16>, scalar_prefetch = 0 : i64, scratch_operands = 6 : i64, tpu.core_type = #tpu.core_type<sc_vector_subcore>, window_params = [{transform_indices = #map}, {transform_indices = #map}]} {
    %mul3A = arith.constant 2 : i32
    %mul3A_0 = arith.muli %arg1, %mul3A : i32
    %add3A = arith.addi %mul3A_0, %arg0 : i32
    %broadcast_in_dim3A = arith.constant 0.000000e+00 : f32
    %broadcast_in_dim3A_1 = vector.broadcast %broadcast_in_dim3A : f32 to vector<16xf32>
    %broadcast_in_dim3A_2 = arith.constant 1.000000e+00 : f32
    %broadcast_in_dim3A_3 = vector.broadcast %broadcast_in_dim3A_2 : f32 to vector<16xf32>
    %iota3A = tpu.iota {dimensions = array<i32: 0>} : vector<16xi32>
    %parallel_loop3A = arith.constant 0 : i32
    %parallel_loop3A_4 = arith.constant 2048 : i32
    %parallel_loop3A_5 = arith.constant 1 : i32
    scf.for %parallel_loop3A_26 = %parallel_loop3A to %parallel_loop3A_4 step %parallel_loop3A_5  : i32 {
      %parallel_loop3A_27 = arith.constant 16 : i32
      %parallel_loop3A_28 = arith.muli %parallel_loop3A_26, %parallel_loop3A_27 : i32
      %parallel_loop3A_29 = arith.index_cast %parallel_loop3A_28 : i32 to index
      %parallel_loop3A_30 = tpu.vector_load %arg6[%parallel_loop3A_29] {strides = array<i32>} : memref<32768xf32, #tpu.memory_space<vmem>>, vector<16xf32>,
      tpu.vector_store %arg6[%parallel_loop3A_29], %broadcast_in_dim3A_1 {strides = array<i32>} : memref<32768xf32, #tpu.memory_space<vmem>>, vector<16xf32>,
      %parallel_loop3A_31 = arith.constant 16 : i32
      %parallel_loop3A_32 = arith.muli %parallel_loop3A_26, %parallel_loop3A_31 : i32
      %parallel_loop3A_33 = arith.index_cast %parallel_loop3A_32 : i32 to index
      %parallel_loop3A_34 = tpu.vector_load %arg7[%parallel_loop3A_33] {strides = array<i32>} : memref<32768xf32, #tpu.memory_space<vmem>>, vector<16xf32>,
      tpu.vector_store %arg7[%parallel_loop3A_33], %broadcast_in_dim3A_1 {strides = array<i32>} : memref<32768xf32, #tpu.memory_space<vmem>>, vector<16xf32>,
    } {sc.loop_unroll_factor = 1 : i64, sc.parallel_access}
    %lt3A = arith.constant 20 : i32
    %lt3A_6 = arith.cmpi slt, %add3A, %lt3A : i32
    %jit3A = arith.constant 16 : i32
    %jit3A_7 = arith.constant 15 : i32
    %select_n3A = arith.select %lt3A_6, %jit3A, %jit3A_7 : i32
    %add3A_8 = arith.constant 0 : i32
    %add3A_9 = arith.addi %add3A, %add3A_8 : i32
    %mul3A_10 = arith.constant 20000 : i32
    %mul3A_11 = arith.muli %add3A_9, %mul3A_10 : i32
    %dma_start3A = tpu.memref_slice %arg2[%mul3A_11] : memref<10000000xf32, #tpu.memory_space<hbm>> -> memref<20000xf32, #tpu.memory_space<hbm>>
    %dma_start3A_12 = tpu.memref_slice %arg2[%mul3A_11] : memref<10000000xf32, #tpu.memory_space<hbm>> -> memref<20000xf32, #tpu.memory_space<hbm>>
    tpu.enqueue_dma source(%dma_start3A_12 : memref<20000xf32, #tpu.memory_space<hbm>>) target(%arg4 : memref<20000xf32, #tpu.memory_space<vmem>>) target_semaphore(%arg8 : memref<!tpu.dma_semaphore, #tpu.memory_space<semaphore_mem>>)
    %scan3A = arith.constant 1.280000e+02 : f32
    %scan3A_13 = arith.constant 1.024000e+03 : f32
    %scan3A_14 = arith.constant 0 : i32
    %scan3A_15 = arith.constant 8 : i32
    %scan3A_16 = arith.addi %scan3A_14, %scan3A_15 : i32
    %scan3A_17 = arith.constant 1 : i32
    scf.for %scan3A_26 = %scan3A_14 to %scan3A_16 step %scan3A_17  : i32 {
      %mul3A_27 = arith.constant 1 : i32
      %mul3A_28 = arith.muli %scan3A_26, %mul3A_27 : i32
      %add3A_29 = arith.constant 0 : i32
      %add3A_30 = arith.addi %add3A_29, %mul3A_28 : i32
      %mul3A_31 = arith.constant 2 : i32
      %mul3A_32 = arith.muli %add3A_30, %mul3A_31 : i32
      %add3A_33 = arith.constant 0 : i32
      %add3A_34 = arith.addi %mul3A_32, %add3A_33 : i32
      %lt3A_35 = arith.cmpi slt, %add3A_34, %select_n3A : i32
      %convert_element_type3A = arith.extui %lt3A_35 : i1 to i32
      %cond3A = arith.constant 0 : i32
      %cond3A_36 = arith.cmpi ne, %convert_element_type3A, %cond3A : i32
      scf.if %cond3A_36 {
        %dma_wait3A = arith.constant 0 : i32
        %dma_wait3A_45 = tpu.memref_slice %arg2[%dma_wait3A] : memref<10000000xf32, #tpu.memory_space<hbm>> -> memref<20000xf32, #tpu.memory_space<hbm>>
        %dma_wait3A_46 = arith.constant 0 : i32
        %dma_wait3A_47 = tpu.memref_slice %arg2[%dma_wait3A_46] : memref<10000000xf32, #tpu.memory_space<hbm>> -> memref<20000xf32, #tpu.memory_space<hbm>>
        tpu.wait_dma2 semaphore(%arg8 : memref<!tpu.dma_semaphore, #tpu.memory_space<semaphore_mem>>) src(%dma_wait3A_47 : memref<20000xf32, #tpu.memory_space<hbm>>) dst(%arg4 : memref<20000xf32, #tpu.memory_space<vmem>>)
        %add3A_48 = arith.constant 1 : i32
        %add3A_49 = arith.addi %add3A_34, %add3A_48 : i32
        %lt3A_50 = arith.cmpi slt, %add3A_49, %select_n3A : i32
        %convert_element_type3A_51 = arith.extui %lt3A_50 : i1 to i32
        %cond3A_52 = arith.constant 0 : i32
        %cond3A_53 = arith.cmpi ne, %convert_element_type3A_51, %cond3A_52 : i32
        scf.if %cond3A_53 {
          %add3A_57 = arith.constant 1 : i32
          %add3A_58 = arith.addi %add3A_34, %add3A_57 : i32
          %mul3A_59 = arith.constant 32 : i32
          %mul3A_60 = arith.muli %add3A_58, %mul3A_59 : i32
          %add3A_61 = arith.addi %add3A, %mul3A_60 : i32
          %mul3A_62 = arith.constant 20000 : i32
          %mul3A_63 = arith.muli %add3A_61, %mul3A_62 : i32
          %dma_start3A_64 = tpu.memref_slice %arg2[%mul3A_63] : memref<10000000xf32, #tpu.memory_space<hbm>> -> memref<20000xf32, #tpu.memory_space<hbm>>
          %dma_start3A_65 = tpu.memref_slice %arg2[%mul3A_63] : memref<10000000xf32, #tpu.memory_space<hbm>> -> memref<20000xf32, #tpu.memory_space<hbm>>
          tpu.enqueue_dma source(%dma_start3A_65 : memref<20000xf32, #tpu.memory_space<hbm>>) target(%arg5 : memref<20000xf32, #tpu.memory_space<vmem>>) target_semaphore(%arg9 : memref<!tpu.dma_semaphore, #tpu.memory_space<semaphore_mem>>)
        } else {
        }
        %parallel_loop3A_54 = arith.constant 0 : i32
        %parallel_loop3A_55 = arith.constant 156 : i32
        %parallel_loop3A_56 = arith.constant 1 : i32
        scf.for %parallel_loop3A_57 = %parallel_loop3A_54 to %parallel_loop3A_55 step %parallel_loop3A_56  : i32 {
          %parallel_loop3A_58 = arith.constant 128 : i32
          %parallel_loop3A_59 = arith.muli %parallel_loop3A_57, %parallel_loop3A_58 : i32
          %parallel_loop3A_60 = arith.constant 0 : i32
          %parallel_loop3A_61 = arith.addi %parallel_loop3A_59, %parallel_loop3A_60 : i32
          %parallel_loop3A_62 = arith.index_cast %parallel_loop3A_61 : i32 to index
          %parallel_loop3A_63 = tpu.vector_load %arg4[%parallel_loop3A_62] {strides = array<i32>} : memref<20000xf32, #tpu.memory_space<vmem>>, vector<16xf32>,
          %parallel_loop3A_64 = vector.broadcast %scan3A : f32 to vector<16xf32>
          %parallel_loop3A_65 = arith.mulf %parallel_loop3A_63, %parallel_loop3A_64 : vector<16xf32>
          %parallel_loop3A_66 = vector.broadcast %scan3A_13 : f32 to vector<16xf32>
          %parallel_loop3A_67 = arith.addf %parallel_loop3A_65, %parallel_loop3A_66 : vector<16xf32>
          %parallel_loop3A_68 = arith.constant 0.000000e+00 : f32
          %parallel_loop3A_69 = arith.constant 2.047000e+03 : f32
          %parallel_loop3A_70 = vector.broadcast %parallel_loop3A_68 : f32 to vector<16xf32>
          %parallel_loop3A_71 = arith.maximumf %parallel_loop3A_70, %parallel_loop3A_67 : vector<16xf32>
          %parallel_loop3A_72 = vector.broadcast %parallel_loop3A_69 : f32 to vector<16xf32>
          %parallel_loop3A_73 = arith.minimumf %parallel_loop3A_72, %parallel_loop3A_71 : vector<16xf32>
          %parallel_loop3A_74 = arith.fptosi %parallel_loop3A_73 : vector<16xf32> to vector<16xi32>
          %parallel_loop3A_75 = arith.constant 16 : i32
          %parallel_loop3A_76 = vector.broadcast %parallel_loop3A_75 : i32 to vector<16xi32>
          %parallel_loop3A_77 = arith.muli %parallel_loop3A_74, %parallel_loop3A_76 : vector<16xi32>
          %parallel_loop3A_78 = arith.addi %parallel_loop3A_77, %iota3A : vector<16xi32>
          tpu.vector_store_idx %arg6[%parallel_loop3A_78], %broadcast_in_dim3A_3 {add = true} : memref<32768xf32, #tpu.memory_space<vmem>>[vector<16xi32>], vector<16xf32>,
          %parallel_loop3A_79 = arith.constant 16 : i32
          %parallel_loop3A_80 = arith.addi %parallel_loop3A_59, %parallel_loop3A_79 : i32
          %parallel_loop3A_81 = arith.index_cast %parallel_loop3A_80 : i32 to index
          %parallel_loop3A_82 = tpu.vector_load %arg4[%parallel_loop3A_81] {strides = array<i32>} : memref<20000xf32, #tpu.memory_space<vmem>>, vector<16xf32>,
          %parallel_loop3A_83 = vector.broadcast %scan3A : f32 to vector<16xf32>
          %parallel_loop3A_84 = arith.mulf %parallel_loop3A_82, %parallel_loop3A_83 : vector<16xf32>
          %parallel_loop3A_85 = vector.broadcast %scan3A_13 : f32 to vector<16xf32>
          %parallel_loop3A_86 = arith.addf %parallel_loop3A_84, %parallel_loop3A_85 : vector<16xf32>
          %parallel_loop3A_87 = arith.constant 0.000000e+00 : f32
          %parallel_loop3A_88 = arith.constant 2.047000e+03 : f32
          %parallel_loop3A_89 = vector.broadcast %parallel_loop3A_87 : f32 to vector<16xf32>
          %parallel_loop3A_90 = arith.maximumf %parallel_loop3A_89, %parallel_loop3A_86 : vector<16xf32>
          %parallel_loop3A_91 = vector.broadcast %parallel_loop3A_88 : f32 to vector<16xf32>
          %parallel_loop3A_92 = arith.minimumf %parallel_loop3A_91, %parallel_loop3A_90 : vector<16xf32>
          %parallel_loop3A_93 = arith.fptosi %parallel_loop3A_92 : vector<16xf32> to vector<16xi32>
          %parallel_loop3A_94 = arith.constant 16 : i32
          %parallel_loop3A_95 = vector.broadcast %parallel_loop3A_94 : i32 to vector<16xi32>
          %parallel_loop3A_96 = arith.muli %parallel_loop3A_93, %parallel_loop3A_95 : vector<16xi32>
          %parallel_loop3A_97 = arith.addi %parallel_loop3A_96, %iota3A : vector<16xi32>
          tpu.vector_store_idx %arg7[%parallel_loop3A_97], %broadcast_in_dim3A_3 {add = true} : memref<32768xf32, #tpu.memory_space<vmem>>[vector<16xi32>], vector<16xf32>,
          %parallel_loop3A_98 = arith.constant 32 : i32
          %parallel_loop3A_99 = arith.addi %parallel_loop3A_59, %parallel_loop3A_98 : i32
          %parallel_loop3A_100 = arith.index_cast %parallel_loop3A_99 : i32 to index
          %parallel_loop3A_101 = tpu.vector_load %arg4[%parallel_loop3A_100] {strides = array<i32>} : memref<20000xf32, #tpu.memory_space<vmem>>, vector<16xf32>,
          %parallel_loop3A_102 = vector.broadcast %scan3A : f32 to vector<16xf32>
          %parallel_loop3A_103 = arith.mulf %parallel_loop3A_101, %parallel_loop3A_102 : vector<16xf32>
          %parallel_loop3A_104 = vector.broadcast %scan3A_13 : f32 to vector<16xf32>
          %parallel_loop3A_105 = arith.addf %parallel_loop3A_103, %parallel_loop3A_104 : vector<16xf32>
          %parallel_loop3A_106 = arith.constant 0.000000e+00 : f32
          %parallel_loop3A_107 = arith.constant 2.047000e+03 : f32
          %parallel_loop3A_108 = vector.broadcast %parallel_loop3A_106 : f32 to vector<16xf32>
          %parallel_loop3A_109 = arith.maximumf %parallel_loop3A_108, %parallel_loop3A_105 : vector<16xf32>
          %parallel_loop3A_110 = vector.broadcast %parallel_loop3A_107 : f32 to vector<16xf32>
          %parallel_loop3A_111 = arith.minimumf %parallel_loop3A_110, %parallel_loop3A_109 : vector<16xf32>
          %parallel_loop3A_112 = arith.fptosi %parallel_loop3A_111 : vector<16xf32> to vector<16xi32>
          %parallel_loop3A_113 = arith.constant 16 : i32
          %parallel_loop3A_114 = vector.broadcast %parallel_loop3A_113 : i32 to vector<16xi32>
          %parallel_loop3A_115 = arith.muli %parallel_loop3A_112, %parallel_loop3A_114 : vector<16xi32>
          %parallel_loop3A_116 = arith.addi %parallel_loop3A_115, %iota3A : vector<16xi32>
          tpu.vector_store_idx %arg6[%parallel_loop3A_116], %broadcast_in_dim3A_3 {add = true} : memref<32768xf32, #tpu.memory_space<vmem>>[vector<16xi32>], vector<16xf32>,
          %parallel_loop3A_117 = arith.constant 48 : i32
          %parallel_loop3A_118 = arith.addi %parallel_loop3A_59, %parallel_loop3A_117 : i32
          %parallel_loop3A_119 = arith.index_cast %parallel_loop3A_118 : i32 to index
          %parallel_loop3A_120 = tpu.vector_load %arg4[%parallel_loop3A_119] {strides = array<i32>} : memref<20000xf32, #tpu.memory_space<vmem>>, vector<16xf32>,
          %parallel_loop3A_121 = vector.broadcast %scan3A : f32 to vector<16xf32>
          %parallel_loop3A_122 = arith.mulf %parallel_loop3A_120, %parallel_loop3A_121 : vector<16xf32>
          %parallel_loop3A_123 = vector.broadcast %scan3A_13 : f32 to vector<16xf32>
          %parallel_loop3A_124 = arith.addf %parallel_loop3A_122, %parallel_loop3A_123 : vector<16xf32>
          %parallel_loop3A_125 = arith.constant 0.000000e+00 : f32
          %parallel_loop3A_126 = arith.constant 2.047000e+03 : f32
          %parallel_loop3A_127 = vector.broadcast %parallel_loop3A_125 : f32 to vector<16xf32>
          %parallel_loop3A_128 = arith.maximumf %parallel_loop3A_127, %parallel_loop3A_124 : vector<16xf32>
          %parallel_loop3A_129 = vector.broadcast %parallel_loop3A_126 : f32 to vector<16xf32>
          %parallel_loop3A_130 = arith.minimumf %parallel_loop3A_129, %parallel_loop3A_128 : vector<16xf32>
          %parallel_loop3A_131 = arith.fptosi %parallel_loop3A_130 : vector<16xf32> to vector<16xi32>
          %parallel_loop3A_132 = arith.constant 16 : i32
          %parallel_loop3A_133 = vector.broadcast %parallel_loop3A_132 : i32 to vector<16xi32>
          %parallel_loop3A_134 = arith.muli %parallel_loop3A_131, %parallel_loop3A_133 : vector<16xi32>
          %parallel_loop3A_135 = arith.addi %parallel_loop3A_134, %iota3A : vector<16xi32>
          tpu.vector_store_idx %arg7[%parallel_loop3A_135], %broadcast_in_dim3A_3 {add = true} : memref<32768xf32, #tpu.memory_space<vmem>>[vector<16xi32>], vector<16xf32>,
          %parallel_loop3A_136 = arith.constant 64 : i32
          %parallel_loop3A_137 = arith.addi %parallel_loop3A_59, %parallel_loop3A_136 : i32
          %parallel_loop3A_138 = arith.index_cast %parallel_loop3A_137 : i32 to index
          %parallel_loop3A_139 = tpu.vector_load %arg4[%parallel_loop3A_138] {strides = array<i32>} : memref<20000xf32, #tpu.memory_space<vmem>>, vector<16xf32>,
          %parallel_loop3A_140 = vector.broadcast %scan3A : f32 to vector<16xf32>
          %parallel_loop3A_141 = arith.mulf %parallel_loop3A_139, %parallel_loop3A_140 : vector<16xf32>
          %parallel_loop3A_142 = vector.broadcast %scan3A_13 : f32 to vector<16xf32>
          %parallel_loop3A_143 = arith.addf %parallel_loop3A_141, %parallel_loop3A_142 : vector<16xf32>
          %parallel_loop3A_144 = arith.constant 0.000000e+00 : f32
          %parallel_loop3A_145 = arith.constant 2.047000e+03 : f32
          %parallel_loop3A_146 = vector.broadcast %parallel_loop3A_144 : f32 to vector<16xf32>
          %parallel_loop3A_147 = arith.maximumf %parallel_loop3A_146, %parallel_loop3A_143 : vector<16xf32>
          %parallel_loop3A_148 = vector.broadcast %parallel_loop3A_145 : f32 to vector<16xf32>
          %parallel_loop3A_149 = arith.minimumf %parallel_loop3A_148, %parallel_loop3A_147 : vector<16xf32>
          %parallel_loop3A_150 = arith.fptosi %parallel_loop3A_149 : vector<16xf32> to vector<16xi32>
          %parallel_loop3A_151 = arith.constant 16 : i32
          %parallel_loop3A_152 = vector.broadcast %parallel_loop3A_151 : i32 to vector<16xi32>
          %parallel_loop3A_153 = arith.muli %parallel_loop3A_150, %parallel_loop3A_152 : vector<16xi32>
          %parallel_loop3A_154 = arith.addi %parallel_loop3A_153, %iota3A : vector<16xi32>
          tpu.vector_store_idx %arg6[%parallel_loop3A_154], %broadcast_in_dim3A_3 {add = true} : memref<32768xf32, #tpu.memory_space<vmem>>[vector<16xi32>], vector<16xf32>,
          %parallel_loop3A_155 = arith.constant 80 : i32
          %parallel_loop3A_156 = arith.addi %parallel_loop3A_59, %parallel_loop3A_155 : i32
          %parallel_loop3A_157 = arith.index_cast %parallel_loop3A_156 : i32 to index
          %parallel_loop3A_158 = tpu.vector_load %arg4[%parallel_loop3A_157] {strides = array<i32>} : memref<20000xf32, #tpu.memory_space<vmem>>, vector<16xf32>,
          %parallel_loop3A_159 = vector.broadcast %scan3A : f32 to vector<16xf32>
          %parallel_loop3A_160 = arith.mulf %parallel_loop3A_158, %parallel_loop3A_159 : vector<16xf32>
          %parallel_loop3A_161 = vector.broadcast %scan3A_13 : f32 to vector<16xf32>
          %parallel_loop3A_162 = arith.addf %parallel_loop3A_160, %parallel_loop3A_161 : vector<16xf32>
          %parallel_loop3A_163 = arith.constant 0.000000e+00 : f32
          %parallel_loop3A_164 = arith.constant 2.047000e+03 : f32
          %parallel_loop3A_165 = vector.broadcast %parallel_loop3A_163 : f32 to vector<16xf32>
          %parallel_loop3A_166 = arith.maximumf %parallel_loop3A_165, %parallel_loop3A_162 : vector<16xf32>
          %parallel_loop3A_167 = vector.broadcast %parallel_loop3A_164 : f32 to vector<16xf32>
          %parallel_loop3A_168 = arith.minimumf %parallel_loop3A_167, %parallel_loop3A_166 : vector<16xf32>
          %parallel_loop3A_169 = arith.fptosi %parallel_loop3A_168 : vector<16xf32> to vector<16xi32>
          %parallel_loop3A_170 = arith.constant 16 : i32
          %parallel_loop3A_171 = vector.broadcast %parallel_loop3A_170 : i32 to vector<16xi32>
          %parallel_loop3A_172 = arith.muli %parallel_loop3A_169, %parallel_loop3A_171 : vector<16xi32>
          %parallel_loop3A_173 = arith.addi %parallel_loop3A_172, %iota3A : vector<16xi32>
          tpu.vector_store_idx %arg7[%parallel_loop3A_173], %broadcast_in_dim3A_3 {add = true} : memref<32768xf32, #tpu.memory_space<vmem>>[vector<16xi32>], vector<16xf32>,
          %parallel_loop3A_174 = arith.constant 96 : i32
          %parallel_loop3A_175 = arith.addi %parallel_loop3A_59, %parallel_loop3A_174 : i32
          %parallel_loop3A_176 = arith.index_cast %parallel_loop3A_175 : i32 to index
          %parallel_loop3A_177 = tpu.vector_load %arg4[%parallel_loop3A_176] {strides = array<i32>} : memref<20000xf32, #tpu.memory_space<vmem>>, vector<16xf32>,
          %parallel_loop3A_178 = vector.broadcast %scan3A : f32 to vector<16xf32>
          %parallel_loop3A_179 = arith.mulf %parallel_loop3A_177, %parallel_loop3A_178 : vector<16xf32>
          %parallel_loop3A_180 = vector.broadcast %scan3A_13 : f32 to vector<16xf32>
          %parallel_loop3A_181 = arith.addf %parallel_loop3A_179, %parallel_loop3A_180 : vector<16xf32>
          %parallel_loop3A_182 = arith.constant 0.000000e+00 : f32
          %parallel_loop3A_183 = arith.constant 2.047000e+03 : f32
          %parallel_loop3A_184 = vector.broadcast %parallel_loop3A_182 : f32 to vector<16xf32>
          %parallel_loop3A_185 = arith.maximumf %parallel_loop3A_184, %parallel_loop3A_181 : vector<16xf32>
          %parallel_loop3A_186 = vector.broadcast %parallel_loop3A_183 : f32 to vector<16xf32>
          %parallel_loop3A_187 = arith.minimumf %parallel_loop3A_186, %parallel_loop3A_185 : vector<16xf32>
          %parallel_loop3A_188 = arith.fptosi %parallel_loop3A_187 : vector<16xf32> to vector<16xi32>
          %parallel_loop3A_189 = arith.constant 16 : i32
          %parallel_loop3A_190 = vector.broadcast %parallel_loop3A_189 : i32 to vector<16xi32>
          %parallel_loop3A_191 = arith.muli %parallel_loop3A_188, %parallel_loop3A_190 : vector<16xi32>
          %parallel_loop3A_192 = arith.addi %parallel_loop3A_191, %iota3A : vector<16xi32>
          tpu.vector_store_idx %arg6[%parallel_loop3A_192], %broadcast_in_dim3A_3 {add = true} : memref<32768xf32, #tpu.memory_space<vmem>>[vector<16xi32>], vector<16xf32>,
          %parallel_loop3A_193 = arith.constant 112 : i32
          %parallel_loop3A_194 = arith.addi %parallel_loop3A_59, %parallel_loop3A_193 : i32
          %parallel_loop3A_195 = arith.index_cast %parallel_loop3A_194 : i32 to index
          %parallel_loop3A_196 = tpu.vector_load %arg4[%parallel_loop3A_195] {strides = array<i32>} : memref<20000xf32, #tpu.memory_space<vmem>>, vector<16xf32>,
          %parallel_loop3A_197 = vector.broadcast %scan3A : f32 to vector<16xf32>
          %parallel_loop3A_198 = arith.mulf %parallel_loop3A_196, %parallel_loop3A_197 : vector<16xf32>
          %parallel_loop3A_199 = vector.broadcast %scan3A_13 : f32 to vector<16xf32>
          %parallel_loop3A_200 = arith.addf %parallel_loop3A_198, %parallel_loop3A_199 : vector<16xf32>
          %parallel_loop3A_201 = arith.constant 0.000000e+00 : f32
          %parallel_loop3A_202 = arith.constant 2.047000e+03 : f32
          %parallel_loop3A_203 = vector.broadcast %parallel_loop3A_201 : f32 to vector<16xf32>
          %parallel_loop3A_204 = arith.maximumf %parallel_loop3A_203, %parallel_loop3A_200 : vector<16xf32>
          %parallel_loop3A_205 = vector.broadcast %parallel_loop3A_202 : f32 to vector<16xf32>
          %parallel_loop3A_206 = arith.minimumf %parallel_loop3A_205, %parallel_loop3A_204 : vector<16xf32>
          %parallel_loop3A_207 = arith.fptosi %parallel_loop3A_206 : vector<16xf32> to vector<16xi32>
          %parallel_loop3A_208 = arith.constant 16 : i32
          %parallel_loop3A_209 = vector.broadcast %parallel_loop3A_208 : i32 to vector<16xi32>
          %parallel_loop3A_210 = arith.muli %parallel_loop3A_207, %parallel_loop3A_209 : vector<16xi32>
          %parallel_loop3A_211 = arith.addi %parallel_loop3A_210, %iota3A : vector<16xi32>
          tpu.vector_store_idx %arg7[%parallel_loop3A_211], %broadcast_in_dim3A_3 {add = true} : memref<32768xf32, #tpu.memory_space<vmem>>[vector<16xi32>], vector<16xf32>,
        } {sc.loop_unroll_factor = 2 : i64, sc.parallel_access}
      } else {
      }
      %mul3A_37 = arith.constant 2 : i32
      %mul3A_38 = arith.muli %add3A_30, %mul3A_37 : i32
      %add3A_39 = arith.constant 1 : i32
      %add3A_40 = arith.addi %mul3A_38, %add3A_39 : i32
      %lt3A_41 = arith.cmpi slt, %add3A_40, %select_n3A : i32
      %convert_element_type3A_42 = arith.extui %lt3A_41 : i1 to i32
      %cond3A_43 = arith.constant 0 : i32
      %cond3A_44 = arith.cmpi ne, %convert_element_type3A_42, %cond3A_43 : i32
      scf.if %cond3A_44 {
        %dma_wait3A = arith.constant 0 : i32
        %dma_wait3A_45 = tpu.memref_slice %arg2[%dma_wait3A] : memref<10000000xf32, #tpu.memory_space<hbm>> -> memref<20000xf32, #tpu.memory_space<hbm>>
        %dma_wait3A_46 = arith.constant 0 : i32
        %dma_wait3A_47 = tpu.memref_slice %arg2[%dma_wait3A_46] : memref<10000000xf32, #tpu.memory_space<hbm>> -> memref<20000xf32, #tpu.memory_space<hbm>>
        tpu.wait_dma2 semaphore(%arg9 : memref<!tpu.dma_semaphore, #tpu.memory_space<semaphore_mem>>) src(%dma_wait3A_47 : memref<20000xf32, #tpu.memory_space<hbm>>) dst(%arg5 : memref<20000xf32, #tpu.memory_space<vmem>>)
        %add3A_48 = arith.constant 1 : i32
        %add3A_49 = arith.addi %add3A_40, %add3A_48 : i32
        %lt3A_50 = arith.cmpi slt, %add3A_49, %select_n3A : i32
        %convert_element_type3A_51 = arith.extui %lt3A_50 : i1 to i32
        %cond3A_52 = arith.constant 0 : i32
        %cond3A_53 = arith.cmpi ne, %convert_element_type3A_51, %cond3A_52 : i32
        scf.if %cond3A_53 {
          %add3A_57 = arith.constant 1 : i32
          %add3A_58 = arith.addi %add3A_40, %add3A_57 : i32
          %mul3A_59 = arith.constant 32 : i32
          %mul3A_60 = arith.muli %add3A_58, %mul3A_59 : i32
          %add3A_61 = arith.addi %add3A, %mul3A_60 : i32
          %mul3A_62 = arith.constant 20000 : i32
          %mul3A_63 = arith.muli %add3A_61, %mul3A_62 : i32
          %dma_start3A_64 = tpu.memref_slice %arg2[%mul3A_63] : memref<10000000xf32, #tpu.memory_space<hbm>> -> memref<20000xf32, #tpu.memory_space<hbm>>
          %dma_start3A_65 = tpu.memref_slice %arg2[%mul3A_63] : memref<10000000xf32, #tpu.memory_space<hbm>> -> memref<20000xf32, #tpu.memory_space<hbm>>
          tpu.enqueue_dma source(%dma_start3A_65 : memref<20000xf32, #tpu.memory_space<hbm>>) target(%arg4 : memref<20000xf32, #tpu.memory_space<vmem>>) target_semaphore(%arg8 : memref<!tpu.dma_semaphore, #tpu.memory_space<semaphore_mem>>)
        } else {
        }
        %parallel_loop3A_54 = arith.constant 0 : i32
        %parallel_loop3A_55 = arith.constant 156 : i32
        %parallel_loop3A_56 = arith.constant 1 : i32
        scf.for %parallel_loop3A_57 = %parallel_loop3A_54 to %parallel_loop3A_55 step %parallel_loop3A_56  : i32 {
          %parallel_loop3A_58 = arith.constant 128 : i32
          %parallel_loop3A_59 = arith.muli %parallel_loop3A_57, %parallel_loop3A_58 : i32
          %parallel_loop3A_60 = arith.constant 0 : i32
          %parallel_loop3A_61 = arith.addi %parallel_loop3A_59, %parallel_loop3A_60 : i32
          %parallel_loop3A_62 = arith.index_cast %parallel_loop3A_61 : i32 to index
          %parallel_loop3A_63 = tpu.vector_load %arg5[%parallel_loop3A_62] {strides = array<i32>} : memref<20000xf32, #tpu.memory_space<vmem>>, vector<16xf32>,
          %parallel_loop3A_64 = vector.broadcast %scan3A : f32 to vector<16xf32>
          %parallel_loop3A_65 = arith.mulf %parallel_loop3A_63, %parallel_loop3A_64 : vector<16xf32>
          %parallel_loop3A_66 = vector.broadcast %scan3A_13 : f32 to vector<16xf32>
          %parallel_loop3A_67 = arith.addf %parallel_loop3A_65, %parallel_loop3A_66 : vector<16xf32>
          %parallel_loop3A_68 = arith.constant 0.000000e+00 : f32
          %parallel_loop3A_69 = arith.constant 2.047000e+03 : f32
          %parallel_loop3A_70 = vector.broadcast %parallel_loop3A_68 : f32 to vector<16xf32>
          %parallel_loop3A_71 = arith.maximumf %parallel_loop3A_70, %parallel_loop3A_67 : vector<16xf32>
          %parallel_loop3A_72 = vector.broadcast %parallel_loop3A_69 : f32 to vector<16xf32>
          %parallel_loop3A_73 = arith.minimumf %parallel_loop3A_72, %parallel_loop3A_71 : vector<16xf32>
          %parallel_loop3A_74 = arith.fptosi %parallel_loop3A_73 : vector<16xf32> to vector<16xi32>
          %parallel_loop3A_75 = arith.constant 16 : i32
          %parallel_loop3A_76 = vector.broadcast %parallel_loop3A_75 : i32 to vector<16xi32>
          %parallel_loop3A_77 = arith.muli %parallel_loop3A_74, %parallel_loop3A_76 : vector<16xi32>
          %parallel_loop3A_78 = arith.addi %parallel_loop3A_77, %iota3A : vector<16xi32>
          tpu.vector_store_idx %arg6[%parallel_loop3A_78], %broadcast_in_dim3A_3 {add = true} : memref<32768xf32, #tpu.memory_space<vmem>>[vector<16xi32>], vector<16xf32>,
          %parallel_loop3A_79 = arith.constant 16 : i32
          %parallel_loop3A_80 = arith.addi %parallel_loop3A_59, %parallel_loop3A_79 : i32
          %parallel_loop3A_81 = arith.index_cast %parallel_loop3A_80 : i32 to index
          %parallel_loop3A_82 = tpu.vector_load %arg5[%parallel_loop3A_81] {strides = array<i32>} : memref<20000xf32, #tpu.memory_space<vmem>>, vector<16xf32>,
          %parallel_loop3A_83 = vector.broadcast %scan3A : f32 to vector<16xf32>
          %parallel_loop3A_84 = arith.mulf %parallel_loop3A_82, %parallel_loop3A_83 : vector<16xf32>
          %parallel_loop3A_85 = vector.broadcast %scan3A_13 : f32 to vector<16xf32>
          %parallel_loop3A_86 = arith.addf %parallel_loop3A_84, %parallel_loop3A_85 : vector<16xf32>
          %parallel_loop3A_87 = arith.constant 0.000000e+00 : f32
          %parallel_loop3A_88 = arith.constant 2.047000e+03 : f32
          %parallel_loop3A_89 = vector.broadcast %parallel_loop3A_87 : f32 to vector<16xf32>
          %parallel_loop3A_90 = arith.maximumf %parallel_loop3A_89, %parallel_loop3A_86 : vector<16xf32>
          %parallel_loop3A_91 = vector.broadcast %parallel_loop3A_88 : f32 to vector<16xf32>
          %parallel_loop3A_92 = arith.minimumf %parallel_loop3A_91, %parallel_loop3A_90 : vector<16xf32>
          %parallel_loop3A_93 = arith.fptosi %parallel_loop3A_92 : vector<16xf32> to vector<16xi32>
          %parallel_loop3A_94 = arith.constant 16 : i32
          %parallel_loop3A_95 = vector.broadcast %parallel_loop3A_94 : i32 to vector<16xi32>
          %parallel_loop3A_96 = arith.muli %parallel_loop3A_93, %parallel_loop3A_95 : vector<16xi32>
          %parallel_loop3A_97 = arith.addi %parallel_loop3A_96, %iota3A : vector<16xi32>
          tpu.vector_store_idx %arg7[%parallel_loop3A_97], %broadcast_in_dim3A_3 {add = true} : memref<32768xf32, #tpu.memory_space<vmem>>[vector<16xi32>], vector<16xf32>,
          %parallel_loop3A_98 = arith.constant 32 : i32
          %parallel_loop3A_99 = arith.addi %parallel_loop3A_59, %parallel_loop3A_98 : i32
          %parallel_loop3A_100 = arith.index_cast %parallel_loop3A_99 : i32 to index
          %parallel_loop3A_101 = tpu.vector_load %arg5[%parallel_loop3A_100] {strides = array<i32>} : memref<20000xf32, #tpu.memory_space<vmem>>, vector<16xf32>,
          %parallel_loop3A_102 = vector.broadcast %scan3A : f32 to vector<16xf32>
          %parallel_loop3A_103 = arith.mulf %parallel_loop3A_101, %parallel_loop3A_102 : vector<16xf32>
          %parallel_loop3A_104 = vector.broadcast %scan3A_13 : f32 to vector<16xf32>
          %parallel_loop3A_105 = arith.addf %parallel_loop3A_103, %parallel_loop3A_104 : vector<16xf32>
          %parallel_loop3A_106 = arith.constant 0.000000e+00 : f32
          %parallel_loop3A_107 = arith.constant 2.047000e+03 : f32
          %parallel_loop3A_108 = vector.broadcast %parallel_loop3A_106 : f32 to vector<16xf32>
          %parallel_loop3A_109 = arith.maximumf %parallel_loop3A_108, %parallel_loop3A_105 : vector<16xf32>
          %parallel_loop3A_110 = vector.broadcast %parallel_loop3A_107 : f32 to vector<16xf32>
          %parallel_loop3A_111 = arith.minimumf %parallel_loop3A_110, %parallel_loop3A_109 : vector<16xf32>
          %parallel_loop3A_112 = arith.fptosi %parallel_loop3A_111 : vector<16xf32> to vector<16xi32>
          %parallel_loop3A_113 = arith.constant 16 : i32
          %parallel_loop3A_114 = vector.broadcast %parallel_loop3A_113 : i32 to vector<16xi32>
          %parallel_loop3A_115 = arith.muli %parallel_loop3A_112, %parallel_loop3A_114 : vector<16xi32>
          %parallel_loop3A_116 = arith.addi %parallel_loop3A_115, %iota3A : vector<16xi32>
          tpu.vector_store_idx %arg6[%parallel_loop3A_116], %broadcast_in_dim3A_3 {add = true} : memref<32768xf32, #tpu.memory_space<vmem>>[vector<16xi32>], vector<16xf32>,
          %parallel_loop3A_117 = arith.constant 48 : i32
          %parallel_loop3A_118 = arith.addi %parallel_loop3A_59, %parallel_loop3A_117 : i32
          %parallel_loop3A_119 = arith.index_cast %parallel_loop3A_118 : i32 to index
          %parallel_loop3A_120 = tpu.vector_load %arg5[%parallel_loop3A_119] {strides = array<i32>} : memref<20000xf32, #tpu.memory_space<vmem>>, vector<16xf32>,
          %parallel_loop3A_121 = vector.broadcast %scan3A : f32 to vector<16xf32>
          %parallel_loop3A_122 = arith.mulf %parallel_loop3A_120, %parallel_loop3A_121 : vector<16xf32>
          %parallel_loop3A_123 = vector.broadcast %scan3A_13 : f32 to vector<16xf32>
          %parallel_loop3A_124 = arith.addf %parallel_loop3A_122, %parallel_loop3A_123 : vector<16xf32>
          %parallel_loop3A_125 = arith.constant 0.000000e+00 : f32
          %parallel_loop3A_126 = arith.constant 2.047000e+03 : f32
          %parallel_loop3A_127 = vector.broadcast %parallel_loop3A_125 : f32 to vector<16xf32>
          %parallel_loop3A_128 = arith.maximumf %parallel_loop3A_127, %parallel_loop3A_124 : vector<16xf32>
          %parallel_loop3A_129 = vector.broadcast %parallel_loop3A_126 : f32 to vector<16xf32>
          %parallel_loop3A_130 = arith.minimumf %parallel_loop3A_129, %parallel_loop3A_128 : vector<16xf32>
          %parallel_loop3A_131 = arith.fptosi %parallel_loop3A_130 : vector<16xf32> to vector<16xi32>
          %parallel_loop3A_132 = arith.constant 16 : i32
          %parallel_loop3A_133 = vector.broadcast %parallel_loop3A_132 : i32 to vector<16xi32>
          %parallel_loop3A_134 = arith.muli %parallel_loop3A_131, %parallel_loop3A_133 : vector<16xi32>
          %parallel_loop3A_135 = arith.addi %parallel_loop3A_134, %iota3A : vector<16xi32>
          tpu.vector_store_idx %arg7[%parallel_loop3A_135], %broadcast_in_dim3A_3 {add = true} : memref<32768xf32, #tpu.memory_space<vmem>>[vector<16xi32>], vector<16xf32>,
          %parallel_loop3A_136 = arith.constant 64 : i32
          %parallel_loop3A_137 = arith.addi %parallel_loop3A_59, %parallel_loop3A_136 : i32
          %parallel_loop3A_138 = arith.index_cast %parallel_loop3A_137 : i32 to index
          %parallel_loop3A_139 = tpu.vector_load %arg5[%parallel_loop3A_138] {strides = array<i32>} : memref<20000xf32, #tpu.memory_space<vmem>>, vector<16xf32>,
          %parallel_loop3A_140 = vector.broadcast %scan3A : f32 to vector<16xf32>
          %parallel_loop3A_141 = arith.mulf %parallel_loop3A_139, %parallel_loop3A_140 : vector<16xf32>
          %parallel_loop3A_142 = vector.broadcast %scan3A_13 : f32 to vector<16xf32>
          %parallel_loop3A_143 = arith.addf %parallel_loop3A_141, %parallel_loop3A_142 : vector<16xf32>
          %parallel_loop3A_144 = arith.constant 0.000000e+00 : f32
          %parallel_loop3A_145 = arith.constant 2.047000e+03 : f32
          %parallel_loop3A_146 = vector.broadcast %parallel_loop3A_144 : f32 to vector<16xf32>
          %parallel_loop3A_147 = arith.maximumf %parallel_loop3A_146, %parallel_loop3A_143 : vector<16xf32>
          %parallel_loop3A_148 = vector.broadcast %parallel_loop3A_145 : f32 to vector<16xf32>
          %parallel_loop3A_149 = arith.minimumf %parallel_loop3A_148, %parallel_loop3A_147 : vector<16xf32>
          %parallel_loop3A_150 = arith.fptosi %parallel_loop3A_149 : vector<16xf32> to vector<16xi32>
          %parallel_loop3A_151 = arith.constant 16 : i32
          %parallel_loop3A_152 = vector.broadcast %parallel_loop3A_151 : i32 to vector<16xi32>
          %parallel_loop3A_153 = arith.muli %parallel_loop3A_150, %parallel_loop3A_152 : vector<16xi32>
          %parallel_loop3A_154 = arith.addi %parallel_loop3A_153, %iota3A : vector<16xi32>
          tpu.vector_store_idx %arg6[%parallel_loop3A_154], %broadcast_in_dim3A_3 {add = true} : memref<32768xf32, #tpu.memory_space<vmem>>[vector<16xi32>], vector<16xf32>,
          %parallel_loop3A_155 = arith.constant 80 : i32
          %parallel_loop3A_156 = arith.addi %parallel_loop3A_59, %parallel_loop3A_155 : i32
          %parallel_loop3A_157 = arith.index_cast %parallel_loop3A_156 : i32 to index
          %parallel_loop3A_158 = tpu.vector_load %arg5[%parallel_loop3A_157] {strides = array<i32>} : memref<20000xf32, #tpu.memory_space<vmem>>, vector<16xf32>,
          %parallel_loop3A_159 = vector.broadcast %scan3A : f32 to vector<16xf32>
          %parallel_loop3A_160 = arith.mulf %parallel_loop3A_158, %parallel_loop3A_159 : vector<16xf32>
          %parallel_loop3A_161 = vector.broadcast %scan3A_13 : f32 to vector<16xf32>
          %parallel_loop3A_162 = arith.addf %parallel_loop3A_160, %parallel_loop3A_161 : vector<16xf32>
          %parallel_loop3A_163 = arith.constant 0.000000e+00 : f32
          %parallel_loop3A_164 = arith.constant 2.047000e+03 : f32
          %parallel_loop3A_165 = vector.broadcast %parallel_loop3A_163 : f32 to vector<16xf32>
          %parallel_loop3A_166 = arith.maximumf %parallel_loop3A_165, %parallel_loop3A_162 : vector<16xf32>
          %parallel_loop3A_167 = vector.broadcast %parallel_loop3A_164 : f32 to vector<16xf32>
          %parallel_loop3A_168 = arith.minimumf %parallel_loop3A_167, %parallel_loop3A_166 : vector<16xf32>
          %parallel_loop3A_169 = arith.fptosi %parallel_loop3A_168 : vector<16xf32> to vector<16xi32>
          %parallel_loop3A_170 = arith.constant 16 : i32
          %parallel_loop3A_171 = vector.broadcast %parallel_loop3A_170 : i32 to vector<16xi32>
          %parallel_loop3A_172 = arith.muli %parallel_loop3A_169, %parallel_loop3A_171 : vector<16xi32>
          %parallel_loop3A_173 = arith.addi %parallel_loop3A_172, %iota3A : vector<16xi32>
          tpu.vector_store_idx %arg7[%parallel_loop3A_173], %broadcast_in_dim3A_3 {add = true} : memref<32768xf32, #tpu.memory_space<vmem>>[vector<16xi32>], vector<16xf32>,
          %parallel_loop3A_174 = arith.constant 96 : i32
          %parallel_loop3A_175 = arith.addi %parallel_loop3A_59, %parallel_loop3A_174 : i32
          %parallel_loop3A_176 = arith.index_cast %parallel_loop3A_175 : i32 to index
          %parallel_loop3A_177 = tpu.vector_load %arg5[%parallel_loop3A_176] {strides = array<i32>} : memref<20000xf32, #tpu.memory_space<vmem>>, vector<16xf32>,
          %parallel_loop3A_178 = vector.broadcast %scan3A : f32 to vector<16xf32>
          %parallel_loop3A_179 = arith.mulf %parallel_loop3A_177, %parallel_loop3A_178 : vector<16xf32>
          %parallel_loop3A_180 = vector.broadcast %scan3A_13 : f32 to vector<16xf32>
          %parallel_loop3A_181 = arith.addf %parallel_loop3A_179, %parallel_loop3A_180 : vector<16xf32>
          %parallel_loop3A_182 = arith.constant 0.000000e+00 : f32
          %parallel_loop3A_183 = arith.constant 2.047000e+03 : f32
          %parallel_loop3A_184 = vector.broadcast %parallel_loop3A_182 : f32 to vector<16xf32>
          %parallel_loop3A_185 = arith.maximumf %parallel_loop3A_184, %parallel_loop3A_181 : vector<16xf32>
          %parallel_loop3A_186 = vector.broadcast %parallel_loop3A_183 : f32 to vector<16xf32>
          %parallel_loop3A_187 = arith.minimumf %parallel_loop3A_186, %parallel_loop3A_185 : vector<16xf32>
          %parallel_loop3A_188 = arith.fptosi %parallel_loop3A_187 : vector<16xf32> to vector<16xi32>
          %parallel_loop3A_189 = arith.constant 16 : i32
          %parallel_loop3A_190 = vector.broadcast %parallel_loop3A_189 : i32 to vector<16xi32>
          %parallel_loop3A_191 = arith.muli %parallel_loop3A_188, %parallel_loop3A_190 : vector<16xi32>
          %parallel_loop3A_192 = arith.addi %parallel_loop3A_191, %iota3A : vector<16xi32>
          tpu.vector_store_idx %arg6[%parallel_loop3A_192], %broadcast_in_dim3A_3 {add = true} : memref<32768xf32, #tpu.memory_space<vmem>>[vector<16xi32>], vector<16xf32>,
          %parallel_loop3A_193 = arith.constant 112 : i32
          %parallel_loop3A_194 = arith.addi %parallel_loop3A_59, %parallel_loop3A_193 : i32
          %parallel_loop3A_195 = arith.index_cast %parallel_loop3A_194 : i32 to index
          %parallel_loop3A_196 = tpu.vector_load %arg5[%parallel_loop3A_195] {strides = array<i32>} : memref<20000xf32, #tpu.memory_space<vmem>>, vector<16xf32>,
          %parallel_loop3A_197 = vector.broadcast %scan3A : f32 to vector<16xf32>
          %parallel_loop3A_198 = arith.mulf %parallel_loop3A_196, %parallel_loop3A_197 : vector<16xf32>
          %parallel_loop3A_199 = vector.broadcast %scan3A_13 : f32 to vector<16xf32>
          %parallel_loop3A_200 = arith.addf %parallel_loop3A_198, %parallel_loop3A_199 : vector<16xf32>
          %parallel_loop3A_201 = arith.constant 0.000000e+00 : f32
          %parallel_loop3A_202 = arith.constant 2.047000e+03 : f32
          %parallel_loop3A_203 = vector.broadcast %parallel_loop3A_201 : f32 to vector<16xf32>
          %parallel_loop3A_204 = arith.maximumf %parallel_loop3A_203, %parallel_loop3A_200 : vector<16xf32>
          %parallel_loop3A_205 = vector.broadcast %parallel_loop3A_202 : f32 to vector<16xf32>
          %parallel_loop3A_206 = arith.minimumf %parallel_loop3A_205, %parallel_loop3A_204 : vector<16xf32>
          %parallel_loop3A_207 = arith.fptosi %parallel_loop3A_206 : vector<16xf32> to vector<16xi32>
          %parallel_loop3A_208 = arith.constant 16 : i32
          %parallel_loop3A_209 = vector.broadcast %parallel_loop3A_208 : i32 to vector<16xi32>
          %parallel_loop3A_210 = arith.muli %parallel_loop3A_207, %parallel_loop3A_209 : vector<16xi32>
          %parallel_loop3A_211 = arith.addi %parallel_loop3A_210, %iota3A : vector<16xi32>
          tpu.vector_store_idx %arg7[%parallel_loop3A_211], %broadcast_in_dim3A_3 {add = true} : memref<32768xf32, #tpu.memory_space<vmem>>[vector<16xi32>], vector<16xf32>,
        } {sc.loop_unroll_factor = 2 : i64, sc.parallel_access}
      } else {
      }
    }
    %scan3A_18 = arith.constant 8 : i32
    %parallel_loop3A_19 = arith.constant 0 : i32
    %parallel_loop3A_20 = arith.constant 2048 : i32
    %parallel_loop3A_21 = arith.constant 1 : i32
    scf.for %parallel_loop3A_26 = %parallel_loop3A_19 to %parallel_loop3A_20 step %parallel_loop3A_21  : i32 {
      %parallel_loop3A_27 = arith.constant 16 : i32
      %parallel_loop3A_28 = arith.muli %parallel_loop3A_26, %parallel_loop3A_27 : i32
      %parallel_loop3A_29 = arith.index_cast %parallel_loop3A_28 : i32 to index
      %parallel_loop3A_30 = tpu.vector_load %arg6[%parallel_loop3A_29] {strides = array<i32>} : memref<32768xf32, #tpu.memory_space<vmem>>, vector<16xf32>,
      %parallel_loop3A_31 = arith.constant 16 : i32
      %parallel_loop3A_32 = arith.muli %parallel_loop3A_26, %parallel_loop3A_31 : i32
      %parallel_loop3A_33 = arith.index_cast %parallel_loop3A_32 : i32 to index
      %parallel_loop3A_34 = tpu.vector_load %arg7[%parallel_loop3A_33] {strides = array<i32>} : memref<32768xf32, #tpu.memory_space<vmem>>, vector<16xf32>,
      %parallel_loop3A_35 = arith.addf %parallel_loop3A_30, %parallel_loop3A_34 : vector<16xf32>
      %parallel_loop3A_36 = arith.index_cast %parallel_loop3A_28 : i32 to index
      %parallel_loop3A_37 = tpu.vector_load %arg6[%parallel_loop3A_36] {strides = array<i32>} : memref<32768xf32, #tpu.memory_space<vmem>>, vector<16xf32>,
      tpu.vector_store %arg6[%parallel_loop3A_36], %parallel_loop3A_35 {strides = array<i32>} : memref<32768xf32, #tpu.memory_space<vmem>>, vector<16xf32>,
    } {sc.loop_unroll_factor = 1 : i64, sc.parallel_access}
    %mul3A_22 = arith.constant 16 : i32
    %mul3A_23 = arith.muli %add3A, %mul3A_22 : i32
    %mul3A_24 = arith.constant 2048 : i32
    %mul3A_25 = arith.muli %mul3A_23, %mul3A_24 : i32
    "tpu.region"() ({
      %run_scoped3A = tpu.sem_alloc : memref<!tpu.dma_semaphore, #tpu.memory_space<semaphore_mem>>
      %dma_start3A_26 = tpu.memref_slice %arg3[%mul3A_25] : memref<1048576xf32, #tpu.memory_space<hbm>> -> memref<32768xf32, #tpu.memory_space<hbm>>
      %dma_start3A_27 = tpu.memref_slice %arg3[%mul3A_25] : memref<1048576xf32, #tpu.memory_space<hbm>> -> memref<32768xf32, #tpu.memory_space<hbm>>
      tpu.enqueue_dma source(%arg6 : memref<32768xf32, #tpu.memory_space<vmem>>) target(%dma_start3A_27 : memref<32768xf32, #tpu.memory_space<hbm>>) target_semaphore(%run_scoped3A : memref<!tpu.dma_semaphore, #tpu.memory_space<semaphore_mem>>)
      %dma_wait3A = tpu.memref_slice %arg3[%mul3A_25] : memref<1048576xf32, #tpu.memory_space<hbm>> -> memref<32768xf32, #tpu.memory_space<hbm>>
      %dma_wait3A_28 = tpu.memref_slice %arg3[%mul3A_25] : memref<1048576xf32, #tpu.memory_space<hbm>> -> memref<32768xf32, #tpu.memory_space<hbm>>
      tpu.wait_dma2 semaphore(%run_scoped3A : memref<!tpu.dma_semaphore, #tpu.memory_space<semaphore_mem>>) src(%arg6 : memref<32768xf32, #tpu.memory_space<vmem>>) dst(%dma_wait3A_28 : memref<32768xf32, #tpu.memory_space<hbm>>)
      tpu.yield
    }) : () -> ()
    return
  }
}

module attributes {stable_mosaic.version = 14 : i64} {
  func.func @_pass1_body(%arg0: i32, %arg1: memref<8x50000xf32, #tpu.memory_space<vmem>>, %arg2: memref<8x50000xf32, #tpu.memory_space<vmem>>, %arg3: memref<8x128xf32, #tpu.memory_space<vmem>>, %arg4: memref<1x128xf32, #tpu.memory_space<vmem>>) attributes {dimension_semantics = [#tpu.dimension_semantics<arbitrary>], iteration_bounds = array<i64: 25>, scalar_prefetch = 0 : i64, scratch_operands = 0 : i64, tpu.core_type = #tpu.core_type<tc>, window_params = [{transform_indices = @transform_0, window_bounds = array<i64: 8, 50000>}, {transform_indices = @transform_1, window_bounds = array<i64: 8, 50000>}, {transform_indices = @transform_2, window_bounds = array<i64: 8, 128>}, {pipeline_mode = #tpu.pipeline_mode<synchronous>, transform_indices = @transform_3, window_bounds = array<i64: 1, 128>}]} {
    %get3A = arith.constant 0 : index
    %get3A_0 = arith.constant 0 : index
    %get3A_1 = vector.load %arg1[%get3A, %get3A_0] : memref<8x50000xf32, #tpu.memory_space<vmem>>, vector<8x50000xf32>
    %get3A_2 = arith.constant 0 : index
    %get3A_3 = arith.constant 0 : index
    %get3A_4 = vector.load %arg2[%get3A_2, %get3A_3] : memref<8x50000xf32, #tpu.memory_space<vmem>>, vector<8x50000xf32>
    %neg3A = arith.constant 0.000000e+00 : f32
    %neg3A_5 = vector.broadcast %neg3A : f32 to vector<8x50000xf32>
    %neg3A_6 = arith.subf %neg3A_5, %get3A_1 : vector<8x50000xf32>
    %exp3A = math.exp %neg3A_6 : vector<8x50000xf32>
    %add3A = arith.constant 1.000000e+00 : f32
    %add3A_7 = vector.broadcast %add3A : f32 to vector<8x50000xf32>
    %add3A_8 = arith.addf %add3A_7, %exp3A : vector<8x50000xf32>
    %div3A = arith.constant 1.000000e+00 : f32
    %div3A_9 = vector.broadcast %div3A : f32 to vector<8x50000xf32>
    %div3A_10 = arith.divf %div3A_9, %add3A_8 : vector<8x50000xf32>
    %max3A = arith.constant 0.000000e+00 : f32
    %max3A_11 = vector.broadcast %max3A : f32 to vector<8x50000xf32>
    %max3A_12 = arith.maximumf %get3A_1, %max3A_11 : vector<8x50000xf32>
    %mul3A = arith.mulf %get3A_1, %get3A_4 : vector<8x50000xf32>
    %sub3A = arith.subf %max3A_12, %mul3A : vector<8x50000xf32>
    %sub3A_13 = arith.constant 1.000000e+00 : f32
    %sub3A_14 = vector.broadcast %sub3A_13 : f32 to vector<8x50000xf32>
    %sub3A_15 = arith.subf %sub3A_14, %div3A_10 : vector<8x50000xf32>
    %max3A_16 = arith.maximumf %div3A_10, %sub3A_15 : vector<8x50000xf32>
    %log3A = math.log %max3A_16 : vector<8x50000xf32>
    %sub3A_17 = arith.subf %sub3A, %log3A : vector<8x50000xf32>
    %reduce_sum3A = vector.shape_cast %sub3A_17 : vector<8x50000xf32> to vector<1x8x50000xf32>
    %reduce_sum3A_18 = arith.constant dense<0.000000e+00> : vector<1xf32>
    %reduce_sum3A_19 = vector.multi_reduction <add>, %reduce_sum3A, %reduce_sum3A_18 [1, 2] : vector<1x8x50000xf32> to vector<1xf32>
    %reduce_sum3A_20 = vector.shape_cast %reduce_sum3A_19 : vector<1xf32> to vector<1x1x1xf32>
    %reduce_sum3A_21 = vector.extract %reduce_sum3A_20[0, 0, 0] : f32 from vector<1x1x1xf32>
    %mul3A_22 = arith.mulf %div3A_10, %get3A_4 : vector<8x50000xf32>
    %reduce_sum3A_23 = arith.constant dense<0.000000e+00> : vector<8xf32>
    %reduce_sum3A_24 = vector.multi_reduction <add>, %mul3A_22, %reduce_sum3A_23 [1] : vector<8x50000xf32> to vector<8xf32>
    %reduce_sum3A_25 = arith.constant dense<0.000000e+00> : vector<8xf32>
    %reduce_sum3A_26 = vector.multi_reduction <add>, %div3A_10, %reduce_sum3A_25 [1] : vector<8x50000xf32> to vector<8xf32>
    %reduce_sum3A_27 = arith.constant dense<0.000000e+00> : vector<8xf32>
    %reduce_sum3A_28 = vector.multi_reduction <add>, %get3A_4, %reduce_sum3A_27 [1] : vector<8x50000xf32> to vector<8xf32>
    %iota3A = tpu.iota {dimensions = array<i32: 1>} : vector<8x50000xi32>
    %convert_element_type3A = arith.sitofp %iota3A : vector<8x50000xi32> to vector<8x50000xf32>
    %gt3A = arith.constant 0.000000e+00 : f32
    %gt3A_29 = vector.broadcast %gt3A : f32 to vector<8x50000xf32>
    %gt3A_30 = arith.cmpf ogt, %div3A_10, %gt3A_29 : vector<8x50000xf32>
    %gt3A_31 = arith.constant 0.000000e+00 : f32
    %gt3A_32 = vector.broadcast %gt3A_31 : f32 to vector<8x50000xf32>
    %gt3A_33 = arith.cmpf ogt, %get3A_4, %gt3A_32 : vector<8x50000xf32>
    %jit3A = arith.constant -1.000000e+00 : f32
    %broadcast_in_dim3A = vector.broadcast %jit3A : f32 to vector<8x50000xf32>
    %select_n3A = arith.select %gt3A_30, %convert_element_type3A, %broadcast_in_dim3A : vector<8x50000xi1>, vector<8x50000xf32>
    %reduce_max3A = vector.shape_cast %select_n3A : vector<8x50000xf32> to vector<1x8x50000xf32>
    %reduce_max3A_34 = arith.constant dense<0xFF800000> : vector<1xf32>
    %reduce_max3A_35 = vector.multi_reduction <maximumf>, %reduce_max3A, %reduce_max3A_34 [1, 2] : vector<1x8x50000xf32> to vector<1xf32>
    %reduce_max3A_36 = vector.shape_cast %reduce_max3A_35 : vector<1xf32> to vector<1x1x1xf32>
    %reduce_max3A_37 = vector.extract %reduce_max3A_36[0, 0, 0] : f32 from vector<1x1x1xf32>
    %jit3A_38 = arith.constant 5.000100e+04 : f32
    %broadcast_in_dim3A_39 = vector.broadcast %jit3A_38 : f32 to vector<8x50000xf32>
    %select_n3A_40 = arith.select %gt3A_30, %convert_element_type3A, %broadcast_in_dim3A_39 : vector<8x50000xi1>, vector<8x50000xf32>
    %reduce_min3A = vector.shape_cast %select_n3A_40 : vector<8x50000xf32> to vector<1x8x50000xf32>
    %reduce_min3A_41 = arith.constant dense<0x7F800000> : vector<1xf32>
    %reduce_min3A_42 = vector.multi_reduction <minimumf>, %reduce_min3A, %reduce_min3A_41 [1, 2] : vector<1x8x50000xf32> to vector<1xf32>
    %reduce_min3A_43 = vector.shape_cast %reduce_min3A_42 : vector<1xf32> to vector<1x1x1xf32>
    %reduce_min3A_44 = vector.extract %reduce_min3A_43[0, 0, 0] : f32 from vector<1x1x1xf32>
    %jit3A_45 = arith.constant -1.000000e+00 : f32
    %broadcast_in_dim3A_46 = vector.broadcast %jit3A_45 : f32 to vector<8x50000xf32>
    %select_n3A_47 = arith.select %gt3A_33, %convert_element_type3A, %broadcast_in_dim3A_46 : vector<8x50000xi1>, vector<8x50000xf32>
    %reduce_max3A_48 = vector.shape_cast %select_n3A_47 : vector<8x50000xf32> to vector<1x8x50000xf32>
    %reduce_max3A_49 = arith.constant dense<0xFF800000> : vector<1xf32>
    %reduce_max3A_50 = vector.multi_reduction <maximumf>, %reduce_max3A_48, %reduce_max3A_49 [1, 2] : vector<1x8x50000xf32> to vector<1xf32>
    %reduce_max3A_51 = vector.shape_cast %reduce_max3A_50 : vector<1xf32> to vector<1x1x1xf32>
    %reduce_max3A_52 = vector.extract %reduce_max3A_51[0, 0, 0] : f32 from vector<1x1x1xf32>
    %jit3A_53 = arith.constant 5.000100e+04 : f32
    %broadcast_in_dim3A_54 = vector.broadcast %jit3A_53 : f32 to vector<8x50000xf32>
    %select_n3A_55 = arith.select %gt3A_33, %convert_element_type3A, %broadcast_in_dim3A_54 : vector<8x50000xi1>, vector<8x50000xf32>
    %reduce_min3A_56 = vector.shape_cast %select_n3A_55 : vector<8x50000xf32> to vector<1x8x50000xf32>
    %reduce_min3A_57 = arith.constant dense<0x7F800000> : vector<1xf32>
    %reduce_min3A_58 = vector.multi_reduction <minimumf>, %reduce_min3A_56, %reduce_min3A_57 [1, 2] : vector<1x8x50000xf32> to vector<1xf32>
    %reduce_min3A_59 = vector.shape_cast %reduce_min3A_58 : vector<1xf32> to vector<1x1x1xf32>
    %reduce_min3A_60 = vector.extract %reduce_min3A_59[0, 0, 0] : f32 from vector<1x1x1xf32>
    %gt3A_61 = arith.constant 5.000000e-01 : f32
    %gt3A_62 = vector.broadcast %gt3A_61 : f32 to vector<8x50000xf32>
    %gt3A_63 = arith.cmpf ogt, %get3A_4, %gt3A_62 : vector<8x50000xf32>
    %sub3A_64 = arith.constant 1.000000e+00 : f32
    %sub3A_65 = vector.broadcast %sub3A_64 : f32 to vector<8x50000xf32>
    %sub3A_66 = arith.subf %sub3A_65, %div3A_10 : vector<8x50000xf32>
    %jit3A_67 = arith.constant 0.000000e+00 : f32
    %broadcast_in_dim3A_68 = vector.broadcast %jit3A_67 : f32 to vector<8x50000xf32>
    %select_n3A_69 = arith.select %gt3A_63, %sub3A_66, %broadcast_in_dim3A_68 : vector<8x50000xi1>, vector<8x50000xf32>
    %reduce_sum3A_70 = vector.shape_cast %select_n3A_69 : vector<8x50000xf32> to vector<1x8x50000xf32>
    %reduce_sum3A_71 = arith.constant dense<0.000000e+00> : vector<1xf32>
    %reduce_sum3A_72 = vector.multi_reduction <add>, %reduce_sum3A_70, %reduce_sum3A_71 [1, 2] : vector<1x8x50000xf32> to vector<1xf32>
    %reduce_sum3A_73 = vector.shape_cast %reduce_sum3A_72 : vector<1xf32> to vector<1x1x1xf32>
    %reduce_sum3A_74 = vector.extract %reduce_sum3A_73[0, 0, 0] : f32 from vector<1x1x1xf32>
    %iota3A_75 = tpu.iota {dimensions = array<i32: 1>} : vector<8x128xi32>
    %eq3A = arith.constant 0 : i32
    %eq3A_76 = vector.broadcast %eq3A : i32 to vector<8x128xi32>
    %eq3A_77 = arith.cmpi eq, %iota3A_75, %eq3A_76 : vector<8x128xi32>
    %broadcast_in_dim3A_78 = vector.shape_cast %reduce_sum3A_24 : vector<8xf32> to vector<8x1xf32>
    %eq3A_79 = arith.constant 1 : i32
    %eq3A_80 = vector.broadcast %eq3A_79 : i32 to vector<8x128xi32>
    %eq3A_81 = arith.cmpi eq, %iota3A_75, %eq3A_80 : vector<8x128xi32>
    %broadcast_in_dim3A_82 = vector.shape_cast %reduce_sum3A_26 : vector<8xf32> to vector<8x1xf32>
    %eq3A_83 = arith.constant 2 : i32
    %eq3A_84 = vector.broadcast %eq3A_83 : i32 to vector<8x128xi32>
    %eq3A_85 = arith.cmpi eq, %iota3A_75, %eq3A_84 : vector<8x128xi32>
    %broadcast_in_dim3A_86 = vector.shape_cast %reduce_sum3A_28 : vector<8xf32> to vector<8x1xf32>
    %jit3A_87 = arith.constant 0.000000e+00 : f32
    %broadcast_in_dim3A_88 = vector.shape_cast %broadcast_in_dim3A_86 : vector<8x1xf32> to vector<8x1xf32>
    %broadcast_in_dim3A_89 = vector.broadcast %broadcast_in_dim3A_88 : vector<8x1xf32> to vector<8x128xf32>
    %broadcast_in_dim3A_90 = vector.broadcast %jit3A_87 : f32 to vector<8x128xf32>
    %select_n3A_91 = arith.select %eq3A_85, %broadcast_in_dim3A_89, %broadcast_in_dim3A_90 : vector<8x128xi1>, vector<8x128xf32>
    %broadcast_in_dim3A_92 = vector.shape_cast %broadcast_in_dim3A_82 : vector<8x1xf32> to vector<8x1xf32>
    %broadcast_in_dim3A_93 = vector.broadcast %broadcast_in_dim3A_92 : vector<8x1xf32> to vector<8x128xf32>
    %select_n3A_94 = arith.select %eq3A_81, %broadcast_in_dim3A_93, %select_n3A_91 : vector<8x128xi1>, vector<8x128xf32>
    %broadcast_in_dim3A_95 = vector.shape_cast %broadcast_in_dim3A_78 : vector<8x1xf32> to vector<8x1xf32>
    %broadcast_in_dim3A_96 = vector.broadcast %broadcast_in_dim3A_95 : vector<8x1xf32> to vector<8x128xf32>
    %select_n3A_97 = arith.select %eq3A_77, %broadcast_in_dim3A_96, %select_n3A_94 : vector<8x128xi1>, vector<8x128xf32>
    %swap3A = arith.constant 0 : index
    %swap3A_98 = arith.constant 0 : index
    %swap3A_99 = vector.load %arg3[%swap3A, %swap3A_98] : memref<8x128xf32, #tpu.memory_space<vmem>>, vector<8x128xf32>
    tpu.vector_store %arg3[%swap3A, %swap3A_98], %select_n3A_97 {strides = array<i32>} : memref<8x128xf32, #tpu.memory_space<vmem>>, vector<8x128xf32>,
    %iota3A_100 = tpu.iota {dimensions = array<i32: 1>} : vector<1x128xi32>
    %eq3A_101 = arith.constant 0 : i32
    %eq3A_102 = vector.broadcast %eq3A_101 : i32 to vector<1x128xi32>
    %eq3A_103 = arith.cmpi eq, %iota3A_100, %eq3A_102 : vector<1x128xi32>
    %eq3A_104 = arith.constant 1 : i32
    %eq3A_105 = vector.broadcast %eq3A_104 : i32 to vector<1x128xi32>
    %eq3A_106 = arith.cmpi eq, %iota3A_100, %eq3A_105 : vector<1x128xi32>
    %eq3A_107 = arith.constant 2 : i32
    %eq3A_108 = vector.broadcast %eq3A_107 : i32 to vector<1x128xi32>
    %eq3A_109 = arith.cmpi eq, %iota3A_100, %eq3A_108 : vector<1x128xi32>
    %eq3A_110 = arith.constant 3 : i32
    %eq3A_111 = vector.broadcast %eq3A_110 : i32 to vector<1x128xi32>
    %eq3A_112 = arith.cmpi eq, %iota3A_100, %eq3A_111 : vector<1x128xi32>
    %eq3A_113 = arith.constant 4 : i32
    %eq3A_114 = vector.broadcast %eq3A_113 : i32 to vector<1x128xi32>
    %eq3A_115 = arith.cmpi eq, %iota3A_100, %eq3A_114 : vector<1x128xi32>
    %eq3A_116 = arith.constant 5 : i32
    %eq3A_117 = vector.broadcast %eq3A_116 : i32 to vector<1x128xi32>
    %eq3A_118 = arith.cmpi eq, %iota3A_100, %eq3A_117 : vector<1x128xi32>
    %jit3A_119 = arith.constant 0.000000e+00 : f32
    %broadcast_in_dim3A_120 = vector.broadcast %reduce_min3A_60 : f32 to vector<1x128xf32>
    %broadcast_in_dim3A_121 = vector.broadcast %jit3A_119 : f32 to vector<1x128xf32>
    %select_n3A_122 = arith.select %eq3A_118, %broadcast_in_dim3A_120, %broadcast_in_dim3A_121 : vector<1x128xi1>, vector<1x128xf32>
    %broadcast_in_dim3A_123 = vector.broadcast %reduce_max3A_52 : f32 to vector<1x128xf32>
    %select_n3A_124 = arith.select %eq3A_115, %broadcast_in_dim3A_123, %select_n3A_122 : vector<1x128xi1>, vector<1x128xf32>
    %broadcast_in_dim3A_125 = vector.broadcast %reduce_min3A_44 : f32 to vector<1x128xf32>
    %select_n3A_126 = arith.select %eq3A_112, %broadcast_in_dim3A_125, %select_n3A_124 : vector<1x128xi1>, vector<1x128xf32>
    %broadcast_in_dim3A_127 = vector.broadcast %reduce_max3A_37 : f32 to vector<1x128xf32>
    %select_n3A_128 = arith.select %eq3A_109, %broadcast_in_dim3A_127, %select_n3A_126 : vector<1x128xi1>, vector<1x128xf32>
    %broadcast_in_dim3A_129 = vector.broadcast %reduce_sum3A_74 : f32 to vector<1x128xf32>
    %select_n3A_130 = arith.select %eq3A_106, %broadcast_in_dim3A_129, %select_n3A_128 : vector<1x128xi1>, vector<1x128xf32>
    %broadcast_in_dim3A_131 = vector.broadcast %reduce_sum3A_21 : f32 to vector<1x128xf32>
    %select_n3A_132 = arith.select %eq3A_103, %broadcast_in_dim3A_131, %select_n3A_130 : vector<1x128xi1>, vector<1x128xf32>
    %eq3A_133 = arith.constant 0 : i32
    %eq3A_134 = arith.cmpi eq, %arg0, %eq3A_133 : i32
    %convert_element_type3A_135 = arith.extui %eq3A_134 : i1 to i32
    %cond3A = arith.constant 0 : i32
    %cond3A_136 = arith.cmpi ne, %convert_element_type3A_135, %cond3A : i32
    scf.if %cond3A_136 {
      %swap3A_141 = arith.constant 0 : index
      %swap3A_142 = arith.constant 0 : index
      %swap3A_143 = vector.load %arg4[%swap3A_141, %swap3A_142] : memref<1x128xf32, #tpu.memory_space<vmem>>, vector<1x128xf32>
      tpu.vector_store %arg4[%swap3A_141, %swap3A_142], %select_n3A_132 {strides = array<i32>} : memref<1x128xf32, #tpu.memory_space<vmem>>, vector<1x128xf32>,
    } else {
    }
    %ne3A = arith.constant 0 : i32
    %ne3A_137 = arith.cmpi ne, %arg0, %ne3A : i32
    %convert_element_type3A_138 = arith.extui %ne3A_137 : i1 to i32
    %cond3A_139 = arith.constant 0 : i32
    %cond3A_140 = arith.cmpi ne, %convert_element_type3A_138, %cond3A_139 : i32
    scf.if %cond3A_140 {
      %get3A_141 = arith.constant 0 : index
      %get3A_142 = arith.constant 0 : index
      %get3A_143 = vector.load %arg4[%get3A_141, %get3A_142] : memref<1x128xf32, #tpu.memory_space<vmem>>, vector<1x128xf32>
      %lt3A = arith.constant 2 : i32
      %lt3A_144 = vector.broadcast %lt3A : i32 to vector<1x128xi32>
      %lt3A_145 = arith.cmpi slt, %iota3A_100, %lt3A_144 : vector<1x128xi32>
      %add3A_146 = arith.addf %get3A_143, %select_n3A_132 : vector<1x128xf32>
      %eq3A_147 = arith.constant 2 : i32
      %eq3A_148 = vector.broadcast %eq3A_147 : i32 to vector<1x128xi32>
      %eq3A_149 = arith.cmpi eq, %iota3A_100, %eq3A_148 : vector<1x128xi32>
      %eq3A_150 = arith.constant 4 : i32
      %eq3A_151 = vector.broadcast %eq3A_150 : i32 to vector<1x128xi32>
      %eq3A_152 = arith.cmpi eq, %iota3A_100, %eq3A_151 : vector<1x128xi32>
      %or3A = arith.ori %eq3A_149, %eq3A_152 : vector<1x128xi1>
      %max3A_153 = arith.maximumf %get3A_143, %select_n3A_132 : vector<1x128xf32>
      %eq3A_154 = arith.constant 3 : i32
      %eq3A_155 = vector.broadcast %eq3A_154 : i32 to vector<1x128xi32>
      %eq3A_156 = arith.cmpi eq, %iota3A_100, %eq3A_155 : vector<1x128xi32>
      %eq3A_157 = arith.constant 5 : i32
      %eq3A_158 = vector.broadcast %eq3A_157 : i32 to vector<1x128xi32>
      %eq3A_159 = arith.cmpi eq, %iota3A_100, %eq3A_158 : vector<1x128xi32>
      %or3A_160 = arith.ori %eq3A_156, %eq3A_159 : vector<1x128xi1>
      %min3A = arith.minimumf %get3A_143, %select_n3A_132 : vector<1x128xf32>
      %select_n3A_161 = arith.select %or3A_160, %min3A, %get3A_143 : vector<1x128xi1>, vector<1x128xf32>
      %select_n3A_162 = arith.select %or3A, %max3A_153, %select_n3A_161 : vector<1x128xi1>, vector<1x128xf32>
      %select_n3A_163 = arith.select %lt3A_145, %add3A_146, %select_n3A_162 : vector<1x128xi1>, vector<1x128xf32>
      %swap3A_164 = arith.constant 0 : index
      %swap3A_165 = arith.constant 0 : index
      %swap3A_166 = vector.load %arg4[%swap3A_164, %swap3A_165] : memref<1x128xf32, #tpu.memory_space<vmem>>, vector<1x128xf32>
      tpu.vector_store %arg4[%swap3A_164, %swap3A_165], %select_n3A_163 {strides = array<i32>} : memref<1x128xf32, #tpu.memory_space<vmem>>, vector<1x128xf32>,
    } else {
    }
    return
  }
  func.func @transform_0(%arg0: i32) -> (i32, i32) {
    %c0_i32 = arith.constant 0 : i32
    %c0_i32_0 = arith.constant 0 : i32
    return %arg0, %c0_i32 : i32, i32
  }
  func.func @transform_1(%arg0: i32) -> (i32, i32) {
    %c0_i32 = arith.constant 0 : i32
    %c0_i32_0 = arith.constant 0 : i32
    return %arg0, %c0_i32 : i32, i32
  }
  func.func @transform_2(%arg0: i32) -> (i32, i32) {
    %c0_i32 = arith.constant 0 : i32
    %c0_i32_0 = arith.constant 0 : i32
    return %arg0, %c0_i32 : i32, i32
  }
  func.func @transform_3(%arg0: i32) -> (i32, i32) {
    %c0_i32 = arith.constant 0 : i32
    %c0_i32_0 = arith.constant 0 : i32
    %c0_i32_1 = arith.constant 0 : i32
    return %c0_i32, %c0_i32_0 : i32, i32
  }
}

module attributes {stable_mosaic.version = 14 : i64} {
  func.func @_combine_body(%arg0: memref<32x256x128xf32, #tpu.memory_space<vmem>>, %arg1: memref<200x128xf32, #tpu.memory_space<vmem>>, %arg2: memref<1x128xf32, #tpu.memory_space<vmem>>, %arg3: memref<200x19xf32, #tpu.memory_space<vmem>>, %arg4: memref<200x1xi32, #tpu.memory_space<vmem>>, %arg5: memref<1x8xf32, #tpu.memory_space<vmem>>, %arg6: memref<1x1xf32, #tpu.memory_space<vmem>>) attributes {dimension_semantics = [], scalar_prefetch = 0 : i64, scratch_operands = 0 : i64, tpu.core_type = #tpu.core_type<tc>} {
    %get3A = arith.constant 0 : index
    %get3A_0 = arith.constant 0 : index
    %get3A_1 = vector.load %arg2[%get3A, %get3A_0] : memref<1x128xf32, #tpu.memory_space<vmem>>, vector<1x128xf32>
    %iota3A = tpu.iota {dimensions = array<i32: 1>} : vector<1x128xi32>
    %eq3A = arith.constant 0 : i32
    %eq3A_2 = vector.broadcast %eq3A : i32 to vector<1x128xi32>
    %eq3A_3 = arith.cmpi eq, %iota3A, %eq3A_2 : vector<1x128xi32>
    %jit3A = arith.constant 0.000000e+00 : f32
    %broadcast_in_dim3A = vector.broadcast %jit3A : f32 to vector<1x128xf32>
    %select_n3A = arith.select %eq3A_3, %get3A_1, %broadcast_in_dim3A : vector<1x128xi1>, vector<1x128xf32>
    %reduce_sum3A = vector.shape_cast %select_n3A : vector<1x128xf32> to vector<1x1x128xf32>
    %reduce_sum3A_4 = arith.constant dense<0.000000e+00> : vector<1xf32>
    %reduce_sum3A_5 = vector.multi_reduction <add>, %reduce_sum3A, %reduce_sum3A_4 [1, 2] : vector<1x1x128xf32> to vector<1xf32>
    %reduce_sum3A_6 = vector.shape_cast %reduce_sum3A_5 : vector<1xf32> to vector<1x1x1xf32>
    %reduce_sum3A_7 = vector.extract %reduce_sum3A_6[0, 0, 0] : f32 from vector<1x1x1xf32>
    %eq3A_8 = arith.constant 1 : i32
    %eq3A_9 = vector.broadcast %eq3A_8 : i32 to vector<1x128xi32>
    %eq3A_10 = arith.cmpi eq, %iota3A, %eq3A_9 : vector<1x128xi32>
    %jit3A_11 = arith.constant 0.000000e+00 : f32
    %broadcast_in_dim3A_12 = vector.broadcast %jit3A_11 : f32 to vector<1x128xf32>
    %select_n3A_13 = arith.select %eq3A_10, %get3A_1, %broadcast_in_dim3A_12 : vector<1x128xi1>, vector<1x128xf32>
    %reduce_sum3A_14 = vector.shape_cast %select_n3A_13 : vector<1x128xf32> to vector<1x1x128xf32>
    %reduce_sum3A_15 = arith.constant dense<0.000000e+00> : vector<1xf32>
    %reduce_sum3A_16 = vector.multi_reduction <add>, %reduce_sum3A_14, %reduce_sum3A_15 [1, 2] : vector<1x1x128xf32> to vector<1xf32>
    %reduce_sum3A_17 = vector.shape_cast %reduce_sum3A_16 : vector<1xf32> to vector<1x1x1xf32>
    %reduce_sum3A_18 = vector.extract %reduce_sum3A_17[0, 0, 0] : f32 from vector<1x1x1xf32>
    %eq3A_19 = arith.constant 2 : i32
    %eq3A_20 = vector.broadcast %eq3A_19 : i32 to vector<1x128xi32>
    %eq3A_21 = arith.cmpi eq, %iota3A, %eq3A_20 : vector<1x128xi32>
    %jit3A_22 = arith.constant 0.000000e+00 : f32
    %broadcast_in_dim3A_23 = vector.broadcast %jit3A_22 : f32 to vector<1x128xf32>
    %select_n3A_24 = arith.select %eq3A_21, %get3A_1, %broadcast_in_dim3A_23 : vector<1x128xi1>, vector<1x128xf32>
    %reduce_sum3A_25 = vector.shape_cast %select_n3A_24 : vector<1x128xf32> to vector<1x1x128xf32>
    %reduce_sum3A_26 = arith.constant dense<0.000000e+00> : vector<1xf32>
    %reduce_sum3A_27 = vector.multi_reduction <add>, %reduce_sum3A_25, %reduce_sum3A_26 [1, 2] : vector<1x1x128xf32> to vector<1xf32>
    %reduce_sum3A_28 = vector.shape_cast %reduce_sum3A_27 : vector<1xf32> to vector<1x1x1xf32>
    %reduce_sum3A_29 = vector.extract %reduce_sum3A_28[0, 0, 0] : f32 from vector<1x1x1xf32>
    %eq3A_30 = arith.constant 3 : i32
    %eq3A_31 = vector.broadcast %eq3A_30 : i32 to vector<1x128xi32>
    %eq3A_32 = arith.cmpi eq, %iota3A, %eq3A_31 : vector<1x128xi32>
    %jit3A_33 = arith.constant 0.000000e+00 : f32
    %broadcast_in_dim3A_34 = vector.broadcast %jit3A_33 : f32 to vector<1x128xf32>
    %select_n3A_35 = arith.select %eq3A_32, %get3A_1, %broadcast_in_dim3A_34 : vector<1x128xi1>, vector<1x128xf32>
    %reduce_sum3A_36 = vector.shape_cast %select_n3A_35 : vector<1x128xf32> to vector<1x1x128xf32>
    %reduce_sum3A_37 = arith.constant dense<0.000000e+00> : vector<1xf32>
    %reduce_sum3A_38 = vector.multi_reduction <add>, %reduce_sum3A_36, %reduce_sum3A_37 [1, 2] : vector<1x1x128xf32> to vector<1xf32>
    %reduce_sum3A_39 = vector.shape_cast %reduce_sum3A_38 : vector<1xf32> to vector<1x1x1xf32>
    %reduce_sum3A_40 = vector.extract %reduce_sum3A_39[0, 0, 0] : f32 from vector<1x1x1xf32>
    %eq3A_41 = arith.constant 4 : i32
    %eq3A_42 = vector.broadcast %eq3A_41 : i32 to vector<1x128xi32>
    %eq3A_43 = arith.cmpi eq, %iota3A, %eq3A_42 : vector<1x128xi32>
    %jit3A_44 = arith.constant 0.000000e+00 : f32
    %broadcast_in_dim3A_45 = vector.broadcast %jit3A_44 : f32 to vector<1x128xf32>
    %select_n3A_46 = arith.select %eq3A_43, %get3A_1, %broadcast_in_dim3A_45 : vector<1x128xi1>, vector<1x128xf32>
    %reduce_sum3A_47 = vector.shape_cast %select_n3A_46 : vector<1x128xf32> to vector<1x1x128xf32>
    %reduce_sum3A_48 = arith.constant dense<0.000000e+00> : vector<1xf32>
    %reduce_sum3A_49 = vector.multi_reduction <add>, %reduce_sum3A_47, %reduce_sum3A_48 [1, 2] : vector<1x1x128xf32> to vector<1xf32>
    %reduce_sum3A_50 = vector.shape_cast %reduce_sum3A_49 : vector<1xf32> to vector<1x1x1xf32>
    %reduce_sum3A_51 = vector.extract %reduce_sum3A_50[0, 0, 0] : f32 from vector<1x1x1xf32>
    %eq3A_52 = arith.constant 5 : i32
    %eq3A_53 = vector.broadcast %eq3A_52 : i32 to vector<1x128xi32>
    %eq3A_54 = arith.cmpi eq, %iota3A, %eq3A_53 : vector<1x128xi32>
    %jit3A_55 = arith.constant 0.000000e+00 : f32
    %broadcast_in_dim3A_56 = vector.broadcast %jit3A_55 : f32 to vector<1x128xf32>
    %select_n3A_57 = arith.select %eq3A_54, %get3A_1, %broadcast_in_dim3A_56 : vector<1x128xi1>, vector<1x128xf32>
    %reduce_sum3A_58 = vector.shape_cast %select_n3A_57 : vector<1x128xf32> to vector<1x1x128xf32>
    %reduce_sum3A_59 = arith.constant dense<0.000000e+00> : vector<1xf32>
    %reduce_sum3A_60 = vector.multi_reduction <add>, %reduce_sum3A_58, %reduce_sum3A_59 [1, 2] : vector<1x1x128xf32> to vector<1xf32>
    %reduce_sum3A_61 = vector.shape_cast %reduce_sum3A_60 : vector<1xf32> to vector<1x1x1xf32>
    %reduce_sum3A_62 = vector.extract %reduce_sum3A_61[0, 0, 0] : f32 from vector<1x1x1xf32>
    %get3A_63 = arith.constant 0 : index
    %get3A_64 = arith.constant 0 : index
    %get3A_65 = vector.load %arg1[%get3A_63, %get3A_64] : memref<200x128xf32, #tpu.memory_space<vmem>>, vector<200x128xf32>
    %slice3A = vector.extract_strided_slice %get3A_65 {offsets = [0, 0], sizes = [200, 1], strides = [1, 1]} : vector<200x128xf32> to vector<200x1xf32>
    %slice3A_66 = vector.extract_strided_slice %get3A_65 {offsets = [0, 1], sizes = [200, 1], strides = [1, 1]} : vector<200x128xf32> to vector<200x1xf32>
    %slice3A_67 = vector.extract_strided_slice %get3A_65 {offsets = [0, 2], sizes = [200, 1], strides = [1, 1]} : vector<200x128xf32> to vector<200x1xf32>
    %get3A_68 = arith.constant 0 : index
    %get3A_69 = arith.constant 0 : index
    %get3A_70 = vector.load %arg3[%get3A_68, %get3A_69] : memref<200x19xf32, #tpu.memory_space<vmem>>, vector<200x19xf32>
    %get3A_71 = arith.constant 0 : index
    %get3A_72 = arith.constant 0 : index
    %get3A_73 = vector.load %arg4[%get3A_71, %get3A_72] : memref<200x1xi32, #tpu.memory_space<vmem>>, vector<200x1xi32>
    %reduce_max3A = arith.constant dense<0xFF800000> : vector<200xf32>
    %reduce_max3A_74 = vector.multi_reduction <maximumf>, %get3A_70, %reduce_max3A [1] : vector<200x19xf32> to vector<200xf32>
    %broadcast_in_dim3A_75 = vector.shape_cast %reduce_max3A_74 : vector<200xf32> to vector<200x1xf32>
    %sub3A = vector.broadcast %broadcast_in_dim3A_75 : vector<200x1xf32> to vector<200x19xf32>
    %sub3A_76 = arith.subf %get3A_70, %sub3A : vector<200x19xf32>
    %exp3A = math.exp %sub3A_76 : vector<200x19xf32>
    %reduce_sum3A_77 = arith.constant dense<0.000000e+00> : vector<200xf32>
    %reduce_sum3A_78 = vector.multi_reduction <add>, %exp3A, %reduce_sum3A_77 [1] : vector<200x19xf32> to vector<200xf32>
    %broadcast_in_dim3A_79 = vector.shape_cast %reduce_sum3A_78 : vector<200xf32> to vector<200x1xf32>
    %log3A = math.log %broadcast_in_dim3A_79 : vector<200x1xf32>
    %add3A = arith.addf %broadcast_in_dim3A_75, %log3A : vector<200x1xf32>
    %iota3A_80 = tpu.iota {dimensions = array<i32: 1>} : vector<200x19xi32>
    %eq3A_81 = vector.broadcast %get3A_73 : vector<200x1xi32> to vector<200x19xi32>
    %eq3A_82 = arith.cmpi eq, %iota3A_80, %eq3A_81 : vector<200x19xi32>
    %convert_element_type3A = arith.extui %eq3A_82 : vector<200x19xi1> to vector<200x19xi32>
    %convert_element_type3A_83 = arith.sitofp %convert_element_type3A : vector<200x19xi32> to vector<200x19xf32>
    %mul3A = arith.mulf %get3A_70, %convert_element_type3A_83 : vector<200x19xf32>
    %reduce_sum3A_84 = arith.constant dense<0.000000e+00> : vector<200xf32>
    %reduce_sum3A_85 = vector.multi_reduction <add>, %mul3A, %reduce_sum3A_84 [1] : vector<200x19xf32> to vector<200xf32>
    %broadcast_in_dim3A_86 = vector.shape_cast %reduce_sum3A_85 : vector<200xf32> to vector<200x1xf32>
    %sub3A_87 = arith.subf %add3A, %broadcast_in_dim3A_86 : vector<200x1xf32>
    %eq3A_88 = arith.constant 18 : i32
    %eq3A_89 = vector.broadcast %eq3A_88 : i32 to vector<200x1xi32>
    %eq3A_90 = arith.cmpi eq, %get3A_73, %eq3A_89 : vector<200x1xi32>
    %jit3A_91 = arith.constant 1.000000e-01 : f32
    %jit3A_92 = arith.constant 1.000000e+00 : f32
    %broadcast_in_dim3A_93 = vector.broadcast %jit3A_91 : f32 to vector<200x1xf32>
    %broadcast_in_dim3A_94 = vector.broadcast %jit3A_92 : f32 to vector<200x1xf32>
    %select_n3A_95 = arith.select %eq3A_90, %broadcast_in_dim3A_93, %broadcast_in_dim3A_94 : vector<200x1xi1>, vector<200x1xf32>
    %mul3A_96 = arith.mulf %select_n3A_95, %sub3A_87 : vector<200x1xf32>
    %reduce_sum3A_97 = vector.shape_cast %mul3A_96 : vector<200x1xf32> to vector<1x200x1xf32>
    %reduce_sum3A_98 = arith.constant dense<0.000000e+00> : vector<1xf32>
    %reduce_sum3A_99 = vector.multi_reduction <add>, %reduce_sum3A_97, %reduce_sum3A_98 [1, 2] : vector<1x200x1xf32> to vector<1xf32>
    %reduce_sum3A_100 = vector.shape_cast %reduce_sum3A_99 : vector<1xf32> to vector<1x1x1xf32>
    %reduce_sum3A_101 = vector.extract %reduce_sum3A_100[0, 0, 0] : f32 from vector<1x1x1xf32>
    %reduce_sum3A_102 = vector.shape_cast %select_n3A_95 : vector<200x1xf32> to vector<1x200x1xf32>
    %reduce_sum3A_103 = arith.constant dense<0.000000e+00> : vector<1xf32>
    %reduce_sum3A_104 = vector.multi_reduction <add>, %reduce_sum3A_102, %reduce_sum3A_103 [1, 2] : vector<1x200x1xf32> to vector<1xf32>
    %reduce_sum3A_105 = vector.shape_cast %reduce_sum3A_104 : vector<1xf32> to vector<1x1x1xf32>
    %reduce_sum3A_106 = vector.extract %reduce_sum3A_105[0, 0, 0] : f32 from vector<1x1x1xf32>
    %div3A = arith.divf %reduce_sum3A_101, %reduce_sum3A_106 : f32
    %div3A_107 = arith.constant 1.000000e+07 : f32
    %div3A_108 = arith.divf %reduce_sum3A_7, %div3A_107 : f32
    %mul3A_109 = arith.constant 2.000000e+00 : f32
    %mul3A_110 = vector.broadcast %mul3A_109 : f32 to vector<200x1xf32>
    %mul3A_111 = arith.mulf %mul3A_110, %slice3A : vector<200x1xf32>
    %add3A_112 = arith.constant 1.000000e+00 : f32
    %add3A_113 = vector.broadcast %add3A_112 : f32 to vector<200x1xf32>
    %add3A_114 = arith.addf %mul3A_111, %add3A_113 : vector<200x1xf32>
    %add3A_115 = arith.addf %slice3A_66, %slice3A_67 : vector<200x1xf32>
    %add3A_116 = arith.constant 1.000000e+00 : f32
    %add3A_117 = vector.broadcast %add3A_116 : f32 to vector<200x1xf32>
    %add3A_118 = arith.addf %add3A_115, %add3A_117 : vector<200x1xf32>
    %div3A_119 = arith.divf %add3A_114, %add3A_118 : vector<200x1xf32>
    %sub3A_120 = arith.constant 1.000000e+00 : f32
    %sub3A_121 = vector.broadcast %sub3A_120 : f32 to vector<200x1xf32>
    %sub3A_122 = arith.subf %sub3A_121, %div3A_119 : vector<200x1xf32>
    %reduce_sum3A_123 = vector.shape_cast %sub3A_122 : vector<200x1xf32> to vector<1x200x1xf32>
    %reduce_sum3A_124 = arith.constant dense<0.000000e+00> : vector<1xf32>
    %reduce_sum3A_125 = vector.multi_reduction <add>, %reduce_sum3A_123, %reduce_sum3A_124 [1, 2] : vector<1x200x1xf32> to vector<1xf32>
    %reduce_sum3A_126 = vector.shape_cast %reduce_sum3A_125 : vector<1xf32> to vector<1x1x1xf32>
    %reduce_sum3A_127 = vector.extract %reduce_sum3A_126[0, 0, 0] : f32 from vector<1x1x1xf32>
    %div3A_128 = arith.constant 2.000000e+02 : f32
    %div3A_129 = arith.divf %reduce_sum3A_127, %div3A_128 : f32
    %add3A_130 = arith.addf %slice3A_66, %slice3A_67 : vector<200x1xf32>
    %sub3A_131 = arith.subf %add3A_130, %slice3A : vector<200x1xf32>
    %add3A_132 = arith.constant 9.99999997E-7 : f32
    %add3A_133 = vector.broadcast %add3A_132 : f32 to vector<200x1xf32>
    %add3A_134 = arith.addf %sub3A_131, %add3A_133 : vector<200x1xf32>
    %div3A_135 = arith.divf %slice3A, %add3A_134 : vector<200x1xf32>
    %sub3A_136 = arith.subf %reduce_sum3A_29, %reduce_sum3A_40 : f32
    %sub3A_137 = arith.subf %reduce_sum3A_51, %reduce_sum3A_62 : f32
    %mul3A_138 = arith.mulf %sub3A_136, %sub3A_137 : f32
    %sub3A_139 = vector.broadcast %mul3A_138 : f32 to vector<200x1xf32>
    %sub3A_140 = arith.subf %sub3A_139, %sub3A_131 : vector<200x1xf32>
    %add3A_141 = arith.constant 9.99999997E-7 : f32
    %add3A_142 = arith.addf %mul3A_138, %add3A_141 : f32
    %div3A_143 = vector.broadcast %add3A_142 : f32 to vector<200x1xf32>
    %div3A_144 = arith.divf %sub3A_140, %div3A_143 : vector<200x1xf32>
    %sub3A_145 = arith.subf %div3A_135, %div3A_144 : vector<200x1xf32>
    %sub3A_146 = arith.constant 1.000000e+00 : f32
    %sub3A_147 = vector.broadcast %sub3A_146 : f32 to vector<200x1xf32>
    %sub3A_148 = arith.subf %sub3A_147, %sub3A_145 : vector<200x1xf32>
    %reduce_sum3A_149 = vector.shape_cast %sub3A_148 : vector<200x1xf32> to vector<1x200x1xf32>
    %reduce_sum3A_150 = arith.constant dense<0.000000e+00> : vector<1xf32>
    %reduce_sum3A_151 = vector.multi_reduction <add>, %reduce_sum3A_149, %reduce_sum3A_150 [1, 2] : vector<1x200x1xf32> to vector<1xf32>
    %reduce_sum3A_152 = vector.shape_cast %reduce_sum3A_151 : vector<1xf32> to vector<1x1x1xf32>
    %reduce_sum3A_153 = vector.extract %reduce_sum3A_152[0, 0, 0] : f32 from vector<1x1x1xf32>
    %div3A_154 = arith.constant 2.000000e+02 : f32
    %div3A_155 = arith.divf %reduce_sum3A_153, %div3A_154 : f32
    %reduce_sum3A_156 = vector.shape_cast %slice3A_67 : vector<200x1xf32> to vector<1x200x1xf32>
    %reduce_sum3A_157 = arith.constant dense<0.000000e+00> : vector<1xf32>
    %reduce_sum3A_158 = vector.multi_reduction <add>, %reduce_sum3A_156, %reduce_sum3A_157 [1, 2] : vector<1x200x1xf32> to vector<1xf32>
    %reduce_sum3A_159 = vector.shape_cast %reduce_sum3A_158 : vector<1xf32> to vector<1x1x1xf32>
    %reduce_sum3A_160 = vector.extract %reduce_sum3A_159[0, 0, 0] : f32 from vector<1x1x1xf32>
    %sub3A_161 = arith.constant 1.000000e+07 : f32
    %sub3A_162 = arith.subf %sub3A_161, %reduce_sum3A_160 : f32
    %get3A_163 = arith.constant 0 : index
    %get3A_164 = arith.constant 0 : index
    %get3A_165 = arith.constant 0 : index
    %get3A_166 = vector.load %arg0[%get3A_163, %get3A_164, %get3A_165] : memref<32x256x128xf32, #tpu.memory_space<vmem>>, vector<32x256x128xf32>
    %reduce_sum3A_167 = arith.constant dense<0.000000e+00> : vector<256x128xf32>
    %reduce_sum3A_168 = vector.multi_reduction <add>, %get3A_166, %reduce_sum3A_167 [0] : vector<32x256x128xf32> to vector<256x128xf32>
    %iota3A_169 = tpu.iota {dimensions = array<i32: 0>} : vector<128x8xi32>
    %iota3A_170 = tpu.iota {dimensions = array<i32: 1>} : vector<128x8xi32>
    %shift_right_arithmetic3A = arith.constant 4 : i32
    %shift_right_arithmetic3A_171 = vector.broadcast %shift_right_arithmetic3A : i32 to vector<128x8xi32>
    %shift_right_arithmetic3A_172 = arith.shrsi %iota3A_169, %shift_right_arithmetic3A_171 : vector<128x8xi32>
    %eq3A_173 = arith.cmpi eq, %shift_right_arithmetic3A_172, %iota3A_170 : vector<128x8xi32>
    %convert_element_type3A_174 = arith.extui %eq3A_173 : vector<128x8xi1> to vector<128x8xi32>
    %convert_element_type3A_175 = arith.sitofp %convert_element_type3A_174 : vector<128x8xi32> to vector<128x8xf32>
    %dot_general3A = arith.constant dense<0.000000e+00> : vector<256x8xf32>
    %dot_general3A_176 = tpu.matmul %reduce_sum3A_168, %convert_element_type3A_175, %dot_general3A {dimension_numbers = #tpu.dot_dimension_numbers<[1], [0], [0], [1], [0, 0, 1, 1], [], []>, transpose_lhs_hint = false} : vector<256x128xf32>, vector<128x8xf32>, vector<256x8xf32> -> vector<256x8xf32>
    %iota3A_177 = tpu.iota {dimensions = array<i32: 0>} : vector<256x8xi32>
    %iota3A_178 = tpu.iota {dimensions = array<i32: 1>} : vector<256x8xi32>
    %eq3A_179 = arith.constant 0 : i32
    %eq3A_180 = vector.broadcast %eq3A_179 : i32 to vector<256x8xi32>
    %eq3A_181 = arith.cmpi eq, %iota3A_177, %eq3A_180 : vector<256x8xi32>
    %eq3A_182 = arith.constant 0 : i32
    %eq3A_183 = vector.broadcast %eq3A_182 : i32 to vector<256x8xi32>
    %eq3A_184 = arith.cmpi eq, %iota3A_178, %eq3A_183 : vector<256x8xi32>
    %and3A = arith.andi %eq3A_181, %eq3A_184 : vector<256x8xi1>
    %jit3A_185 = arith.constant 0.000000e+00 : f32
    %broadcast_in_dim3A_186 = vector.broadcast %reduce_sum3A_160 : f32 to vector<256x8xf32>
    %broadcast_in_dim3A_187 = vector.broadcast %jit3A_185 : f32 to vector<256x8xf32>
    %select_n3A_188 = arith.select %and3A, %broadcast_in_dim3A_186, %broadcast_in_dim3A_187 : vector<256x8xi1>, vector<256x8xf32>
    %sub3A_189 = arith.subf %dot_general3A_176, %select_n3A_188 : vector<256x8xf32>
    %iota3A_190 = tpu.iota {dimensions = array<i32: 0>} : vector<8x8xi32>
    %iota3A_191 = tpu.iota {dimensions = array<i32: 1>} : vector<8x8xi32>
    %le3A = arith.cmpi sle, %iota3A_190, %iota3A_191 : vector<8x8xi32>
    %convert_element_type3A_192 = arith.extui %le3A : vector<8x8xi1> to vector<8x8xi32>
    %convert_element_type3A_193 = arith.sitofp %convert_element_type3A_192 : vector<8x8xi32> to vector<8x8xf32>
    %dot_general3A_194 = arith.constant dense<0.000000e+00> : vector<256x8xf32>
    %dot_general3A_195 = tpu.matmul %sub3A_189, %convert_element_type3A_193, %dot_general3A_194 {dimension_numbers = #tpu.dot_dimension_numbers<[1], [0], [0], [1], [0, 0, 1, 1], [], []>, transpose_lhs_hint = false} : vector<256x8xf32>, vector<8x8xf32>, vector<256x8xf32> -> vector<256x8xf32>
    %slice3A_196 = vector.extract_strided_slice %dot_general3A_195 {offsets = [0, 7], sizes = [256, 1], strides = [1, 1]} : vector<256x8xf32> to vector<256x1xf32>
    %iota3A_197 = tpu.iota {dimensions = array<i32: 0>} : vector<256x256xi32>
    %iota3A_198 = tpu.iota {dimensions = array<i32: 1>} : vector<256x256xi32>
    %lt3A = arith.cmpi slt, %iota3A_198, %iota3A_197 : vector<256x256xi32>
    %convert_element_type3A_199 = arith.extui %lt3A : vector<256x256xi1> to vector<256x256xi32>
    %convert_element_type3A_200 = arith.sitofp %convert_element_type3A_199 : vector<256x256xi32> to vector<256x256xf32>
    %dot_general3A_201 = arith.constant dense<0.000000e+00> : vector<256x1xf32>
    %dot_general3A_202 = tpu.matmul %convert_element_type3A_200, %slice3A_196, %dot_general3A_201 {dimension_numbers = #tpu.dot_dimension_numbers<[1], [0], [0], [1], [0, 0, 1, 1], [], []>, transpose_lhs_hint = false} : vector<256x256xf32>, vector<256x1xf32>, vector<256x1xf32> -> vector<256x1xf32>
    %add3A_203 = vector.broadcast %dot_general3A_202 : vector<256x1xf32> to vector<256x8xf32>
    %add3A_204 = arith.addf %dot_general3A_195, %add3A_203 : vector<256x8xf32>
    %sub3A_205 = vector.broadcast %sub3A_162 : f32 to vector<256x8xf32>
    %sub3A_206 = arith.subf %sub3A_205, %add3A_204 : vector<256x8xf32>
    %add3A_207 = arith.addf %sub3A_206, %sub3A_189 : vector<256x8xf32>
    %iota3A_208 = tpu.iota {dimensions = array<i32: 0>} : vector<256x8xi32>
    %convert_element_type3A_209 = arith.sitofp %iota3A_208 : vector<256x8xi32> to vector<256x8xf32>
    %iota3A_210 = tpu.iota {dimensions = array<i32: 1>} : vector<256x8xi32>
    %convert_element_type3A_211 = arith.sitofp %iota3A_210 : vector<256x8xi32> to vector<256x8xf32>
    %mul3A_212 = arith.constant 8.000000e+00 : f32
    %mul3A_213 = vector.broadcast %mul3A_212 : f32 to vector<256x8xf32>
    %mul3A_214 = arith.mulf %convert_element_type3A_209, %mul3A_213 : vector<256x8xf32>
    %add3A_215 = arith.addf %mul3A_214, %convert_element_type3A_211 : vector<256x8xf32>
    %add3A_216 = arith.constant 5.000000e-01 : f32
    %add3A_217 = vector.broadcast %add3A_216 : f32 to vector<256x8xf32>
    %add3A_218 = arith.addf %add3A_215, %add3A_217 : vector<256x8xf32>
    %mul3A_219 = arith.constant 7.812500e-03 : f32
    %mul3A_220 = vector.broadcast %mul3A_219 : f32 to vector<256x8xf32>
    %mul3A_221 = arith.mulf %add3A_218, %mul3A_220 : vector<256x8xf32>
    %add3A_222 = arith.constant -8.000000e+00 : f32
    %add3A_223 = vector.broadcast %add3A_222 : f32 to vector<256x8xf32>
    %add3A_224 = arith.addf %add3A_223, %mul3A_221 : vector<256x8xf32>
    %neg3A = arith.constant 0.000000e+00 : f32
    %neg3A_225 = vector.broadcast %neg3A : f32 to vector<256x8xf32>
    %neg3A_226 = arith.subf %neg3A_225, %add3A_224 : vector<256x8xf32>
    %exp3A_227 = math.exp %neg3A_226 : vector<256x8xf32>
    %add3A_228 = arith.constant 1.000000e+00 : f32
    %add3A_229 = vector.broadcast %add3A_228 : f32 to vector<256x8xf32>
    %add3A_230 = arith.addf %add3A_229, %exp3A_227 : vector<256x8xf32>
    %div3A_231 = arith.constant 1.000000e+00 : f32
    %div3A_232 = vector.broadcast %div3A_231 : f32 to vector<256x8xf32>
    %div3A_233 = arith.divf %div3A_232, %add3A_230 : vector<256x8xf32>
    %add3A_234 = arith.constant 1.000000e+00 : f32
    %add3A_235 = vector.broadcast %add3A_234 : f32 to vector<256x8xf32>
    %add3A_236 = arith.addf %add3A_235, %div3A_233 : vector<256x8xf32>
    %mul3A_237 = vector.broadcast %reduce_sum3A_160 : f32 to vector<256x8xf32>
    %mul3A_238 = arith.mulf %add3A_236, %mul3A_237 : vector<256x8xf32>
    %mul3A_239 = arith.mulf %mul3A_238, %sub3A_189 : vector<256x8xf32>
    %add3A_240 = vector.broadcast %reduce_sum3A_160 : f32 to vector<256x8xf32>
    %add3A_241 = arith.addf %add3A_240, %sub3A_206 : vector<256x8xf32>
    %add3A_242 = vector.broadcast %reduce_sum3A_160 : f32 to vector<256x8xf32>
    %add3A_243 = arith.addf %add3A_242, %add3A_207 : vector<256x8xf32>
    %mul3A_244 = arith.mulf %add3A_241, %add3A_243 : vector<256x8xf32>
    %div3A_245 = arith.divf %mul3A_239, %mul3A_244 : vector<256x8xf32>
    %div3A_246 = arith.constant 1.000000e+07 : f32
    %div3A_247 = arith.divf %reduce_sum3A_18, %div3A_246 : f32
    %reduce_sum3A_248 = vector.shape_cast %div3A_245 : vector<256x8xf32> to vector<1x256x8xf32>
    %reduce_sum3A_249 = arith.constant dense<0.000000e+00> : vector<1xf32>
    %reduce_sum3A_250 = vector.multi_reduction <add>, %reduce_sum3A_248, %reduce_sum3A_249 [1, 2] : vector<1x256x8xf32> to vector<1xf32>
    %reduce_sum3A_251 = vector.shape_cast %reduce_sum3A_250 : vector<1xf32> to vector<1x1x1xf32>
    %reduce_sum3A_252 = vector.extract %reduce_sum3A_251[0, 0, 0] : f32 from vector<1x1x1xf32>
    %add3A_253 = arith.addf %div3A_247, %reduce_sum3A_252 : f32
    %get3A_254 = arith.constant 0 : index
    %get3A_255 = arith.constant 0 : index
    %get3A_256 = vector.load %arg5[%get3A_254, %get3A_255] : memref<1x8xf32, #tpu.memory_space<vmem>>, vector<1x8xf32>
    %iota3A_257 = tpu.iota {dimensions = array<i32: 1>} : vector<1x8xi32>
    %eq3A_258 = arith.constant 0 : i32
    %eq3A_259 = vector.broadcast %eq3A_258 : i32 to vector<1x8xi32>
    %eq3A_260 = arith.cmpi eq, %iota3A_257, %eq3A_259 : vector<1x8xi32>
    %eq3A_261 = arith.constant 1 : i32
    %eq3A_262 = vector.broadcast %eq3A_261 : i32 to vector<1x8xi32>
    %eq3A_263 = arith.cmpi eq, %iota3A_257, %eq3A_262 : vector<1x8xi32>
    %eq3A_264 = arith.constant 2 : i32
    %eq3A_265 = vector.broadcast %eq3A_264 : i32 to vector<1x8xi32>
    %eq3A_266 = arith.cmpi eq, %iota3A_257, %eq3A_265 : vector<1x8xi32>
    %eq3A_267 = arith.constant 3 : i32
    %eq3A_268 = vector.broadcast %eq3A_267 : i32 to vector<1x8xi32>
    %eq3A_269 = arith.cmpi eq, %iota3A_257, %eq3A_268 : vector<1x8xi32>
    %eq3A_270 = arith.constant 4 : i32
    %eq3A_271 = vector.broadcast %eq3A_270 : i32 to vector<1x8xi32>
    %eq3A_272 = arith.cmpi eq, %iota3A_257, %eq3A_271 : vector<1x8xi32>
    %jit3A_273 = arith.constant 0.000000e+00 : f32
    %broadcast_in_dim3A_274 = vector.broadcast %add3A_253 : f32 to vector<1x8xf32>
    %broadcast_in_dim3A_275 = vector.broadcast %jit3A_273 : f32 to vector<1x8xf32>
    %select_n3A_276 = arith.select %eq3A_272, %broadcast_in_dim3A_274, %broadcast_in_dim3A_275 : vector<1x8xi1>, vector<1x8xf32>
    %broadcast_in_dim3A_277 = vector.broadcast %div3A_155 : f32 to vector<1x8xf32>
    %select_n3A_278 = arith.select %eq3A_269, %broadcast_in_dim3A_277, %select_n3A_276 : vector<1x8xi1>, vector<1x8xf32>
    %broadcast_in_dim3A_279 = vector.broadcast %div3A_129 : f32 to vector<1x8xf32>
    %select_n3A_280 = arith.select %eq3A_266, %broadcast_in_dim3A_279, %select_n3A_278 : vector<1x8xi1>, vector<1x8xf32>
    %broadcast_in_dim3A_281 = vector.broadcast %div3A_108 : f32 to vector<1x8xf32>
    %select_n3A_282 = arith.select %eq3A_263, %broadcast_in_dim3A_281, %select_n3A_280 : vector<1x8xi1>, vector<1x8xf32>
    %broadcast_in_dim3A_283 = vector.broadcast %div3A : f32 to vector<1x8xf32>
    %select_n3A_284 = arith.select %eq3A_260, %broadcast_in_dim3A_283, %select_n3A_282 : vector<1x8xi1>, vector<1x8xf32>
    %mul3A_285 = arith.mulf %get3A_256, %select_n3A_284 : vector<1x8xf32>
    %reduce_sum3A_286 = vector.shape_cast %mul3A_285 : vector<1x8xf32> to vector<1x1x8xf32>
    %reduce_sum3A_287 = arith.constant dense<0.000000e+00> : vector<1xf32>
    %reduce_sum3A_288 = vector.multi_reduction <add>, %reduce_sum3A_286, %reduce_sum3A_287 [1, 2] : vector<1x1x8xf32> to vector<1xf32>
    %reduce_sum3A_289 = vector.shape_cast %reduce_sum3A_288 : vector<1xf32> to vector<1x1x1xf32>
    %reduce_sum3A_290 = vector.extract %reduce_sum3A_289[0, 0, 0] : f32 from vector<1x1x1xf32>
    %reshape3A = vector.broadcast %reduce_sum3A_290 : f32 to vector<1x1xf32>
    %swap3A = arith.constant 0 : index
    %swap3A_291 = arith.constant 0 : index
    %swap3A_292 = vector.load %arg6[%swap3A, %swap3A_291] : memref<1x1xf32, #tpu.memory_space<vmem>>, vector<1x1xf32>
    tpu.vector_store %arg6[%swap3A, %swap3A_291], %reshape3A {strides = array<i32>} : memref<1x1xf32, #tpu.memory_space<vmem>>, vector<1x1xf32>,
    return
  }
}

</mosaic_0001>

<sc_bundles>
// kernel: kernel.5.cloned.1.call-start
scs
__scs_entry_jumppad:
0x0: {  	(pc) =	sbr.rel $0x88, $3  }
0x1: {  	(tag) =	ssettag $0x0;
	lr =	simm.s32 $0x1  }
0x2: {  	[smem:$0x3F9C] =	sst lr;
	_ =	strace $0xD0000000  }
0x3: {  	_ = 	snop  }
0x4: {  	_ = 	snop  }
0x5: {  	_ = 	snop  }
0x6: {  	_ = 	snop  }
0x7: {  	_ = 	snop  }
__scs_overlays_trampoline_lowered:
0x8: {  	[smem:$0x3FAB] =	sst s0  }
0x9: {  	[smem:$0x3FAC] =	sst s1  }
0xa: {  	[smem:$0x3FAD] =	sst s2  }
0xb: {  	[smem:$0x3FAE] =	sst s3  }
0xc: {  	[smem:$0x3FAF] =	sst s4  }
0xd: {  	[smem:$0x3FB0] =	sst s5  }
0xe: {  	[smem:$0x3FB1] =	sst s6  }
0xf: {  	[smem:$0x3FB2] =	sst s7  }
0x10: {  	[smem:$0x3FB3] =	sst s8  }
0x11: {  	[smem:$0x3FB4] =	sst s9;
	s0 =	simm.s32 @!p0 $0x0  }
0x12: {  	s1 =	sld [smem:$0x3F9A];
	s0 =	simm.s32 @p0 $0x1  }
0x13: {  	[smem:$0x3FB5] =	sst s0;
	s0 =	simm.s32 @!p1 $0x0  }
0x14: {  	s2 =	sld [smem:$0x3F99];
	s0 =	simm.s32 @p1 $0x1  }
0x15: {  	[smem:$0x3FB6] =	sst s0;
	s0 =	simm.s32 @!p2 $0x0  }
0x16: {  	s3 =	sld [smem:$0x3FDB];
	s0 =	simm.s32 @p2 $0x1  }
0x17: {  	s4 =	simm.s32 $0x1BF5;
	[smem:$0x3FB8] =	sst s0  }
0x18: {  	s0 =	sld [smem:$0x3F9B];
	_ =	swait.ge [sflag:s4], $0x0  }
0x19: {  	s7 =	sld [smem:$0x3F9C]  }
0x1a: {  	s8 =	sadd.s32 $0xFFFFE003, lr  }
0x1b: {  	s9 =	sadd.s32 $0xFFFFFEF7, lr;
	s5 =	simm.s32 $0xFFFFFFFF;
	p2 =	slt.u32 s8, $0xFFFFF086  }
0x1c: {  	p1 =	slt.u32 s9, $0xF7A;
	s5 =	simm.s32 @!p2 $0x0  }
0x1d: {  	s5 =	simm.s32 @p1 $0x1;
	p0 =	seq.s32 s7, s2  }
0x1e: {  	s7 =	smul.u32 @!p0 $0xF7A, s2;
	p2 =	seq.s32 @!p0 s5, $0x0  }
0x1f: {  	s9 =	smul.u32 $0xF7A, s1;
	s8 =	simm.s32 @!p0 $0x1BF5;
	p2 =	por !p2, p0  }
0x20: {  	[sflag:s8] =	ssyncset.s32 @!p0 $0xFFFFF086;
	s6 =	sadd.s32 @!p0 s3, s7;
	s7 =	simm.s32 @!p0 $0x108  }
0x21: {  	s3 =	sadd.s32 s3, s9;
	s6 =	sadd.s32 @!p0 $0x88, s6;
	s7 =	simm.s32 @p2 $0x1082  }
0x22: {  	[simem:s7], [sflag:s8] =	dma.local @!p0 [hbm:s6], $0xF7A  }
0x23: {  	s9 =	sor.u32 $0xD0000000, s2;
	s6 =	simm.s32 $0x108;
	_ =	swait.ge @!p0 [sflag:s8], $0x0  }
0x24: {  	s3 =	sadd.s32 $0x88, s3;
	s6 =	simm.s32 @!p1 $0x1082;
	[sflag:s4] =	ssyncset.s32 $0xFFFFF086  }
0x25: {  	[simem:s6], [sflag:s4] =	dma.local [hbm:s3], $0xF7A  }
0x26: {  	[smem:$0x3F9C] =	sst s1;
	(tag) =	ssettag s2;
	_ =	strace s9  }
0x27: {  	s1 =	sld [smem:$0x3FAC]  }
0x28: {  	s2 =	sld [smem:$0x3FAD]  }
0x29: {  	s4 =	sld [smem:$0x3FAF]  }
0x2a: {  	p0 =	seq.s32 s5, $0x0;
	s5 =	sld [smem:$0x3FB0]  }
0x2b: {  	s6 =	sld [smem:$0x3FB1]  }
0x2c: {  	s7 =	sld [smem:$0x3FB2]  }
0x2d: {  	s3 =	simm.s32 $0x108;
	s8 =	sld [smem:$0x3FB3]  }
0x2e: {  	s3 =	simm.s32 @!p0 $0x1082;
	s9 =	sld [smem:$0x3FB4]  }
0x2f: {  	lr =	sadd.s32 s0, s3;
	s0 =	sld [smem:$0x3FAB]  }
0x30: {  	s3 =	sld [smem:$0x3FAE]  }
0x31: {  	[smem:$0x3FB7] =	sst s10  }
0x32: {  	s10 =	sld [smem:$0x3FB5];
	_ =	sdelay $0x3  }
0x33: {  	p0 =	seq.s32 s10, $0x1;
	s10 =	sld [smem:$0x3FB7];
	_ =	sdelay $0x3  }
0x34: {  	[smem:$0x3FB7] =	sst s10  }
0x35: {  	s10 =	sld [smem:$0x3FB6];
	_ =	sdelay $0x3  }
0x36: {  	p1 =	seq.s32 s10, $0x1;
	s10 =	sld [smem:$0x3FB7];
	_ =	sdelay $0x3  }
0x37: {  	[smem:$0x3FB7] =	sst s10  }
0x38: {  	s10 =	sld [smem:$0x3FB8]  }
0x39: {  	_ = 	snop;
	(pc) =	sbr.ind lr, $3  }
0x3a: {  	_ = 	snop  }
0x3b: {  	_ = 	snop  }
0x3c: {  	p2 =	seq.s32 s10, $0x1;
	s10 =	sld [smem:$0x3FB7]  }
0x3d: {  	_ =	shalt  }
0x3e: {  	_ =	shalt  }
0x3f: {  	_ =	shalt  }
0x40: {  	_ =	shalt  }
0x41: {  	_ =	shalt  }
0x42: {  	_ =	shalt  }
0x43: {  	_ =	shalt  }
0x44: {  	_ =	shalt  }
0x45: {  	_ =	shalt  }
0x46: {  	_ =	shalt  }
0x47: {  	_ =	shalt  }
0x48: {  	_ =	shalt  }
0x49: {  	_ =	shalt  }
0x4a: {  	_ =	shalt  }
0x4b: {  	_ =	shalt  }
0x4c: {  	_ =	shalt  }
0x4d: {  	_ =	shalt  }
0x4e: {  	_ =	shalt  }
0x4f: {  	_ =	shalt  }
0x50: {  	_ =	shalt  }
0x51: {  	_ =	shalt  }
0x52: {  	_ =	shalt  }
0x53: {  	_ =	shalt  }
0x54: {  	_ =	shalt  }
0x55: {  	_ =	shalt  }
0x56: {  	_ =	shalt  }
0x57: {  	_ =	shalt  }
0x58: {  	_ =	shalt  }
0x59: {  	_ =	shalt  }
0x5a: {  	_ =	shalt  }
0x5b: {  	_ =	shalt  }
0x5c: {  	_ =	shalt  }
0x5d: {  	_ =	shalt  }
0x5e: {  	_ =	shalt  }
0x5f: {  	_ =	shalt  }
0x60: {  	_ =	shalt  }
0x61: {  	_ =	shalt  }
0x62: {  	_ =	shalt  }
0x63: {  	_ =	shalt  }
0x64: {  	_ =	shalt  }
0x65: {  	_ =	shalt  }
0x66: {  	_ =	shalt  }
0x67: {  	_ =	shalt  }
0x68: {  	_ =	shalt  }
0x69: {  	_ =	shalt  }
0x6a: {  	_ =	shalt  }
0x6b: {  	_ =	shalt  }
0x6c: {  	_ =	shalt  }
0x6d: {  	_ =	shalt  }
0x6e: {  	_ =	shalt  }
0x6f: {  	_ =	shalt  }
0x70: {  	_ =	shalt  }
0x71: {  	_ =	shalt  }
0x72: {  	_ =	shalt  }
0x73: {  	_ =	shalt  }
0x74: {  	_ =	shalt  }
0x75: {  	_ =	shalt  }
0x76: {  	_ =	shalt  }
0x77: {  	_ =	shalt  }
0x78: {  	_ =	shalt  }
0x79: {  	_ =	shalt  }
0x7a: {  	_ =	shalt  }
0x7b: {  	_ =	shalt  }
0x7c: {  	_ =	shalt  }
0x7d: {  	_ =	shalt  }
0x7e: {  	_ =	shalt  }
0x7f: {  	_ =	shalt  }
0x80: {  	_ =	shalt  }
0x81: {  	_ =	shalt  }
0x82: {  	_ =	shalt  }
0x83: {  	_ =	shalt  }
0x84: {  	_ =	shalt  }
0x85: {  	_ =	shalt  }
0x86: {  	_ =	shalt  }
0x87: {  	_ =	shalt  }
.Lfunc_end0:
.L_simem_size_0:
called_computation_lowered:
.L_overlay_start_0:
0x88: {  	s2 =	sld [smem:$0x3FD9]  }
0x89: {  	s3 =	sld [smem:$0x3FFE];
	_ =	sdelay $0x1  }
0x8a: {  	s1 =	srdreg.scid  }
0x8b: {  	s0 =	sand.u32 $0x1, s1  }
0x8c: {  	s16 =	sshll.u32 s0, $0xA;
	s2 =	sadd.s32 s3, s2  }
0x8d: {  	s2 =	sadd.s32 s2, s16  }
0x8e: {  	[smem:$0x3FC3] =	sst s2  }
0x8f: {  	_ = 	snop  }
0x90: {  	(tm) =	ssettm $0x1  }
0x91: {  	s17 =	sld [smem:$0x3FFB];
	_ =	sdelay $0x3  }
0x92: {  	_ =	strace s17  }
0x93: {  	s2 =	sld [smem:$0x3FFC];
	_ =	sdelay $0x3  }
0x94: {  	_ =	strace s2  }
0x95: {  	s2 =	sld [smem:$0x3FFD];
	_ =	sdelay $0x3  }
0x96: {  	_ =	strace s2  }
0x97: {  	_ =	strace $0x8FFFFFFF  }
0x98: {  	s18 =	sld [smem:$0x3FDB];
	_ =	sdelay $0x1  }
0x99: {  	s19 =	simm.s32 $_scs_section_size  }
0x9a: {  	s4 =	simm.s32 $_size__tile_overlayer_lowered;
	s5 =	simm.s32 $_tile_overlayer_lowered  }
0x9b: {  	s22 =	simm.s32 $0x1BFF;
	s21 =	sshll.u32 s5, $0x1;
	s2 =	sadd.s32 s19, s18  }
0x9c: {  	s6 =	simm.s32 $0x0;
	s20 =	sshll.u32 s4, $0x1;
	s4 =	sadd.s32 s21, s2  }
0x9d: {  	[timem:s6], [sflag:s22] =	dma.local [hbm:s4], s20  }
0x9e: {  	_ =	swait.ge [sflag:s22], s20  }
0x9f: {  	s3 =	ssub.s32 $0x0, s20;
	[sflag:s22] =	ssyncset.done $0x0  }
0xa0: {  	[sflag:s22] =	ssyncadd.s32 s3;
	_ =	sdelay $0x1  }
0xa1: {  	s23 =	simm.s32 $0x1B8B  }
0xa2: {  	_ =	swait.ge [sflag:s23], $0x1  }
0xa3: {  	[sflag:s23] =	ssyncset.done $0x0  }
0xa4: {  	s25 =	simm.s32 $0x1B8E;
	s24 =	sld [smem:$0x3FFE];
	[sflag:s23] =	ssyncadd.s32 $0xFFFFFFFF  }
0xa5: {  	s26 =	simm.s32 $execute0_lowered;
	[smem:$0x3FD2] =	sst s25  }
0xa6: {  	s4 =	sshll.u32 s26, $0x1;
	_ =	strace $0x80000046;
	[dreg:$0x1] =	wrdreg $0xFFFFFFFF  }
0xa7: {  	s28 =	simm.s32 $_size_execute0_lowered;
	s2 =	sadd.s32 s2, s4;
	[dreg:$0x0] =	wrdreg $0x0  }
0xa8: {  	s4 =	sshll.u32 s28, $0x1;
	[dreg:$0x2] =	wrdreg s2  }
0xa9: {  	[dreg:$0x3] =	wrdreg s4  }
0xaa: {  	[dreg:$0x4] =	wrdreg $0xC0  }
0xab: {  	_ =	task [dreg:s6], $0x5FFFF  }
0xac: {  	[dreg:$0x1] =	wrdreg $0xFFFFFFFF  }
0xad: {  	[dreg:$0x0] =	wrdreg $0x60  }
0xae: {  	[dreg:$0x2] =	wrdreg s24  }
0xaf: {  	[dreg:$0x3] =	wrdreg $0x9  }
0xb0: {  	_ =	task.clear_ibuf [dreg:s6], $0x4FFFF;
	_ =	strace $0x90000046  }
0xb1: {  	s29 =	simm.s32 $0x9;
	_ =	strace $0x80000048  }
0xb2: {  	_ =	swait.ge [sflag:s29], $0x1  }
0xb3: {  	[sflag:s29] =	ssyncadd.s32 $0xFFFFFFFF  }
0xb4: {  	_ =	strace $0x90000048  }
0xb5: {  	_ =	sfence  }
0xb6: {  	s30 =	sld [smem:$0x0];
	_ =	sdelay $0x2  }
0xb7: {  	s31 =	sshll.u32 s1, $0xD;
	s1 =	sshrl.u32 s1, $0x2  }
0xb8: {  	s3 =	sand.u32 $0x4000, s31;
	s1 =	sadd.s32 s1, s30  }
0xb9: {  	s0 =	sor.u32 s3, s0;
	s1 =	sshll.u32 s1, $0x11  }
0xba: {  	s0 =	sor.u32 s1, s0  }
0xbb: {  	s0 =	sadd.s32 $0x8F2B, s0  }
0xbc: {  	[sflag:s0] =	ssyncadd.remote.s32 $0x1  }
0xbd: {  	_ =	sfence.sel $0xFFFF  }
0xbe: {  	[dreg:$0x0] =	wrdreg $0xFFFFFFFF;
	(pc) =	sbr.abs _section_cstart, $3  }
0xbf: {  	[dreg:$0x1] =	wrdreg $0xFFFFFFFF  }
0xc0: {  	_ =	task.clear_ibuf [dreg:s6], $0x2FFFF;
	_ =	strace $0x9FFFFFFF  }
0xc1: {  	(tm) =	ssettm $0x7FFFFFFF  }
tec
execute0_lowered:
.L_overlay_start_1:
0x0: {  	(tag) =	ssettag $0x1  }
0x1: {  	s5 =	rddreg [dreg:$0x0]  }
0x2: {  	s0 =	rddreg [dreg:$0x1];
	s2 =	simm.s32 $0x0  }
0x3: {  	s3 =	srdreg.scid;
	s1 =	stileid.u32;
	s10 =	simm.s32 $0x1  }
0x4: {  	s11 =	simm.s32 $0x9D00;
	s12 =	simm.s32 $0x11D00;
	s13 =	simm.s32 $0x2  }
0x5: {  	s14 =	simm.s32 $0x3;
	s15 =	simm.s32 $0x0;
	[smem:$0x7FF] =	sst s2  }
0x6: {  	s6 =	sand.u32 $0x1, s3;
	s30 =	sshll.u32 s1, $0x1;
	s4 =	sadd.s32 $0x132200, s5  }
0x7: {  	p0 =	slt.u32 s1, $0xA;
	_ =	strace $0x80000047;
	s3 =	sor.u32 s6, s30  }
0x8: {  	s6 =	ssub.s32 $0x2, s6;
	s7 =	sshll.u32 s3, $0xC;
	s31 =	smul.u32 $0x9C4, s3  }
0x9: {  	s9 =	sshrl.u32 s6, $0x1;
	s8 =	sadd.s32 s7, s5;
	s5 =	simm.s32 $0x10  }
0xa: {  	s9 =	ssub.s32 s6, s9;
	s5 =	simm.s32 @!p0 $0xF;
	s6 =	sadd.s32 s4, s31  }
0xb: {  	v0 =	vimm.f32 $0.0e+00;
	v1 =	vlaneseq.u32;
	v2 =	vimm.f32 $1.000000000e+00;
	s8 =	sadd.s32 $0xA00, s8;
	s9 =	smax.u32 s9, $0x1;
	s7 =	sadd.s32 $0xFFFFFFFF, s5  }
.LBB2_1:
0xc: {  	s16 =	simm.s32 $0x40;
	s17 =	simm.s32 $0x0  }
.LBB2_2:
0xd: {  	p0 =	sne.s32 s16, $0x1FFC0;
	[tilespmem:s17+$0x9D00] =	vst v0;
	s18 =	smov.u32 s16;
	s16 =	sadd.s32 $0x40, s16  }
.Ltmp0:
0xe: {  	[tilespmem:s17+$0x11D00] =	vst v0;
	(pc) =	sbr.rel @p0 .LBB2_2-.Ltmp0, $2  }
0xf: {  	_ =	sdelay $0x2  }
0x10: {  	s17 =	sshra.s32 s18, $0x2  }
.Ltmp1:
0x11: {  	(pc) =	sbr.rel .LBB2_4-.Ltmp1, $4  }
0x12: {  	_ = 	snop  }
0x13: {  	[tilespmem:s17+$0x9D00] =	vst v0  }
0x14: {  	[tilespmem:s17+$0x11D00] =	vst v0;
	s16 =	simm.s32 $0x0  }
0x15: {  	[tilespmem:s16], [sflag:$0x1] =	stream.linear.gather [hbm4b:s6+s16], $0x4E20, $0x38;
	[tilespmem:$0x19D00] =	vst v63  }
.LBB2_12:
0x16: {  	s16 =	sadd.s32 $0x1, s16  }
0x17: {  	p0 =	sne.s32 s16, $0x8  }
.Ltmp2:
0x18: {  	_ = 	snop;
	(pc) =	sbr.rel @!p0 .LBB2_13-.Ltmp2, $1  }
0x19: {  	_ =	sdelay $0x3  }
.LBB2_4:
0x1a: {  	s17 =	sshll.u32 s16, $0x1  }
0x1b: {  	p0 =	sge.u32 s17, s5  }
.Ltmp3:
0x1c: {  	_ = 	snop;
	(pc) =	sbr.rel @p0 .LBB2_8-.Ltmp3, $1  }
0x1d: {  	_ =	sdelay $0x3  }
0x1e: {  	s18 =	sor.u32 $0x1, s17  }
0x1f: {  	p0 =	sge.u32 s18, s5  }
0x20: {  	s18 =	sshll.u32 @!p0 s18, $0x5  }
0x21: {  	_ =	swait.ge [sflag:s10], $0x4E20;
	s18 =	sor.u32 @!p0 s3, s18  }
0x22: {  	[sflag:s10] =	ssyncset.done $0x0;
	s18 =	smul.u32 @!p0 $0x9C4, s18  }
0x23: {  	s23 =	simm.s32 $0x80;
	[sflag:s10] =	ssyncadd.s32 $0xFFFFB1E0  }
0x24: {  	s19 =	simm.s32 @!p0 $0x0;
	s20 =	simm.s32 @!p0 $0x4E80;
	s18 =	sadd.s32 @!p0 s4, s18  }
0x25: {  	[tilespmem:s20], [sflag:$0x2] =	stream.linear.gather @!p0 [hbm4b:s18+s19], $0x4E20, $0x38;
	[tilespmem:$0x19D00] =	vst v63  }
0x26: {  	v3 =	vld [tilespmem:s23+$0x0];
	_ =	sdelay $0x4  }
0x27: {  	v3 =	vmul.f32 $1.280000000e+02, v3;
	_ =	sdelay $0x1  }
0x28: {  	v3 =	vadd.f32 $1.024000000e+03, v3;
	_ =	sdelay $0x1  }
0x29: {  	v3 =	vmax.f32 v3, $0.0e+00  }
0x2a: {  	v3 =	vmin.f32 v3, $2.047000000e+03  }
0x2b: {  	v3 =	vtrunc.f32 v3  }
0x2c: {  	v4 =	vld [tilespmem:s23+$0xFFFFFF80];
	v3 =	vcvt.f32.s32 v3;
	_ =	sdelay $0x1  }
0x2d: {  	v3 =	vshll.u32 v3, $0x4  }
0x2e: {  	v3 =	vor.u32 v1, v3;
	_ =	sdelay $0x1  }
0x2f: {  	v4 =	vmul.f32 $1.280000000e+02, v4;
	_ =	sdelay $0x1  }
0x30: {  	v4 =	vadd.f32 $1.024000000e+03, v4  }
0x31: {  	[tilespmem:v3+s11+$0x0] =	vst.idx.add.f32.msk $0xffff, v2  }
0x32: {  	v3 =	vmax.f32 v4, $0.0e+00;
	v4 =	vld [tilespmem:s23+$0x10]  }
0x33: {  	v3 =	vmin.f32 v3, $2.047000000e+03  }
0x34: {  	v3 =	vtrunc.f32 v3  }
0x35: {  	v3 =	vcvt.f32.s32 v3;
	_ =	sdelay $0x1  }
0x36: {  	v3 =	vshll.u32 v3, $0x4;
	v4 =	vmul.f32 $1.280000000e+02, v4  }
0x37: {  	v3 =	vor.u32 v1, v3  }
0x38: {  	v4 =	vadd.f32 $1.024000000e+03, v4;
	_ =	sdelay $0x1  }
0x39: {  	v4 =	vmax.f32 v4, $0.0e+00  }
0x3a: {  	v4 =	vmin.f32 v4, $2.047000000e+03  }
0x3b: {  	[tilespmem:v3+s11+$0x0] =	vst.idx.add.f32.msk $0xffff, v2;
	v3 =	vtrunc.f32 v4  }
0x3c: {  	v4 =	vld [tilespmem:s23+$0xFFFFFF90];
	v3 =	vcvt.f32.s32 v3;
	_ =	sdelay $0x1  }
0x3d: {  	v3 =	vshll.u32 v3, $0x4  }
0x3e: {  	v3 =	vor.u32 v1, v3  }
0x3f: {  	s22 =	simm.s32 $0x180  }
0x40: {  	v5 =	vld [tilespmem:s22+$0x0];
	v4 =	vmul.f32 $1.280000000e+02, v4;
	_ =	sdelay $0x1  }
0x41: {  	v4 =	vadd.f32 $1.024000000e+03, v4  }
0x42: {  	[tilespmem:v3+s12+$0x0] =	vst.idx.add.f32.msk $0xffff, v2  }
0x43: {  	v3 =	vmax.f32 v4, $0.0e+00;
	v4 =	vld [tilespmem:s23+$0x20]  }
0x44: {  	v5 =	vmul.f32 $1.280000000e+02, v5;
	v3 =	vmin.f32 v3, $2.047000000e+03  }
0x45: {  	v3 =	vtrunc.f32 v3  }
0x46: {  	v5 =	vadd.f32 $1.024000000e+03, v5;
	v3 =	vcvt.f32.s32 v3;
	_ =	sdelay $0x1  }
0x47: {  	v5 =	vmax.f32 v5, $0.0e+00;
	v3 =	vshll.u32 v3, $0x4;
	v4 =	vmul.f32 $1.280000000e+02, v4  }
0x48: {  	v5 =	vmin.f32 v5, $2.047000000e+03;
	v3 =	vor.u32 v1, v3  }
0x49: {  	v6 =	vld [tilespmem:s22+$0xFFFFFF80];
	v5 =	vtrunc.f32 v5;
	v4 =	vadd.f32 $1.024000000e+03, v4  }
0x4a: {  	v5 =	vcvt.f32.s32 v5  }
0x4b: {  	v4 =	vmax.f32 v4, $0.0e+00  }
0x4c: {  	v5 =	vshll.u32 v5, $0x4;
	v4 =	vmin.f32 v4, $2.047000000e+03  }
0x4d: {  	[tilespmem:v3+s12+$0x0] =	vst.idx.add.f32.msk $0xffff, v2;
	v3 =	vtrunc.f32 v4;
	v4 =	vor.u32 v1, v5  }
0x4e: {  	v5 =	vmul.f32 $1.280000000e+02, v6;
	v6 =	vld [tilespmem:s23+$0xFFFFFFA0];
	v3 =	vcvt.f32.s32 v3;
	_ =	sdelay $0x1  }
0x4f: {  	v5 =	vadd.f32 $1.024000000e+03, v5;
	v3 =	vshll.u32 v3, $0x4  }
0x50: {  	v3 =	vor.u32 v1, v3  }
0x51: {  	v5 =	vmax.f32 v5, $0.0e+00;
	[tilespmem:v4+s11+$0x0] =	vst.idx.add.f32.msk $0xffff, v2  }
0x52: {  	v4 =	vmul.f32 $1.280000000e+02, v6;
	v5 =	vmin.f32 v5, $2.047000000e+03;
	v6 =	vld [tilespmem:s22+$0x10]  }
0x53: {  	v5 =	vtrunc.f32 v5  }
0x54: {  	v4 =	vadd.f32 $1.024000000e+03, v4;
	v5 =	vcvt.f32.s32 v5  }
0x55: {  	[tilespmem:v3+s11+$0x0] =	vst.idx.add.f32.msk $0xffff, v2  }
0x56: {  	v3 =	vmax.f32 v4, $0.0e+00;
	v5 =	vshll.u32 v5, $0x4;
	v4 =	vld [tilespmem:s23+$0x30]  }
0x57: {  	v3 =	vmin.f32 v3, $2.047000000e+03;
	v5 =	vor.u32 v1, v5;
	v6 =	vmul.f32 $1.280000000e+02, v6  }
0x58: {  	v3 =	vtrunc.f32 v3  }
0x59: {  	v3 =	vcvt.f32.s32 v3;
	v6 =	vadd.f32 $1.024000000e+03, v6;
	_ =	sdelay $0x1  }
0x5a: {  	v3 =	vshll.u32 v3, $0x4;
	v4 =	vmul.f32 $1.280000000e+02, v4;
	v6 =	vmax.f32 v6, $0.0e+00  }
0x5b: {  	v3 =	vor.u32 v1, v3;
	[tilespmem:v5+s11+$0x0] =	vst.idx.add.f32.msk $0xffff, v2;
	v5 =	vmin.f32 v6, $2.047000000e+03  }
0x5c: {  	v6 =	vld [tilespmem:s22+$0xFFFFFF90];
	v4 =	vadd.f32 $1.024000000e+03, v4;
	v5 =	vtrunc.f32 v5  }
0x5d: {  	v5 =	vcvt.f32.s32 v5  }
0x5e: {  	v4 =	vmax.f32 v4, $0.0e+00  }
0x5f: {  	v4 =	vmin.f32 v4, $2.047000000e+03;
	v5 =	vshll.u32 v5, $0x4  }
0x60: {  	[tilespmem:v3+s11+$0x0] =	vst.idx.add.f32.msk $0xffff, v2;
	v3 =	vtrunc.f32 v4;
	v4 =	vor.u32 v1, v5  }
0x61: {  	v5 =	vld [tilespmem:s23+$0xFFFFFFB0];
	v6 =	vmul.f32 $1.280000000e+02, v6;
	v3 =	vcvt.f32.s32 v3;
	_ =	sdelay $0x1  }
0x62: {  	s18 =	simm.s32 $0x280;
	v6 =	vadd.f32 $1.024000000e+03, v6;
	v3 =	vshll.u32 v3, $0x4  }
0x63: {  	v7 =	vld [tilespmem:s18+$0x0];
	v3 =	vor.u32 v1, v3  }
0x64: {  	[tilespmem:v4+s12+$0x0] =	vst.idx.add.f32.msk $0xffff, v2;
	v4 =	vmax.f32 v6, $0.0e+00  }
0x65: {  	v5 =	vmul.f32 $1.280000000e+02, v5;
	v6 =	vld [tilespmem:s22+$0x20];
	v4 =	vmin.f32 v4, $2.047000000e+03  }
0x66: {  	v4 =	vtrunc.f32 v4  }
0x67: {  	v5 =	vadd.f32 $1.024000000e+03, v5;
	v4 =	vcvt.f32.s32 v4  }
0x68: {  	[tilespmem:v3+s12+$0x0] =	vst.idx.add.f32.msk $0xffff, v2;
	v3 =	vmul.f32 $1.280000000e+02, v7  }
0x69: {  	v5 =	vmax.f32 v5, $0.0e+00;
	v7 =	vld [tilespmem:s23+$0x40];
	v4 =	vshll.u32 v4, $0x4  }
0x6a: {  	v3 =	vadd.f32 $1.024000000e+03, v3;
	v4 =	vor.u32 v1, v4;
	v6 =	vmul.f32 $1.280000000e+02, v6  }
0x6b: {  	v5 =	vmin.f32 v5, $2.047000000e+03  }
0x6c: {  	v5 =	vtrunc.f32 v5;
	v3 =	vmax.f32 v3, $0.0e+00;
	v6 =	vadd.f32 $1.024000000e+03, v6  }
0x6d: {  	v5 =	vcvt.f32.s32 v5;
	v3 =	vmin.f32 v3, $2.047000000e+03  }
0x6e: {  	v8 =	vld [tilespmem:s18+$0xFFFFFF80];
	v7 =	vmul.f32 $1.280000000e+02, v7;
	v3 =	vtrunc.f32 v3;
	v6 =	vmax.f32 v6, $0.0e+00  }
0x6f: {  	v3 =	vcvt.f32.s32 v3;
	[tilespmem:v4+s12+$0x0] =	vst.idx.add.f32.msk $0xffff, v2;
	v4 =	vmin.f32 v6, $2.047000000e+03  }
0x70: {  	v5 =	vshll.u32 v5, $0x4;
	v6 =	vadd.f32 $1.024000000e+03, v7;
	v7 =	vld [tilespmem:s22+$0xFFFFFFA0];
	v4 =	vtrunc.f32 v4  }
0x71: {  	v5 =	vor.u32 v1, v5;
	v3 =	vshll.u32 v3, $0x4;
	v4 =	vcvt.f32.s32 v4  }
0x72: {  	v6 =	vmax.f32 v6, $0.0e+00;
	v3 =	vor.u32 v1, v3  }
0x73: {  	v8 =	vmul.f32 $1.280000000e+02, v8;
	v6 =	vmin.f32 v6, $2.047000000e+03;
	v4 =	vshll.u32 v4, $0x4  }
0x74: {  	v6 =	vtrunc.f32 v6;
	v4 =	vor.u32 v1, v4  }
0x75: {  	v8 =	vadd.f32 $1.024000000e+03, v8;
	v6 =	vcvt.f32.s32 v6;
	v7 =	vmul.f32 $1.280000000e+02, v7  }
0x76: {  	[tilespmem:v5+s12+$0x0] =	vst.idx.add.f32.msk $0xffff, v2  }
0x77: {  	v5 =	vshll.u32 v6, $0x4;
	v6 =	vmax.f32 v8, $0.0e+00;
	[tilespmem:v3+s11+$0x0] =	vst.idx.add.f32.msk $0xffff, v2;
	v3 =	vadd.f32 $1.024000000e+03, v7  }
0x78: {  	v5 =	vor.u32 v1, v5;
	v6 =	vmin.f32 v6, $2.047000000e+03;
	v7 =	vld [tilespmem:s18+$0x10]  }
0x79: {  	v6 =	vtrunc.f32 v6;
	v3 =	vmax.f32 v3, $0.0e+00;
	[tilespmem:v4+s11+$0x0] =	vst.idx.add.f32.msk $0xffff, v2  }
0x7a: {  	v4 =	vcvt.f32.s32 v6;
	v3 =	vmin.f32 v3, $2.047000000e+03;
	v6 =	vld [tilespmem:s22+$0x30]  }
0x7b: {  	v8 =	vld [tilespmem:s23+$0xFFFFFFC0];
	v3 =	vtrunc.f32 v3  }
0x7c: {  	v4 =	vshll.u32 v4, $0x4;
	v3 =	vcvt.f32.s32 v3  }
0x7d: {  	[tilespmem:v5+s11+$0x0] =	vst.idx.add.f32.msk $0xffff, v2;
	v4 =	vor.u32 v1, v4;
	v5 =	vmul.f32 $1.280000000e+02, v7  }
0x7e: {  	v3 =	vshll.u32 v3, $0x4;
	v7 =	vld [tilespmem:s23+$0x50]  }
0x7f: {  	v5 =	vadd.f32 $1.024000000e+03, v5;
	v3 =	vor.u32 v1, v3;
	v6 =	vmul.f32 $1.280000000e+02, v6  }
0x80: {  	v8 =	vmul.f32 $1.280000000e+02, v8  }
0x81: {  	v5 =	vmax.f32 v5, $0.0e+00;
	v6 =	vadd.f32 $1.024000000e+03, v6  }
0x82: {  	v8 =	vadd.f32 $1.024000000e+03, v8;
	[tilespmem:v4+s11+$0x0] =	vst.idx.add.f32.msk $0xffff, v2;
	v4 =	vmin.f32 v5, $2.047000000e+03  }
0x83: {  	v5 =	vld [tilespmem:s18+$0xFFFFFF90];
	v4 =	vtrunc.f32 v4;
	v7 =	vmul.f32 $1.280000000e+02, v7;
	v6 =	vmax.f32 v6, $0.0e+00  }
0x84: {  	v8 =	vmax.f32 v8, $0.0e+00;
	v4 =	vcvt.f32.s32 v4;
	[tilespmem:v3+s11+$0x0] =	vst.idx.add.f32.msk $0xffff, v2;
	v3 =	vmin.f32 v6, $2.047000000e+03  }
0x85: {  	v6 =	vmin.f32 v8, $2.047000000e+03;
	v7 =	vadd.f32 $1.024000000e+03, v7;
	v3 =	vtrunc.f32 v3  }
0x86: {  	v8 =	vld [tilespmem:s22+$0xFFFFFFB0];
	v6 =	vtrunc.f32 v6;
	v4 =	vshll.u32 v4, $0x4;
	v3 =	vcvt.f32.s32 v3  }
0x87: {  	v6 =	vcvt.f32.s32 v6;
	v7 =	vmax.f32 v7, $0.0e+00;
	v4 =	vor.u32 v1, v4  }
0x88: {  	v7 =	vmin.f32 v7, $2.047000000e+03;
	v3 =	vshll.u32 v3, $0x4  }
0x89: {  	v5 =	vmul.f32 $1.280000000e+02, v5;
	v6 =	vshll.u32 v6, $0x4;
	v3 =	vor.u32 v1, v3  }
0x8a: {  	s19 =	simm.s32 $0x380;
	v7 =	vtrunc.f32 v7;
	v6 =	vor.u32 v1, v6  }
0x8b: {  	v9 =	vld [tilespmem:s19+$0x0];
	v7 =	vcvt.f32.s32 v7;
	v8 =	vmul.f32 $1.280000000e+02, v8;
	v5 =	vadd.f32 $1.024000000e+03, v5  }
0x8c: {  	[tilespmem:v4+s12+$0x0] =	vst.idx.add.f32.msk $0xffff, v2  }
0x8d: {  	v7 =	vshll.u32 v7, $0x4;
	v4 =	vadd.f32 $1.024000000e+03, v8;
	v5 =	vmax.f32 v5, $0.0e+00;
	v8 =	vld [tilespmem:s18+$0x20]  }
0x8e: {  	v7 =	vor.u32 v1, v7;
	v5 =	vmin.f32 v5, $2.047000000e+03;
	[tilespmem:v3+s12+$0x0] =	vst.idx.add.f32.msk $0xffff, v2  }
0x8f: {  	v3 =	vtrunc.f32 v5;
	[tilespmem:v6+s11+$0x0] =	vst.idx.add.f32.msk $0xffff, v2  }
0x90: {  	v4 =	vmax.f32 v4, $0.0e+00;
	v6 =	vmul.f32 $1.280000000e+02, v9;
	v5 =	vld [tilespmem:s22+$0x40];
	v3 =	vcvt.f32.s32 v3  }
0x91: {  	v4 =	vmin.f32 v4, $2.047000000e+03  }
0x92: {  	v9 =	vld [tilespmem:s23+$0xFFFFFFD0];
	v4 =	vtrunc.f32 v4;
	v6 =	vadd.f32 $1.024000000e+03, v6;
	v3 =	vshll.u32 v3, $0x4  }
0x93: {  	v4 =	vcvt.f32.s32 v4;
	[tilespmem:v7+s12+$0x0] =	vst.idx.add.f32.msk $0xffff, v2;
	v3 =	vor.u32 v1, v3;
	v7 =	vmul.f32 $1.280000000e+02, v8  }
0x94: {  	v6 =	vmax.f32 v6, $0.0e+00;
	v8 =	vld [tilespmem:s23+$0x60]  }
0x95: {  	v4 =	vshll.u32 v4, $0x4;
	v7 =	vadd.f32 $1.024000000e+03, v7;
	v5 =	vmul.f32 $1.280000000e+02, v5  }
0x96: {  	v6 =	vmin.f32 v6, $2.047000000e+03;
	v4 =	vor.u32 v1, v4  }
0x97: {  	v10 =	vld [tilespmem:s19+$0xFFFFFF80];
	v6 =	vtrunc.f32 v6;
	v7 =	vmax.f32 v7, $0.0e+00;
	v5 =	vadd.f32 $1.024000000e+03, v5  }
0x98: {  	v9 =	vmul.f32 $1.280000000e+02, v9;
	v6 =	vcvt.f32.s32 v6;
	[tilespmem:v3+s12+$0x0] =	vst.idx.add.f32.msk $0xffff, v2;
	v3 =	vmin.f32 v7, $2.047000000e+03  }
0x99: {  	v7 =	vmul.f32 $1.280000000e+02, v8;
	v8 =	vld [tilespmem:s18+$0xFFFFFFA0];
	v3 =	vtrunc.f32 v3;
	v5 =	vmax.f32 v5, $0.0e+00  }
0x9a: {  	v6 =	vshll.u32 v6, $0x4;
	v3 =	vcvt.f32.s32 v3;
	v5 =	vmin.f32 v5, $2.047000000e+03  }
0x9b: {  	v9 =	vadd.f32 $1.024000000e+03, v9;
	v6 =	vor.u32 v1, v6;
	v5 =	vtrunc.f32 v5  }
0x9c: {  	[tilespmem:v4+s12+$0x0] =	vst.idx.add.f32.msk $0xffff, v2;
	v7 =	vadd.f32 $1.024000000e+03, v7;
	v3 =	vshll.u32 v3, $0x4;
	v4 =	vcvt.f32.s32 v5  }
0x9d: {  	v5 =	vmax.f32 v9, $0.0e+00;
	v9 =	vmul.f32 $1.280000000e+02, v10;
	v10 =	vld [tilespmem:s22+$0xFFFFFFC0];
	v3 =	vor.u32 v1, v3  }
0x9e: {  	v7 =	vmax.f32 v7, $0.0e+00;
	v5 =	vmin.f32 v5, $2.047000000e+03;
	v8 =	vmul.f32 $1.280000000e+02, v8  }
0x9f: {  	v4 =	vshll.u32 v4, $0x4;
	v7 =	vmin.f32 v7, $2.047000000e+03;
	v9 =	vadd.f32 $1.024000000e+03, v9  }
0xa0: {  	[tilespmem:v6+s11+$0x0] =	vst.idx.add.f32.msk $0xffff, v2;
	v4 =	vor.u32 v1, v4;
	v7 =	vtrunc.f32 v7;
	v6 =	vadd.f32 $1.024000000e+03, v8  }
0xa1: {  	v5 =	vtrunc.f32 v5;
	v7 =	vcvt.f32.s32 v7;
	v8 =	vmax.f32 v9, $0.0e+00;
	v9 =	vld [tilespmem:s19+$0x10]  }
0xa2: {  	v8 =	vmin.f32 v8, $2.047000000e+03;
	v10 =	vmul.f32 $1.280000000e+02, v10;
	v6 =	vmax.f32 v6, $0.0e+00  }
0xa3: {  	[tilespmem:v3+s11+$0x0] =	vst.idx.add.f32.msk $0xffff, v2;
	v3 =	vshll.u32 v7, $0x4;
	v7 =	vtrunc.f32 v8;
	v6 =	vmin.f32 v6, $2.047000000e+03  }
0xa4: {  	v8 =	vld [tilespmem:s18+$0x30];
	v7 =	vcvt.f32.s32 v7;
	v10 =	vadd.f32 $1.024000000e+03, v10;
	v6 =	vtrunc.f32 v6  }
0xa5: {  	v3 =	vor.u32 v1, v3;
	[tilespmem:v4+s11+$0x0] =	vst.idx.add.f32.msk $0xffff, v2;
	v4 =	vcvt.f32.s32 v5;
	v5 =	vcvt.f32.s32 v6  }
0xa6: {  	v6 =	vld [tilespmem:s22+$0x50];
	v7 =	vshll.u32 v7, $0x4;
	v10 =	vmax.f32 v10, $0.0e+00;
	v9 =	vmul.f32 $1.280000000e+02, v9  }
0xa7: {  	v7 =	vor.u32 v1, v7;
	v10 =	vmin.f32 v10, $2.047000000e+03  }
0xa8: {  	s20 =	simm.s32 $0x480;
	v4 =	vshll.u32 v4, $0x4;
	v5 =	vshll.u32 v5, $0x4;
	v9 =	vadd.f32 $1.024000000e+03, v9  }
0xa9: {  	v11 =	vld [tilespmem:s20+$0x0];
	v10 =	vtrunc.f32 v10;
	v4 =	vor.u32 v1, v4;
	v8 =	vmul.f32 $1.280000000e+02, v8  }
0xaa: {  	v5 =	vor.u32 v1, v5;
	v10 =	vcvt.f32.s32 v10;
	[tilespmem:v3+s11+$0x0] =	vst.idx.add.f32.msk $0xffff, v2;
	v3 =	vmax.f32 v9, $0.0e+00  }
0xab: {  	v9 =	vld [tilespmem:s23+$0x70];
	v8 =	vadd.f32 $1.024000000e+03, v8;
	v6 =	vmul.f32 $1.280000000e+02, v6;
	v3 =	vmin.f32 v3, $2.047000000e+03  }
0xac: {  	v10 =	vshll.u32 v10, $0x4;
	[tilespmem:v7+s11+$0x0] =	vst.idx.add.f32.msk $0xffff, v2;
	v3 =	vtrunc.f32 v3  }
0xad: {  	v7 =	vmax.f32 v8, $0.0e+00;
	v6 =	vadd.f32 $1.024000000e+03, v6;
	v8 =	vld [tilespmem:s19+$0xFFFFFF90];
	v3 =	vcvt.f32.s32 v3  }
0xae: {  	v10 =	vor.u32 v1, v10;
	[tilespmem:v4+s12+$0x0] =	vst.idx.add.f32.msk $0xffff, v2;
	v7 =	vmin.f32 v7, $2.047000000e+03  }
0xaf: {  	[tilespmem:v5+s11+$0x0] =	vst.idx.add.f32.msk $0xffff, v2;
	v5 =	vtrunc.f32 v7;
	v6 =	vmax.f32 v6, $0.0e+00;
	v3 =	vshll.u32 v3, $0x4  }
0xb0: {  	v7 =	vld [tilespmem:s18+$0xFFFFFFB0];
	v4 =	vmul.f32 $1.280000000e+02, v9;
	v5 =	vcvt.f32.s32 v5;
	v6 =	vmin.f32 v6, $2.047000000e+03  }
0xb1: {  	v12 =	vld [tilespmem:s20+$0xFFFFFF80];
	v11 =	vmul.f32 $1.280000000e+02, v11;
	v3 =	vor.u32 v1, v3;
	v6 =	vtrunc.f32 v6  }
0xb2: {  	v9 =	vld [tilespmem:s23+$0xFFFFFFE0];
	v4 =	vadd.f32 $1.024000000e+03, v4;
	v5 =	vshll.u32 v5, $0x4;
	v6 =	vcvt.f32.s32 v6  }
0xb3: {  	[tilespmem:v10+s11+$0x0] =	vst.idx.add.f32.msk $0xffff, v2;
	v8 =	vmul.f32 $1.280000000e+02, v8;
	v5 =	vor.u32 v1, v5  }
0xb4: {  	v11 =	vadd.f32 $1.024000000e+03, v11;
	v10 =	vld [tilespmem:s22+$0xFFFFFFD0];
	v4 =	vmax.f32 v4, $0.0e+00;
	v6 =	vshll.u32 v6, $0x4  }
0xb5: {  	v7 =	vmul.f32 $1.280000000e+02, v7;
	v8 =	vadd.f32 $1.024000000e+03, v8;
	v6 =	vor.u32 v1, v6  }
0xb6: {  	v12 =	vmul.f32 $1.280000000e+02, v12;
	v11 =	vmax.f32 v11, $0.0e+00;
	v4 =	vmin.f32 v4, $2.047000000e+03;
	[tilespmem:v3+s12+$0x0] =	vst.idx.add.f32.msk $0xffff, v2  }
0xb7: {  	v3 =	vtrunc.f32 v4;
	v4 =	vadd.f32 $1.024000000e+03, v7;
	v7 =	vld [tilespmem:s19+$0x20];
	v8 =	vmax.f32 v8, $0.0e+00  }
0xb8: {  	v11 =	vmin.f32 v11, $2.047000000e+03;
	v9 =	vmul.f32 $1.280000000e+02, v9;
	v8 =	vmin.f32 v8, $2.047000000e+03;
	[tilespmem:v5+s12+$0x0] =	vst.idx.add.f32.msk $0xffff, v2  }
0xb9: {  	v5 =	vmul.f32 $1.280000000e+02, v10;
	v4 =	vmax.f32 v4, $0.0e+00;
	v8 =	vtrunc.f32 v8;
	v10 =	vld [tilespmem:s18+$0x40]  }
0xba: {  	v11 =	vtrunc.f32 v11;
	v4 =	vmin.f32 v4, $2.047000000e+03;
	v8 =	vcvt.f32.s32 v8;
	[tilespmem:v6+s12+$0x0] =	vst.idx.add.f32.msk $0xffff, v2  }
0xbb: {  	v6 =	vadd.f32 $1.024000000e+03, v9;
	v4 =	vtrunc.f32 v4;
	v5 =	vadd.f32 $1.024000000e+03, v5;
	v9 =	vld [tilespmem:s22+$0x60]  }
0xbc: {  	v4 =	vcvt.f32.s32 v4;
	v8 =	vshll.u32 v8, $0x4;
	v7 =	vmul.f32 $1.280000000e+02, v7  }
0xbd: {  	v11 =	vcvt.f32.s32 v11;
	v3 =	vcvt.f32.s32 v3;
	v8 =	vor.u32 v1, v8  }
0xbe: {  	v5 =	vmax.f32 v5, $0.0e+00;
	v4 =	vshll.u32 v4, $0x4;
	v7 =	vadd.f32 $1.024000000e+03, v7  }
0xbf: {  	v5 =	vmin.f32 v5, $2.047000000e+03;
	v10 =	vmul.f32 $1.280000000e+02, v10;
	v4 =	vor.u32 v1, v4  }
0xc0: {  	v5 =	vtrunc.f32 v5;
	v7 =	vmax.f32 v7, $0.0e+00;
	v9 =	vmul.f32 $1.280000000e+02, v9  }
0xc1: {  	v5 =	vcvt.f32.s32 v5;
	v10 =	vadd.f32 $1.024000000e+03, v10;
	v7 =	vmin.f32 v7, $2.047000000e+03  }
0xc2: {  	[tilespmem:v8+s12+$0x0] =	vst.idx.add.f32.msk $0xffff, v2;
	v8 =	vshll.u32 v11, $0x4;
	v7 =	vtrunc.f32 v7;
	v9 =	vadd.f32 $1.024000000e+03, v9  }
0xc3: {  	v5 =	vshll.u32 v5, $0x4;
	v10 =	vmax.f32 v10, $0.0e+00;
	v11 =	vld [tilespmem:s19+$0xFFFFFFA0];
	v7 =	vcvt.f32.s32 v7  }
0xc4: {  	v8 =	vor.u32 v1, v8;
	v10 =	vmin.f32 v10, $2.047000000e+03;
	v9 =	vmax.f32 v9, $0.0e+00  }
0xc5: {  	v5 =	vor.u32 v1, v5;
	[tilespmem:v4+s12+$0x0] =	vst.idx.add.f32.msk $0xffff, v2;
	v10 =	vtrunc.f32 v10;
	v9 =	vmin.f32 v9, $2.047000000e+03  }
0xc6: {  	v4 =	vshll.u32 v7, $0x4;
	v7 =	vcvt.f32.s32 v10;
	v10 =	vld [tilespmem:s18+$0xFFFFFFC0];
	v9 =	vtrunc.f32 v9  }
0xc7: {  	v13 =	vor.u32 v1, v4;
	v4 =	vcvt.f32.s32 v9;
	v9 =	vadd.f32 $1.024000000e+03, v12  }
0xc8: {  	v3 =	vshll.u32 v3, $0x4;
	v7 =	vshll.u32 v7, $0x4;
	v11 =	vmul.f32 $1.280000000e+02, v11  }
0xc9: {  	[tilespmem:v8+s11+$0x0] =	vst.idx.add.f32.msk $0xffff, v2;
	v7 =	vor.u32 v1, v7;
	v4 =	vshll.u32 v4, $0x4;
	v9 =	vmax.f32 v9, $0.0e+00  }
0xca: {  	v12 =	vld [tilespmem:s20+$0x10];
	v11 =	vadd.f32 $1.024000000e+03, v11;
	v8 =	vor.u32 v1, v4;
	v9 =	vmin.f32 v9, $2.047000000e+03  }
0xcb: {  	[tilespmem:v5+s12+$0x0] =	vst.idx.add.f32.msk $0xffff, v2;
	v4 =	vor.u32 v1, v3;
	v3 =	vtrunc.f32 v9;
	v9 =	vmul.f32 $1.280000000e+02, v10  }
0xcc: {  	v6 =	vmax.f32 v6, $0.0e+00;
	[tilespmem:v13+s11+$0x0] =	vst.idx.add.f32.msk $0xffff, v2;
	v10 =	vmax.f32 v11, $0.0e+00  }
0xcd: {  	v11 =	vld [tilespmem:s19+$0x30];
	v3 =	vcvt.f32.s32 v3;
	v10 =	vmin.f32 v10, $2.047000000e+03;
	v9 =	vadd.f32 $1.024000000e+03, v9  }
0xce: {  	v6 =	vmin.f32 v6, $2.047000000e+03;
	[tilespmem:v7+s11+$0x0] =	vst.idx.add.f32.msk $0xffff, v2;
	v7 =	vtrunc.f32 v10  }
0xcf: {  	v3 =	vshll.u32 v3, $0x4;
	[tilespmem:v8+s11+$0x0] =	vst.idx.add.f32.msk $0xffff, v2;
	v8 =	vmax.f32 v9, $0.0e+00;
	v9 =	vmul.f32 $1.280000000e+02, v12  }
0xd0: {  	s21 =	simm.s32 $0x580;
	v7 =	vcvt.f32.s32 v7;
	v3 =	vor.u32 v1, v3;
	v12 =	vld [tilespmem:s18+$0x50];
	v8 =	vmin.f32 v8, $2.047000000e+03  }
0xd1: {  	v6 =	vtrunc.f32 v6;
	v13 =	vld [tilespmem:s21+$0x0];
	v8 =	vtrunc.f32 v8;
	v9 =	vadd.f32 $1.024000000e+03, v9  }
0xd2: {  	v5 =	vcvt.f32.s32 v6;
	v10 =	vld [tilespmem:s22+$0x70];
	v7 =	vshll.u32 v7, $0x4;
	v8 =	vcvt.f32.s32 v8  }
0xd3: {  	v6 =	vmul.f32 $1.280000000e+02, v11;
	v7 =	vor.u32 v1, v7;
	v9 =	vmax.f32 v9, $0.0e+00  }
0xd4: {  	v5 =	vshll.u32 v5, $0x4;
	v8 =	vshll.u32 v8, $0x4;
	v9 =	vmin.f32 v9, $2.047000000e+03  }
0xd5: {  	[tilespmem:v3+s11+$0x0] =	vst.idx.add.f32.msk $0xffff, v2;
	v3 =	vadd.f32 $1.024000000e+03, v6;
	v6 =	vtrunc.f32 v9;
	v9 =	vmul.f32 $1.280000000e+02, v12  }
0xd6: {  	v5 =	vor.u32 v1, v5;
	v13 =	vmul.f32 $1.280000000e+02, v13;
	v11 =	vld [tilespmem:s22+$0xFFFFFFE0];
	v8 =	vor.u32 v1, v8  }
0xd7: {  	v10 =	vmul.f32 $1.280000000e+02, v10;
	v12 =	vld [tilespmem:s20+$0xFFFFFF90];
	v3 =	vmax.f32 v3, $0.0e+00;
	v9 =	vadd.f32 $1.024000000e+03, v9  }
0xd8: {  	v13 =	vadd.f32 $1.024000000e+03, v13;
	v6 =	vcvt.f32.s32 v6;
	[tilespmem:v7+s11+$0x0] =	vst.idx.add.f32.msk $0xffff, v2;
	v3 =	vmin.f32 v3, $2.047000000e+03  }
0xd9: {  	v7 =	vadd.f32 $1.024000000e+03, v10;
	v10 =	vld [tilespmem:s19+$0xFFFFFFB0];
	v3 =	vtrunc.f32 v3;
	v9 =	vmax.f32 v9, $0.0e+00  }
0xda: {  	v6 =	vshll.u32 v6, $0x4;
	v3 =	vcvt.f32.s32 v3;
	v9 =	vmin.f32 v9, $2.047000000e+03  }
0xdb: {  	v11 =	vmul.f32 $1.280000000e+02, v11;
	v6 =	vor.u32 v1, v6;
	[tilespmem:v8+s11+$0x0] =	vst.idx.add.f32.msk $0xffff, v2;
	v8 =	vtrunc.f32 v9  }
0xdc: {  	v12 =	vmul.f32 $1.280000000e+02, v12;
	v3 =	vshll.u32 v3, $0x4;
	v9 =	vld [tilespmem:s18+$0xFFFFFFD0];
	v8 =	vcvt.f32.s32 v8  }
0xdd: {  	v13 =	vmax.f32 v13, $0.0e+00;
	v11 =	vadd.f32 $1.024000000e+03, v11;
	v3 =	vor.u32 v1, v3  }
0xde: {  	v10 =	vmul.f32 $1.280000000e+02, v10;
	v12 =	vadd.f32 $1.024000000e+03, v12;
	v8 =	vshll.u32 v8, $0x4  }
0xdf: {  	v13 =	vmin.f32 v13, $2.047000000e+03;
	v7 =	vmax.f32 v7, $0.0e+00;
	v8 =	vor.u32 v1, v8  }
0xe0: {  	[tilespmem:v6+s12+$0x0] =	vst.idx.add.f32.msk $0xffff, v2;
	v6 =	vadd.f32 $1.024000000e+03, v10;
	v10 =	vmax.f32 v11, $0.0e+00;
	v11 =	vmax.f32 v12, $0.0e+00  }
0xe1: {  	v12 =	vld [tilespmem:s20+$0x20];
	v10 =	vmin.f32 v10, $2.047000000e+03;
	v11 =	vmin.f32 v11, $2.047000000e+03;
	v9 =	vmul.f32 $1.280000000e+02, v9  }
0xe2: {  	v7 =	vmin.f32 v7, $2.047000000e+03;
	[tilespmem:v3+s12+$0x0] =	vst.idx.add.f32.msk $0xffff, v2;
	v3 =	vtrunc.f32 v10;
	v10 =	vtrunc.f32 v11  }
0xe3: {  	v7 =	vtrunc.f32 v7;
	v11 =	vld [tilespmem:s19+$0x40];
	v9 =	vadd.f32 $1.024000000e+03, v9;
	v10 =	vcvt.f32.s32 v10  }
0xe4: {  	v13 =	vtrunc.f32 v13;
	v7 =	vcvt.f32.s32 v7;
	v6 =	vmax.f32 v6, $0.0e+00;
	[tilespmem:v8+s12+$0x0] =	vst.idx.add.f32.msk $0xffff, v2  }
0xe5: {  	v6 =	vmin.f32 v6, $2.047000000e+03;
	v8 =	vmax.f32 v9, $0.0e+00;
	v9 =	vshll.u32 v10, $0x4;
	v10 =	vld [tilespmem:s18+$0x60]  }
0xe6: {  	v13 =	vcvt.f32.s32 v13;
	v7 =	vshll.u32 v7, $0x4;
	v6 =	vtrunc.f32 v6  }
0xe7: {  	v6 =	vcvt.f32.s32 v6;
	v12 =	vmul.f32 $1.280000000e+02, v12;
	v9 =	vor.u32 v1, v9  }
0xe8: {  	v14 =	vld [tilespmem:s21+$0xFFFFFF80];
	v13 =	vshll.u32 v13, $0x4;
	v7 =	vor.u32 v1, v7;
	v3 =	vcvt.f32.s32 v3  }
0xe9: {  	v6 =	vshll.u32 v6, $0x4;
	v12 =	vadd.f32 $1.024000000e+03, v12;
	v11 =	vmul.f32 $1.280000000e+02, v11  }
0xea: {  	v3 =	vshll.u32 v3, $0x4;
	v6 =	vor.u32 v1, v6;
	v10 =	vmul.f32 $1.280000000e+02, v10  }
0xeb: {  	v8 =	vmin.f32 v8, $2.047000000e+03;
	v12 =	vmax.f32 v12, $0.0e+00;
	v11 =	vadd.f32 $1.024000000e+03, v11  }
0xec: {  	v8 =	vtrunc.f32 v8;
	v12 =	vmin.f32 v12, $2.047000000e+03;
	[tilespmem:v9+s12+$0x0] =	vst.idx.add.f32.msk $0xffff, v2;
	v10 =	vadd.f32 $1.024000000e+03, v10  }
0xed: {  	v9 =	vmul.f32 $1.280000000e+02, v14;
	v12 =	vtrunc.f32 v12;
	v14 =	vld [tilespmem:s20+$0xFFFFFFA0];
	v11 =	vmax.f32 v11, $0.0e+00  }
0xee: {  	v12 =	vcvt.f32.s32 v12;
	v11 =	vmin.f32 v11, $2.047000000e+03;
	v10 =	vmax.f32 v10, $0.0e+00  }
0xef: {  	[tilespmem:v6+s12+$0x0] =	vst.idx.add.f32.msk $0xffff, v2;
	v6 =	vor.u32 v1, v13;
	v11 =	vtrunc.f32 v11;
	v10 =	vmin.f32 v10, $2.047000000e+03  }
0xf0: {  	v13 =	vld [tilespmem:s19+$0xFFFFFFC0];
	v12 =	vshll.u32 v12, $0x4;
	v11 =	vcvt.f32.s32 v11;
	v10 =	vtrunc.f32 v10  }
0xf1: {  	[tilespmem:v5+s11+$0x0] =	vst.idx.add.f32.msk $0xffff, v2;
	v5 =	vadd.f32 $1.024000000e+03, v9;
	v9 =	vor.u32 v1, v12;
	v10 =	vcvt.f32.s32 v10  }
0xf2: {  	v8 =	vcvt.f32.s32 v8;
	v12 =	vld [tilespmem:s23+$0xFFFFFFF0];
	v14 =	vmul.f32 $1.280000000e+02, v14;
	v11 =	vshll.u32 v11, $0x4  }
0xf3: {  	v5 =	vmax.f32 v5, $0.0e+00;
	v11 =	vor.u32 v1, v11;
	v10 =	vshll.u32 v10, $0x4  }
0xf4: {  	v5 =	vmin.f32 v5, $2.047000000e+03;
	[tilespmem:v6+s11+$0x0] =	vst.idx.add.f32.msk $0xffff, v2;
	v6 =	vadd.f32 $1.024000000e+03, v14;
	v10 =	vor.u32 v1, v10  }
0xf5: {  	v8 =	vshll.u32 v8, $0x4;
	v5 =	vtrunc.f32 v5;
	v13 =	vmul.f32 $1.280000000e+02, v13;
	v14 =	vld [tilespmem:s21+$0x10]  }
0xf6: {  	v8 =	vor.u32 v1, v8;
	v5 =	vcvt.f32.s32 v5;
	[tilespmem:v9+s11+$0x0] =	vst.idx.add.f32.msk $0xffff, v2;
	v6 =	vmax.f32 v6, $0.0e+00  }
0xf7: {  	v9 =	vmul.f32 $1.280000000e+02, v12;
	v13 =	vadd.f32 $1.024000000e+03, v13;
	v12 =	vld [tilespmem:s20+$0x30];
	v6 =	vmin.f32 v6, $2.047000000e+03  }
0xf8: {  	v15 =	vor.u32 v1, v3;
	v3 =	vshll.u32 v5, $0x4;
	v5 =	vtrunc.f32 v6;
	[tilespmem:v11+s11+$0x0] =	vst.idx.add.f32.msk $0xffff, v2  }
0xf9: {  	v6 =	vadd.f32 $1.024000000e+03, v9;
	v9 =	vmax.f32 v13, $0.0e+00;
	v5 =	vcvt.f32.s32 v5;
	[tilespmem:v10+s11+$0x0] =	vst.idx.add.f32.msk $0xffff, v2  }
0xfa: {  	v9 =	vmin.f32 v9, $2.047000000e+03;
	v10 =	vor.u32 v1, v3;
	v3 =	vmul.f32 $1.280000000e+02, v14;
	v11 =	vld [tilespmem:s18+$0x70]  }
0xfb: {  	v13 =	vld [tilespmem:s19+$0x50];
	v6 =	vmax.f32 v6, $0.0e+00;
	v9 =	vtrunc.f32 v9;
	v5 =	vshll.u32 v5, $0x4  }
0xfc: {  	[tilespmem:v8+s12+$0x0] =	vst.idx.add.f32.msk $0xffff, v2;
	v6 =	vmin.f32 v6, $2.047000000e+03;
	v9 =	vcvt.f32.s32 v9;
	v3 =	vadd.f32 $1.024000000e+03, v3  }
0xfd: {  	v8 =	vmul.f32 $1.280000000e+02, v12;
	v12 =	vld [tilespmem:s18+$0xFFFFFFE0];
	v5 =	vor.u32 v1, v5;
	v6 =	vtrunc.f32 v6  }
0xfe: {  	[tilespmem:v4+s12+$0x0] =	vst.idx.add.f32.msk $0xffff, v2;
	v9 =	vshll.u32 v9, $0x4;
	v14 =	vmax.f32 v3, $0.0e+00;
	v3 =	vcvt.f32.s32 v6  }
0xff: {  	[tilespmem:v7+s12+$0x0] =	vst.idx.add.f32.msk $0xffff, v2;
	v6 =	vadd.f32 $1.024000000e+03, v8;
	v4 =	vmin.f32 v14, $2.047000000e+03;
	v8 =	vmul.f32 $1.280000000e+02, v11  }
0x100: {  	v9 =	vor.u32 v1, v9;
	[tilespmem:v10+s11+$0x0] =	vst.idx.add.f32.msk $0xffff, v2;
	v10 =	vmul.f32 $1.280000000e+02, v13;
	v4 =	vtrunc.f32 v4  }
0x101: {  	v11 =	vld [tilespmem:s21+$0xFFFFFF90];
	v6 =	vmax.f32 v6, $0.0e+00;
	v4 =	vcvt.f32.s32 v4;
	v8 =	vadd.f32 $1.024000000e+03, v8  }
0x102: {  	v13 =	vmul.f32 $1.280000000e+02, v12;
	[tilespmem:v5+s11+$0x0] =	vst.idx.add.f32.msk $0xffff, v2;
	v5 =	vmin.f32 v6, $2.047000000e+03;
	v6 =	vadd.f32 $1.024000000e+03, v10  }
0x103: {  	v14 =	vld [tilespmem:s20+$0xFFFFFFB0];
	v5 =	vtrunc.f32 v5;
	v4 =	vshll.u32 v4, $0x4;
	v8 =	vmax.f32 v8, $0.0e+00  }
0x104: {  	[tilespmem:v15+s11+$0x0] =	vst.idx.add.f32.msk $0xffff, v2;
	v5 =	vcvt.f32.s32 v5;
	v6 =	vmax.f32 v6, $0.0e+00;
	v7 =	vmin.f32 v8, $2.047000000e+03  }
0x105: {  	[tilespmem:v9+s11+$0x0] =	vst.idx.add.f32.msk $0xffff, v2;
	v10 =	vor.u32 v1, v4;
	v6 =	vmin.f32 v6, $2.047000000e+03;
	v7 =	vtrunc.f32 v7  }
0x106: {  	v5 =	vshll.u32 v5, $0x4;
	v6 =	vtrunc.f32 v6;
	v15 =	vcvt.f32.s32 v7;
	v7 =	vld [tilespmem:s19+$0xFFFFFFD0]  }
0x107: {  	v12 =	vmul.f32 $1.280000000e+02, v11;
	v9 =	vor.u32 v1, v5;
	v8 =	vcvt.f32.s32 v6  }
0x108: {  	s23 =	simm.s32 $0x680;
	v4 =	vld [tilespmem:s22+$0xFFFFFFF0];
	s22 =	simm.s32 $0xA;
	v11 =	vmul.f32 $1.280000000e+02, v14;
	v6 =	vadd.f32 $1.024000000e+03, v13;
	v5 =	vshll.u32 v15, $0x4  }
.LBB2_6:
0x109: {  	v13 =	vld [tilespmem:s23+$0x0];
	v12 =	vadd.f32 $1.024000000e+03, v12;
	v8 =	vshll.u32 v8, $0x4;
	v5 =	vor.u32 v1, v5  }
0x10a: {  	[tilespmem:v10+s12+$0x0] =	vst.idx.add.f32.msk $0xffff, v2;
	v10 =	vadd.f32 $1.024000000e+03, v11;
	v8 =	vor.u32 v1, v8;
	v6 =	vmax.f32 v6, $0.0e+00  }
0x10b: {  	v11 =	vmax.f32 v12, $0.0e+00;
	v12 =	vld [tilespmem:s21+$0x20];
	v7 =	vmul.f32 $1.280000000e+02, v7;
	v6 =	vmin.f32 v6, $2.047000000e+03  }
0x10c: {  	v11 =	vmin.f32 v11, $2.047000000e+03;
	v10 =	vmax.f32 v10, $0.0e+00;
	[tilespmem:v9+s12+$0x0] =	vst.idx.add.f32.msk $0xffff, v2;
	v6 =	vtrunc.f32 v6  }
0x10d: {  	v9 =	vtrunc.f32 v11;
	v10 =	vmin.f32 v10, $2.047000000e+03;
	v11 =	vld [tilespmem:s20+$0x40];
	v7 =	vadd.f32 $1.024000000e+03, v7  }
0x10e: {  	v3 =	vshll.u32 v3, $0x4;
	v9 =	vcvt.f32.s32 v9;
	v10 =	vtrunc.f32 v10;
	[tilespmem:v5+s12+$0x0] =	vst.idx.add.f32.msk $0xffff, v2  }
0x10f: {  	v5 =	vmul.f32 $1.280000000e+02, v13;
	v10 =	vcvt.f32.s32 v10;
	v7 =	vmax.f32 v7, $0.0e+00;
	[tilespmem:v8+s12+$0x0] =	vst.idx.add.f32.msk $0xffff, v2  }
0x110: {  	v6 =	vcvt.f32.s32 v6;
	v8 =	vshll.u32 v9, $0x4;
	v7 =	vmin.f32 v7, $2.047000000e+03;
	v9 =	vld [tilespmem:s19+$0x60]  }
0x111: {  	v5 =	vadd.f32 $1.024000000e+03, v5;
	v13 =	vld [tilespmem:s23+$0xFFFFFF80];
	v8 =	vor.u32 v1, v8;
	v10 =	vshll.u32 v10, $0x4  }
0x112: {  	v12 =	vmul.f32 $1.280000000e+02, v12;
	v7 =	vtrunc.f32 v7;
	v10 =	vor.u32 v1, v10  }
0x113: {  	s22 =	sadd.s32 $0x2, s22;
	v6 =	vshll.u32 v6, $0x4;
	v5 =	vmax.f32 v5, $0.0e+00;
	v7 =	vcvt.f32.s32 v7  }
0x114: {  	p0 =	slt.u32 s22, $0x9A;
	v12 =	vadd.f32 $1.024000000e+03, v12;
	v11 =	vmul.f32 $1.280000000e+02, v11;
	v5 =	vmin.f32 v5, $2.047000000e+03  }
0x115: {  	v5 =	vtrunc.f32 v5;
	v7 =	vshll.u32 v7, $0x4;
	v9 =	vmul.f32 $1.280000000e+02, v9  }
0x116: {  	v11 =	vadd.f32 $1.024000000e+03, v11;
	v5 =	vcvt.f32.s32 v5;
	[tilespmem:v8+s12+$0x0] =	vst.idx.add.f32.msk $0xffff, v2;
	v8 =	vmax.f32 v12, $0.0e+00  }
0x117: {  	v12 =	vmul.f32 $1.280000000e+02, v13;
	v13 =	vld [tilespmem:s21+$0xFFFFFFA0];
	v8 =	vmin.f32 v8, $2.047000000e+03;
	v9 =	vadd.f32 $1.024000000e+03, v9  }
0x118: {  	v5 =	vshll.u32 v5, $0x4;
	v8 =	vtrunc.f32 v8;
	[tilespmem:v10+s12+$0x0] =	vst.idx.add.f32.msk $0xffff, v2;
	v10 =	vmax.f32 v11, $0.0e+00  }
0x119: {  	v8 =	vcvt.f32.s32 v8;
	v11 =	vld [tilespmem:s20+$0xFFFFFFC0];
	v10 =	vmin.f32 v10, $2.047000000e+03;
	v9 =	vmax.f32 v9, $0.0e+00  }
0x11a: {  	v5 =	vor.u32 v1, v5;
	v10 =	vtrunc.f32 v10;
	v9 =	vmin.f32 v9, $2.047000000e+03  }
0x11b: {  	v8 =	vshll.u32 v8, $0x4;
	v10 =	vcvt.f32.s32 v10;
	v9 =	vtrunc.f32 v9  }
0x11c: {  	v12 =	vadd.f32 $1.024000000e+03, v12;
	v8 =	vor.u32 v1, v8;
	v9 =	vcvt.f32.s32 v9  }
0x11d: {  	v7 =	vor.u32 v1, v7;
	v13 =	vmul.f32 $1.280000000e+02, v13;
	v10 =	vshll.u32 v10, $0x4  }
0x11e: {  	v12 =	vmax.f32 v12, $0.0e+00;
	v10 =	vor.u32 v1, v10;
	v9 =	vshll.u32 v9, $0x4  }
0x11f: {  	v12 =	vmin.f32 v12, $2.047000000e+03;
	[tilespmem:v5+s11+$0x0] =	vst.idx.add.f32.msk $0xffff, v2;
	v5 =	vadd.f32 $1.024000000e+03, v13;
	v9 =	vor.u32 v1, v9  }
0x120: {  	v6 =	vor.u32 v1, v6;
	v12 =	vtrunc.f32 v12;
	v11 =	vmul.f32 $1.280000000e+02, v11;
	v13 =	vld [tilespmem:s23+$0x10]  }
0x121: {  	v4 =	vmul.f32 $1.280000000e+02, v4;
	v12 =	vcvt.f32.s32 v12;
	v5 =	vmax.f32 v5, $0.0e+00;
	[tilespmem:v8+s11+$0x0] =	vst.idx.add.f32.msk $0xffff, v2  }
0x122: {  	v14 =	vor.u32 v1, v3;
	v11 =	vadd.f32 $1.024000000e+03, v11;
	v5 =	vmin.f32 v5, $2.047000000e+03;
	v8 =	vld [tilespmem:s21+$0x30]  }
0x123: {  	v4 =	vadd.f32 $1.024000000e+03, v4;
	v3 =	vshll.u32 v12, $0x4;
	v5 =	vtrunc.f32 v5;
	[tilespmem:v10+s11+$0x0] =	vst.idx.add.f32.msk $0xffff, v2  }
0x124: {  	v3 =	vor.u32 v1, v3;
	v10 =	vmax.f32 v11, $0.0e+00;
	v5 =	vcvt.f32.s32 v5;
	[tilespmem:v9+s11+$0x0] =	vst.idx.add.f32.msk $0xffff, v2  }
0x125: {  	v4 =	vmax.f32 v4, $0.0e+00;
	v10 =	vmin.f32 v10, $2.047000000e+03;
	v9 =	vmul.f32 $1.280000000e+02, v13;
	v11 =	vld [tilespmem:s19+$0x70]  }
0x126: {  	v4 =	vmin.f32 v4, $2.047000000e+03;
	v10 =	vtrunc.f32 v10;
	v5 =	vshll.u32 v5, $0x4;
	v12 =	vld [tilespmem:s20+$0x50]  }
0x127: {  	v10 =	vcvt.f32.s32 v10;
	v9 =	vadd.f32 $1.024000000e+03, v9;
	v5 =	vor.u32 v1, v5;
	[tilespmem:v7+s12+$0x0] =	vst.idx.add.f32.msk $0xffff, v2  }
0x128: {  	v4 =	vtrunc.f32 v4;
	v7 =	vmul.f32 $1.280000000e+02, v8;
	v8 =	vld [tilespmem:s19+$0xFFFFFFE0]  }
0x129: {  	v10 =	vshll.u32 v10, $0x4;
	[tilespmem:v3+s11+$0x0] =	vst.idx.add.f32.msk $0xffff, v2;
	v9 =	vmax.f32 v9, $0.0e+00;
	v3 =	vcvt.f32.s32 v4  }
0x12a: {  	v7 =	vadd.f32 $1.024000000e+03, v7;
	v13 =	vld [tilespmem:s23+$0xFFFFFF90];
	v4 =	vmin.f32 v9, $2.047000000e+03;
	v9 =	vmul.f32 $1.280000000e+02, v11  }
0x12b: {  	v11 =	vor.u32 v1, v10;
	v4 =	vtrunc.f32 v4;
	v10 =	vmul.f32 $1.280000000e+02, v12;
	[tilespmem:v6+s11+$0x0] =	vst.idx.add.f32.msk $0xffff, v2  }
0x12c: {  	v4 =	vcvt.f32.s32 v4;
	[tilespmem:v5+s11+$0x0] =	vst.idx.add.f32.msk $0xffff, v2;
	v5 =	vmax.f32 v7, $0.0e+00;
	v6 =	vadd.f32 $1.024000000e+03, v9  }
0x12d: {  	v15 =	vld [tilespmem:s21+$0xFFFFFFB0];
	v5 =	vmin.f32 v5, $2.047000000e+03;
	v7 =	vadd.f32 $1.024000000e+03, v10;
	v16 =	vmul.f32 $1.280000000e+02, v8  }
0x12e: {  	v8 =	vshll.u32 v4, $0x4;
	v5 =	vtrunc.f32 v5;
	v6 =	vmax.f32 v6, $0.0e+00;
	v4 =	vld [tilespmem:s18+$0xFFFFFFF0];
	s18 =	smov.u32 s19;
	s19 =	smov.u32 s20;
	s20 =	smov.u32 s21  }
.Ltmp4:
0x12f: {  	s21 =	smov.u32 s23;
	v5 =	vcvt.f32.s32 v5;
	v7 =	vmax.f32 v7, $0.0e+00;
	v6 =	vmin.f32 v6, $2.047000000e+03;
	[tilespmem:v14+s12+$0x0] =	vst.idx.add.f32.msk $0xffff, v2;
	(pc) =	sbr.rel @p0 .LBB2_6-.Ltmp4, $4  }
0x130: {  	v10 =	vor.u32 v1, v8;
	[tilespmem:v11+s11+$0x0] =	vst.idx.add.f32.msk $0xffff, v2;
	v8 =	vmin.f32 v7, $2.047000000e+03;
	v6 =	vtrunc.f32 v6  }
0x131: {  	v5 =	vshll.u32 v5, $0x4;
	v7 =	vld [tilespmem:s19+$0xFFFFFFD0];
	v8 =	vtrunc.f32 v8;
	v14 =	vcvt.f32.s32 v6  }
0x132: {  	v12 =	vmul.f32 $1.280000000e+02, v13;
	v9 =	vor.u32 v1, v5;
	v8 =	vcvt.f32.s32 v8  }
0x133: {  	s23 =	sadd.s32 $0x100, s23;
	v6 =	vadd.f32 $1.024000000e+03, v16;
	v11 =	vmul.f32 $1.280000000e+02, v15;
	v5 =	vshll.u32 v14, $0x4  }
0x134: {  	v12 =	vadd.f32 $1.024000000e+03, v12;
	_ =	sdelay $0x1  }
0x135: {  	v12 =	vmax.f32 v12, $0.0e+00  }
0x136: {  	v12 =	vmin.f32 v12, $2.047000000e+03  }
0x137: {  	v12 =	vtrunc.f32 v12  }
0x138: {  	v12 =	vcvt.f32.s32 v12;
	_ =	sdelay $0x1  }
0x139: {  	v12 =	vshll.u32 v12, $0x4  }
0x13a: {  	[tilespmem:v10+s12+$0x0] =	vst.idx.add.f32.msk $0xffff, v2;
	v12 =	vor.u32 v1, v12  }
0x13b: {  	v10 =	vld [tilespmem:s21+$0x20];
	_ =	sdelay $0x3  }
0x13c: {  	[tilespmem:v12+s12+$0x0] =	vst.idx.add.f32.msk $0xffff, v2  }
0x13d: {  	v10 =	vmul.f32 $1.280000000e+02, v10;
	v12 =	vld [tilespmem:s21+$0xFFFFFFA0];
	_ =	sdelay $0x1  }
0x13e: {  	v10 =	vadd.f32 $1.024000000e+03, v10;
	_ =	sdelay $0x1  }
0x13f: {  	v10 =	vmax.f32 v10, $0.0e+00  }
0x140: {  	v10 =	vmin.f32 v10, $2.047000000e+03;
	v12 =	vmul.f32 $1.280000000e+02, v12  }
0x141: {  	v10 =	vtrunc.f32 v10  }
0x142: {  	v10 =	vcvt.f32.s32 v10;
	v12 =	vadd.f32 $1.024000000e+03, v12;
	_ =	sdelay $0x1  }
0x143: {  	v10 =	vshll.u32 v10, $0x4;
	v12 =	vmax.f32 v12, $0.0e+00  }
0x144: {  	v10 =	vor.u32 v1, v10;
	v12 =	vmin.f32 v12, $2.047000000e+03  }
0x145: {  	v12 =	vtrunc.f32 v12  }
0x146: {  	v12 =	vcvt.f32.s32 v12;
	_ =	sdelay $0x1  }
0x147: {  	v12 =	vshll.u32 v12, $0x4  }
0x148: {  	[tilespmem:v10+s11+$0x0] =	vst.idx.add.f32.msk $0xffff, v2;
	v12 =	vor.u32 v1, v12  }
0x149: {  	v10 =	vld [tilespmem:s21+$0x30];
	_ =	sdelay $0x3  }
0x14a: {  	[tilespmem:v12+s11+$0x0] =	vst.idx.add.f32.msk $0xffff, v2  }
0x14b: {  	v10 =	vmul.f32 $1.280000000e+02, v10;
	v12 =	vld [tilespmem:s21+$0xFFFFFFB0];
	_ =	sdelay $0x1  }
0x14c: {  	v10 =	vadd.f32 $1.024000000e+03, v10;
	_ =	sdelay $0x1  }
0x14d: {  	v10 =	vmax.f32 v10, $0.0e+00  }
0x14e: {  	v11 =	vadd.f32 $1.024000000e+03, v11;
	v10 =	vmin.f32 v10, $2.047000000e+03;
	v12 =	vmul.f32 $1.280000000e+02, v12  }
0x14f: {  	v10 =	vtrunc.f32 v10  }
0x150: {  	v11 =	vmax.f32 v11, $0.0e+00;
	v10 =	vcvt.f32.s32 v10;
	v12 =	vadd.f32 $1.024000000e+03, v12  }
0x151: {  	v11 =	vmin.f32 v11, $2.047000000e+03  }
0x152: {  	[tilespmem:v9+s12+$0x0] =	vst.idx.add.f32.msk $0xffff, v2;
	v18 =	vtrunc.f32 v11;
	v10 =	vshll.u32 v10, $0x4;
	v19 =	vmax.f32 v12, $0.0e+00  }
0x153: {  	v20 =	vld [tilespmem:s20+$0x40];
	v9 =	vcvt.f32.s32 v18;
	v10 =	vor.u32 v1, v10;
	v11 =	vmin.f32 v19, $2.047000000e+03  }
0x154: {  	v11 =	vtrunc.f32 v11  }
0x155: {  	v9 =	vshll.u32 v9, $0x4;
	v11 =	vcvt.f32.s32 v11  }
0x156: {  	v9 =	vor.u32 v1, v9  }
0x157: {  	v11 =	vshll.u32 v11, $0x4  }
0x158: {  	[tilespmem:v10+s12+$0x0] =	vst.idx.add.f32.msk $0xffff, v2;
	v12 =	vmul.f32 $1.280000000e+02, v20;
	v11 =	vor.u32 v1, v11  }
0x159: {  	v22 =	vld [tilespmem:s21+$0x40]  }
0x15a: {  	v21 =	vadd.f32 $1.024000000e+03, v12  }
0x15b: {  	[tilespmem:v9+s12+$0x0] =	vst.idx.add.f32.msk $0xffff, v2  }
0x15c: {  	v24 =	vld [tilespmem:s20+$0xFFFFFFC0];
	v23 =	vmax.f32 v21, $0.0e+00  }
0x15d: {  	v9 =	vmin.f32 v23, $2.047000000e+03;
	[tilespmem:v11+s12+$0x0] =	vst.idx.add.f32.msk $0xffff, v2  }
0x15e: {  	v12 =	vmul.f32 $1.280000000e+02, v22;
	v9 =	vtrunc.f32 v9;
	v11 =	vld [tilespmem:s21+$0xFFFFFFC0]  }
0x15f: {  	v9 =	vcvt.f32.s32 v9  }
0x160: {  	v12 =	vadd.f32 $1.024000000e+03, v12  }
0x161: {  	v10 =	vmul.f32 $1.280000000e+02, v24;
	v9 =	vshll.u32 v9, $0x4  }
0x162: {  	v12 =	vmax.f32 v12, $0.0e+00;
	v9 =	vor.u32 v1, v9  }
0x163: {  	v10 =	vadd.f32 $1.024000000e+03, v10;
	v12 =	vmin.f32 v12, $2.047000000e+03;
	v11 =	vmul.f32 $1.280000000e+02, v11  }
0x164: {  	v12 =	vtrunc.f32 v12  }
0x165: {  	v10 =	vmax.f32 v10, $0.0e+00;
	v12 =	vcvt.f32.s32 v12;
	v11 =	vadd.f32 $1.024000000e+03, v11  }
0x166: {  	v10 =	vmin.f32 v10, $2.047000000e+03  }
0x167: {  	v25 =	vtrunc.f32 v10;
	v12 =	vshll.u32 v12, $0x4;
	[tilespmem:v9+s11+$0x0] =	vst.idx.add.f32.msk $0xffff, v2;
	v26 =	vmax.f32 v11, $0.0e+00  }
0x168: {  	v12 =	vor.u32 v1, v12;
	v9 =	vcvt.f32.s32 v25;
	v27 =	vld [tilespmem:s20+$0x50];
	v10 =	vmin.f32 v26, $2.047000000e+03  }
0x169: {  	v10 =	vtrunc.f32 v10  }
0x16a: {  	v9 =	vshll.u32 v9, $0x4;
	v10 =	vcvt.f32.s32 v10  }
0x16b: {  	v7 =	vmul.f32 $1.280000000e+02, v7;
	v9 =	vor.u32 v1, v9  }
0x16c: {  	v10 =	vshll.u32 v10, $0x4  }
0x16d: {  	v7 =	vadd.f32 $1.024000000e+03, v7;
	[tilespmem:v12+s11+$0x0] =	vst.idx.add.f32.msk $0xffff, v2;
	v11 =	vmul.f32 $1.280000000e+02, v27;
	v10 =	vor.u32 v1, v10  }
0x16e: {  	v12 =	vld [tilespmem:s21+$0x50]  }
0x16f: {  	v7 =	vmax.f32 v7, $0.0e+00;
	v11 =	vadd.f32 $1.024000000e+03, v11  }
0x170: {  	v7 =	vmin.f32 v7, $2.047000000e+03;
	[tilespmem:v9+s11+$0x0] =	vst.idx.add.f32.msk $0xffff, v2  }
0x171: {  	v7 =	vtrunc.f32 v7;
	v29 =	vld [tilespmem:s20+$0xFFFFFFD0];
	v28 =	vmax.f32 v11, $0.0e+00  }
0x172: {  	v8 =	vshll.u32 v8, $0x4;
	v7 =	vcvt.f32.s32 v7;
	v9 =	vmin.f32 v28, $2.047000000e+03;
	[tilespmem:v10+s11+$0x0] =	vst.idx.add.f32.msk $0xffff, v2  }
0x173: {  	v8 =	vor.u32 v1, v8;
	v12 =	vmul.f32 $1.280000000e+02, v12;
	v9 =	vtrunc.f32 v9;
	v10 =	vld [tilespmem:s21+$0xFFFFFFD0]  }
0x174: {  	v7 =	vshll.u32 v7, $0x4;
	v9 =	vcvt.f32.s32 v9  }
0x175: {  	v7 =	vor.u32 v1, v7;
	v12 =	vadd.f32 $1.024000000e+03, v12  }
0x176: {  	v11 =	vmul.f32 $1.280000000e+02, v29;
	v9 =	vshll.u32 v9, $0x4  }
0x177: {  	v31 =	vmax.f32 v12, $0.0e+00;
	v9 =	vor.u32 v1, v9  }
0x178: {  	[tilespmem:v8+s12+$0x0] =	vst.idx.add.f32.msk $0xffff, v2;
	v30 =	vadd.f32 $1.024000000e+03, v11;
	v11 =	vmin.f32 v31, $2.047000000e+03;
	v10 =	vmul.f32 $1.280000000e+02, v10  }
0x179: {  	v32 =	vld [tilespmem:s19+$0x60];
	v11 =	vtrunc.f32 v11  }
0x17a: {  	[tilespmem:v7+s12+$0x0] =	vst.idx.add.f32.msk $0xffff, v2;
	v8 =	vmax.f32 v30, $0.0e+00;
	v11 =	vcvt.f32.s32 v11;
	v10 =	vadd.f32 $1.024000000e+03, v10  }
0x17b: {  	v38 =	vld [tilespmem:s19+$0xFFFFFFE0];
	v8 =	vmin.f32 v8, $2.047000000e+03  }
0x17c: {  	v8 =	vtrunc.f32 v8;
	v11 =	vshll.u32 v11, $0x4;
	v33 =	vmax.f32 v10, $0.0e+00  }
0x17d: {  	[tilespmem:v9+s12+$0x0] =	vst.idx.add.f32.msk $0xffff, v2;
	v8 =	vcvt.f32.s32 v8;
	v11 =	vor.u32 v1, v11;
	v9 =	vmin.f32 v33, $2.047000000e+03  }
0x17e: {  	v12 =	vmul.f32 $1.280000000e+02, v32;
	v34 =	vld [tilespmem:s20+$0x60];
	v9 =	vtrunc.f32 v9  }
0x17f: {  	v6 =	vmax.f32 v6, $0.0e+00;
	v35 =	vshll.u32 v8, $0x4;
	v36 =	vcvt.f32.s32 v9  }
0x180: {  	v37 =	vadd.f32 $1.024000000e+03, v12;
	v12 =	vmul.f32 $1.280000000e+02, v38;
	v7 =	vor.u32 v1, v35  }
0x181: {  	v6 =	vmin.f32 v6, $2.047000000e+03;
	v8 =	vshll.u32 v36, $0x4  }
0x182: {  	v6 =	vtrunc.f32 v6;
	v12 =	vadd.f32 $1.024000000e+03, v12;
	[tilespmem:v11+s12+$0x0] =	vst.idx.add.f32.msk $0xffff, v2;
	v8 =	vor.u32 v1, v8  }
0x183: {  	v6 =	vcvt.f32.s32 v6;
	v10 =	vmul.f32 $1.280000000e+02, v34;
	v11 =	vld [tilespmem:s21+$0x60]  }
0x184: {  	v12 =	vmax.f32 v12, $0.0e+00  }
0x185: {  	v6 =	vshll.u32 v6, $0x4;
	v12 =	vmin.f32 v12, $2.047000000e+03;
	v10 =	vadd.f32 $1.024000000e+03, v10;
	[tilespmem:v7+s12+$0x0] =	vst.idx.add.f32.msk $0xffff, v2  }
0x186: {  	v6 =	vor.u32 v1, v6;
	v12 =	vtrunc.f32 v12;
	v9 =	vmax.f32 v37, $0.0e+00;
	v40 =	vld [tilespmem:s20+$0xFFFFFFE0]  }
0x187: {  	v12 =	vcvt.f32.s32 v12;
	v9 =	vmin.f32 v9, $2.047000000e+03;
	v39 =	vmax.f32 v10, $0.0e+00;
	[tilespmem:v8+s12+$0x0] =	vst.idx.add.f32.msk $0xffff, v2  }
0x188: {  	v9 =	vtrunc.f32 v9;
	v7 =	vmin.f32 v39, $2.047000000e+03;
	v11 =	vmul.f32 $1.280000000e+02, v11;
	v42 =	vld [tilespmem:s21+$0xFFFFFFE0]  }
0x189: {  	v12 =	vshll.u32 v12, $0x4;
	v9 =	vcvt.f32.s32 v9;
	v7 =	vtrunc.f32 v7  }
0x18a: {  	v12 =	vor.u32 v1, v12;
	v7 =	vcvt.f32.s32 v7;
	v11 =	vadd.f32 $1.024000000e+03, v11  }
0x18b: {  	v9 =	vshll.u32 v9, $0x4;
	v10 =	vmul.f32 $1.280000000e+02, v40  }
0x18c: {  	v41 =	vor.u32 v1, v9;
	v7 =	vshll.u32 v7, $0x4;
	v44 =	vmax.f32 v11, $0.0e+00  }
0x18d: {  	[tilespmem:v6+s11+$0x0] =	vst.idx.add.f32.msk $0xffff, v2;
	v7 =	vor.u32 v1, v7;
	v43 =	vadd.f32 $1.024000000e+03, v10;
	v9 =	vmul.f32 $1.280000000e+02, v42  }
0x18e: {  	v4 =	vmul.f32 $1.280000000e+02, v4;
	v48 =	vld [tilespmem:s18+$0xFFFFFFF0];
	v10 =	vmin.f32 v44, $2.047000000e+03  }
0x18f: {  	[tilespmem:v12+s11+$0x0] =	vst.idx.add.f32.msk $0xffff, v2;
	v47 =	vtrunc.f32 v10;
	v46 =	vmax.f32 v43, $0.0e+00;
	v9 =	vadd.f32 $1.024000000e+03, v9  }
0x190: {  	v12 =	vld [tilespmem:s19+$0xFFFFFFF0];
	v8 =	vcvt.f32.s32 v47;
	v6 =	vmin.f32 v46, $2.047000000e+03  }
0x191: {  	v4 =	vadd.f32 $1.024000000e+03, v4;
	[tilespmem:v41+s11+$0x0] =	vst.idx.add.f32.msk $0xffff, v2;
	v6 =	vtrunc.f32 v6;
	v49 =	vmax.f32 v9, $0.0e+00  }
0x192: {  	v8 =	vshll.u32 v8, $0x4;
	[tilespmem:v7+s11+$0x0] =	vst.idx.add.f32.msk $0xffff, v2;
	v6 =	vcvt.f32.s32 v6;
	v7 =	vmin.f32 v49, $2.047000000e+03  }
0x193: {  	v45 =	vld [tilespmem:s19+$0x70];
	v8 =	vor.u32 v1, v8;
	v7 =	vtrunc.f32 v7  }
0x194: {  	v4 =	vmax.f32 v4, $0.0e+00;
	v50 =	vld [tilespmem:s20+$0x70];
	v6 =	vshll.u32 v6, $0x4;
	v7 =	vcvt.f32.s32 v7  }
0x195: {  	v4 =	vmin.f32 v4, $2.047000000e+03;
	v6 =	vor.u32 v1, v6  }
0x196: {  	v5 =	vor.u32 v1, v5;
	v4 =	vtrunc.f32 v4;
	v7 =	vshll.u32 v7, $0x4  }
0x197: {  	v4 =	vcvt.f32.s32 v4;
	v12 =	vmul.f32 $1.280000000e+02, v12;
	v7 =	vor.u32 v1, v7  }
0x198: {  	v3 =	vshll.u32 v3, $0x4;
	v10 =	vmul.f32 $1.280000000e+02, v48;
	v11 =	vmul.f32 $1.280000000e+02, v45;
	[tilespmem:v8+s11+$0x0] =	vst.idx.add.f32.msk $0xffff, v2  }
0x199: {  	v3 =	vor.u32 v1, v3;
	v12 =	vadd.f32 $1.024000000e+03, v12;
	v9 =	vmul.f32 $1.280000000e+02, v50;
	v52 =	vld [tilespmem:s21+$0x70]  }
0x19a: {  	v4 =	vshll.u32 v4, $0x4;
	v10 =	vadd.f32 $1.024000000e+03, v10;
	v11 =	vadd.f32 $1.024000000e+03, v11;
	[tilespmem:v6+s11+$0x0] =	vst.idx.add.f32.msk $0xffff, v2  }
0x19b: {  	v4 =	vor.u32 v1, v4;
	v12 =	vmax.f32 v12, $0.0e+00;
	v9 =	vadd.f32 $1.024000000e+03, v9;
	v55 =	vld [tilespmem:s20+$0xFFFFFFF0]  }
0x19c: {  	v54 =	vmax.f32 v10, $0.0e+00;
	v12 =	vmin.f32 v12, $2.047000000e+03;
	v11 =	vmax.f32 v11, $0.0e+00;
	[tilespmem:v7+s11+$0x0] =	vst.idx.add.f32.msk $0xffff, v2  }
0x19d: {  	v12 =	vtrunc.f32 v12;
	v51 =	vmin.f32 v11, $2.047000000e+03;
	v9 =	vmax.f32 v9, $0.0e+00;
	v58 =	vld [tilespmem:s21+$0xFFFFFFF0]  }
0x19e: {  	v12 =	vcvt.f32.s32 v12;
	v8 =	vtrunc.f32 v51;
	v9 =	vmin.f32 v9, $2.047000000e+03  }
0x19f: {  	v11 =	vmul.f32 $1.280000000e+02, v52;
	v53 =	vcvt.f32.s32 v8;
	v8 =	vmin.f32 v54, $2.047000000e+03  }
0x1a0: {  	v60 =	vshll.u32 v12, $0x4;
	v57 =	vtrunc.f32 v9;
	v56 =	vtrunc.f32 v8  }
0x1a1: {  	[tilespmem:v5+s12+$0x0] =	vst.idx.add.f32.msk $0xffff, v2;
	v5 =	vor.u32 v1, v60;
	v8 =	vcvt.f32.s32 v57;
	v10 =	vmul.f32 $1.280000000e+02, v55  }
0x1a2: {  	v11 =	vadd.f32 $1.024000000e+03, v11;
	v6 =	vshll.u32 v53, $0x4;
	v9 =	vmul.f32 $1.280000000e+02, v58  }
0x1a3: {  	v6 =	vor.u32 v1, v6;
	v8 =	vshll.u32 v8, $0x4;
	v10 =	vadd.f32 $1.024000000e+03, v10  }
0x1a4: {  	v11 =	vmax.f32 v11, $0.0e+00;
	v8 =	vor.u32 v1, v8;
	v9 =	vadd.f32 $1.024000000e+03, v9  }
0x1a5: {  	v11 =	vmin.f32 v11, $2.047000000e+03;
	v7 =	vcvt.f32.s32 v56;
	v10 =	vmax.f32 v10, $0.0e+00  }
0x1a6: {  	v11 =	vtrunc.f32 v11;
	v10 =	vmin.f32 v10, $2.047000000e+03;
	v9 =	vmax.f32 v9, $0.0e+00  }
0x1a7: {  	v11 =	vcvt.f32.s32 v11;
	v10 =	vtrunc.f32 v10;
	v9 =	vmin.f32 v9, $2.047000000e+03  }
0x1a8: {  	v7 =	vshll.u32 v7, $0x4;
	v10 =	vcvt.f32.s32 v10;
	v9 =	vtrunc.f32 v9  }
0x1a9: {  	[tilespmem:v3+s12+$0x0] =	vst.idx.add.f32.msk $0xffff, v2;
	v7 =	vor.u32 v1, v7;
	v59 =	vshll.u32 v11, $0x4;
	v9 =	vcvt.f32.s32 v9  }
0x1aa: {  	[tilespmem:v4+s12+$0x0] =	vst.idx.add.f32.msk $0xffff, v2;
	v3 =	vor.u32 v1, v59;
	v61 =	vshll.u32 v10, $0x4  }
0x1ab: {  	[tilespmem:v5+s12+$0x0] =	vst.idx.add.f32.msk $0xffff, v2;
	v62 =	vor.u32 v1, v61;
	v63 =	vshll.u32 v9, $0x4  }
0x1ac: {  	[tilespmem:v6+s12+$0x0] =	vst.idx.add.f32.msk $0xffff, v2;
	v6 =	vor.u32 v1, v63  }
0x1ad: {  	[tilespmem:v8+s12+$0x0] =	vst.idx.add.f32.msk $0xffff, v2  }
0x1ae: {  	[tilespmem:v7+s12+$0x0] =	vst.idx.add.f32.msk $0xffff, v2  }
0x1af: {  	[tilespmem:v3+s12+$0x0] =	vst.idx.add.f32.msk $0xffff, v2  }
0x1b0: {  	[tilespmem:v62+s12+$0x0] =	vst.idx.add.f32.msk $0xffff, v2  }
0x1b1: {  	[tilespmem:v6+s12+$0x0] =	vst.idx.add.f32.msk $0xffff, v2  }
.LBB2_8:
0x1b2: {  	p0 =	sge.u32 s17, s7  }
.Ltmp5:
0x1b3: {  	_ = 	snop;
	(pc) =	sbr.rel @p0 .LBB2_12-.Ltmp5, $1  }
0x1b4: {  	_ =	sdelay $0x3  }
0x1b5: {  	s17 =	sadd.s32 $0x2, s17  }
0x1b6: {  	p0 =	sge.u32 s17, s5  }
0x1b7: {  	s17 =	sshll.u32 @!p0 s17, $0x5  }
0x1b8: {  	s17 =	sor.u32 @!p0 s3, s17  }
0x1b9: {  	_ =	swait.ge [sflag:s13], $0x4E20;
	s17 =	smul.u32 @!p0 $0x9C4, s17  }
0x1ba: {  	s22 =	simm.s32 $0x4F00;
	[sflag:s13] =	ssyncset.done $0x0  }
0x1bb: {  	[sflag:s13] =	ssyncadd.s32 $0xFFFFB1E0;
	s18 =	simm.s32 @!p0 $0x0;
	s17 =	sadd.s32 @!p0 s4, s17  }
0x1bc: {  	[tilespmem:s18], [sflag:$0x1] =	stream.linear.gather @!p0 [hbm4b:s17+s18], $0x4E20, $0x38;
	[tilespmem:$0x19D00] =	vst v63  }
0x1bd: {  	v3 =	vld [tilespmem:s22+$0x0];
	_ =	sdelay $0x4  }
0x1be: {  	v3 =	vmul.f32 $1.280000000e+02, v3;
	_ =	sdelay $0x1  }
0x1bf: {  	v3 =	vadd.f32 $1.024000000e+03, v3;
	_ =	sdelay $0x1  }
0x1c0: {  	v3 =	vmax.f32 v3, $0.0e+00  }
0x1c1: {  	v3 =	vmin.f32 v3, $2.047000000e+03  }
0x1c2: {  	v3 =	vtrunc.f32 v3  }
0x1c3: {  	v4 =	vld [tilespmem:s22+$0xFFFFFF80];
	v3 =	vcvt.f32.s32 v3;
	_ =	sdelay $0x1  }
0x1c4: {  	v3 =	vshll.u32 v3, $0x4  }
0x1c5: {  	v3 =	vor.u32 v1, v3;
	_ =	sdelay $0x1  }
0x1c6: {  	v4 =	vmul.f32 $1.280000000e+02, v4;
	_ =	sdelay $0x1  }
0x1c7: {  	v4 =	vadd.f32 $1.024000000e+03, v4  }
0x1c8: {  	[tilespmem:v3+s11+$0x0] =	vst.idx.add.f32.msk $0xffff, v2  }
0x1c9: {  	v3 =	vmax.f32 v4, $0.0e+00;
	v4 =	vld [tilespmem:s22+$0x10]  }
0x1ca: {  	v3 =	vmin.f32 v3, $2.047000000e+03  }
0x1cb: {  	v3 =	vtrunc.f32 v3  }
0x1cc: {  	v3 =	vcvt.f32.s32 v3;
	_ =	sdelay $0x1  }
0x1cd: {  	v3 =	vshll.u32 v3, $0x4;
	v4 =	vmul.f32 $1.280000000e+02, v4  }
0x1ce: {  	v3 =	vor.u32 v1, v3  }
0x1cf: {  	v4 =	vadd.f32 $1.024000000e+03, v4;
	_ =	sdelay $0x1  }
0x1d0: {  	v4 =	vmax.f32 v4, $0.0e+00  }
0x1d1: {  	v4 =	vmin.f32 v4, $2.047000000e+03  }
0x1d2: {  	[tilespmem:v3+s11+$0x0] =	vst.idx.add.f32.msk $0xffff, v2;
	v3 =	vtrunc.f32 v4  }
0x1d3: {  	v4 =	vld [tilespmem:s22+$0xFFFFFF90];
	v3 =	vcvt.f32.s32 v3;
	_ =	sdelay $0x1  }
0x1d4: {  	v3 =	vshll.u32 v3, $0x4  }
0x1d5: {  	v3 =	vor.u32 v1, v3  }
0x1d6: {  	s21 =	simm.s32 $0x5000  }
0x1d7: {  	v5 =	vld [tilespmem:s21+$0x0];
	v4 =	vmul.f32 $1.280000000e+02, v4;
	_ =	sdelay $0x1  }
0x1d8: {  	v4 =	vadd.f32 $1.024000000e+03, v4  }
0x1d9: {  	[tilespmem:v3+s12+$0x0] =	vst.idx.add.f32.msk $0xffff, v2  }
0x1da: {  	v3 =	vmax.f32 v4, $0.0e+00;
	v4 =	vld [tilespmem:s22+$0x20]  }
0x1db: {  	v5 =	vmul.f32 $1.280000000e+02, v5;
	v3 =	vmin.f32 v3, $2.047000000e+03  }
0x1dc: {  	v3 =	vtrunc.f32 v3  }
0x1dd: {  	v5 =	vadd.f32 $1.024000000e+03, v5;
	v3 =	vcvt.f32.s32 v3;
	_ =	sdelay $0x1  }
0x1de: {  	v5 =	vmax.f32 v5, $0.0e+00;
	v3 =	vshll.u32 v3, $0x4;
	v4 =	vmul.f32 $1.280000000e+02, v4  }
0x1df: {  	v5 =	vmin.f32 v5, $2.047000000e+03;
	v3 =	vor.u32 v1, v3  }
0x1e0: {  	v6 =	vld [tilespmem:s21+$0xFFFFFF80];
	v5 =	vtrunc.f32 v5;
	v4 =	vadd.f32 $1.024000000e+03, v4  }
0x1e1: {  	v5 =	vcvt.f32.s32 v5  }
0x1e2: {  	v4 =	vmax.f32 v4, $0.0e+00  }
0x1e3: {  	v5 =	vshll.u32 v5, $0x4;
	v4 =	vmin.f32 v4, $2.047000000e+03  }
0x1e4: {  	[tilespmem:v3+s12+$0x0] =	vst.idx.add.f32.msk $0xffff, v2;
	v3 =	vtrunc.f32 v4;
	v4 =	vor.u32 v1, v5  }
0x1e5: {  	v5 =	vmul.f32 $1.280000000e+02, v6;
	v6 =	vld [tilespmem:s22+$0xFFFFFFA0];
	v3 =	vcvt.f32.s32 v3;
	_ =	sdelay $0x1  }
0x1e6: {  	v5 =	vadd.f32 $1.024000000e+03, v5;
	v3 =	vshll.u32 v3, $0x4  }
0x1e7: {  	v3 =	vor.u32 v1, v3  }
0x1e8: {  	v5 =	vmax.f32 v5, $0.0e+00;
	[tilespmem:v4+s11+$0x0] =	vst.idx.add.f32.msk $0xffff, v2  }
0x1e9: {  	v4 =	vmul.f32 $1.280000000e+02, v6;
	v5 =	vmin.f32 v5, $2.047000000e+03;
	v6 =	vld [tilespmem:s21+$0x10]  }
0x1ea: {  	v5 =	vtrunc.f32 v5  }
0x1eb: {  	v4 =	vadd.f32 $1.024000000e+03, v4;
	v5 =	vcvt.f32.s32 v5  }
0x1ec: {  	[tilespmem:v3+s11+$0x0] =	vst.idx.add.f32.msk $0xffff, v2  }
0x1ed: {  	v3 =	vmax.f32 v4, $0.0e+00;
	v5 =	vshll.u32 v5, $0x4;
	v4 =	vld [tilespmem:s22+$0x30]  }
0x1ee: {  	v3 =	vmin.f32 v3, $2.047000000e+03;
	v5 =	vor.u32 v1, v5;
	v6 =	vmul.f32 $1.280000000e+02, v6  }
0x1ef: {  	v3 =	vtrunc.f32 v3  }
0x1f0: {  	v3 =	vcvt.f32.s32 v3;
	v6 =	vadd.f32 $1.024000000e+03, v6;
	_ =	sdelay $0x1  }
0x1f1: {  	v3 =	vshll.u32 v3, $0x4;
	v4 =	vmul.f32 $1.280000000e+02, v4;
	v6 =	vmax.f32 v6, $0.0e+00  }
0x1f2: {  	v3 =	vor.u32 v1, v3;
	[tilespmem:v5+s11+$0x0] =	vst.idx.add.f32.msk $0xffff, v2;
	v5 =	vmin.f32 v6, $2.047000000e+03  }
0x1f3: {  	v6 =	vld [tilespmem:s21+$0xFFFFFF90];
	v4 =	vadd.f32 $1.024000000e+03, v4;
	v5 =	vtrunc.f32 v5  }
0x1f4: {  	v5 =	vcvt.f32.s32 v5  }
0x1f5: {  	v4 =	vmax.f32 v4, $0.0e+00  }
0x1f6: {  	v4 =	vmin.f32 v4, $2.047000000e+03;
	v5 =	vshll.u32 v5, $0x4  }
0x1f7: {  	[tilespmem:v3+s11+$0x0] =	vst.idx.add.f32.msk $0xffff, v2;
	v3 =	vtrunc.f32 v4;
	v4 =	vor.u32 v1, v5  }
0x1f8: {  	v5 =	vld [tilespmem:s22+$0xFFFFFFB0];
	v6 =	vmul.f32 $1.280000000e+02, v6;
	v3 =	vcvt.f32.s32 v3;
	_ =	sdelay $0x1  }
0x1f9: {  	s17 =	simm.s32 $0x5100;
	v6 =	vadd.f32 $1.024000000e+03, v6;
	v3 =	vshll.u32 v3, $0x4  }
0x1fa: {  	v7 =	vld [tilespmem:s17+$0x0];
	v3 =	vor.u32 v1, v3  }
0x1fb: {  	[tilespmem:v4+s12+$0x0] =	vst.idx.add.f32.msk $0xffff, v2;
	v4 =	vmax.f32 v6, $0.0e+00  }
0x1fc: {  	v5 =	vmul.f32 $1.280000000e+02, v5;
	v6 =	vld [tilespmem:s21+$0x20];
	v4 =	vmin.f32 v4, $2.047000000e+03  }
0x1fd: {  	v4 =	vtrunc.f32 v4  }
0x1fe: {  	v5 =	vadd.f32 $1.024000000e+03, v5;
	v4 =	vcvt.f32.s32 v4  }
0x1ff: {  	[tilespmem:v3+s12+$0x0] =	vst.idx.add.f32.msk $0xffff, v2;
	v3 =	vmul.f32 $1.280000000e+02, v7  }
0x200: {  	v5 =	vmax.f32 v5, $0.0e+00;
	v7 =	vld [tilespmem:s22+$0x40];
	v4 =	vshll.u32 v4, $0x4  }
0x201: {  	v3 =	vadd.f32 $1.024000000e+03, v3;
	v4 =	vor.u32 v1, v4;
	v6 =	vmul.f32 $1.280000000e+02, v6  }
0x202: {  	v5 =	vmin.f32 v5, $2.047000000e+03  }
0x203: {  	v5 =	vtrunc.f32 v5;
	v3 =	vmax.f32 v3, $0.0e+00;
	v6 =	vadd.f32 $1.024000000e+03, v6  }
0x204: {  	v5 =	vcvt.f32.s32 v5;
	v3 =	vmin.f32 v3, $2.047000000e+03  }
0x205: {  	v8 =	vld [tilespmem:s17+$0xFFFFFF80];
	v7 =	vmul.f32 $1.280000000e+02, v7;
	v3 =	vtrunc.f32 v3;
	v6 =	vmax.f32 v6, $0.0e+00  }
0x206: {  	v3 =	vcvt.f32.s32 v3;
	[tilespmem:v4+s12+$0x0] =	vst.idx.add.f32.msk $0xffff, v2;
	v4 =	vmin.f32 v6, $2.047000000e+03  }
0x207: {  	v5 =	vshll.u32 v5, $0x4;
	v6 =	vadd.f32 $1.024000000e+03, v7;
	v7 =	vld [tilespmem:s21+$0xFFFFFFA0];
	v4 =	vtrunc.f32 v4  }
0x208: {  	v5 =	vor.u32 v1, v5;
	v3 =	vshll.u32 v3, $0x4;
	v4 =	vcvt.f32.s32 v4  }
0x209: {  	v6 =	vmax.f32 v6, $0.0e+00;
	v3 =	vor.u32 v1, v3  }
0x20a: {  	v8 =	vmul.f32 $1.280000000e+02, v8;
	v6 =	vmin.f32 v6, $2.047000000e+03;
	v4 =	vshll.u32 v4, $0x4  }
0x20b: {  	v6 =	vtrunc.f32 v6;
	v4 =	vor.u32 v1, v4  }
0x20c: {  	v8 =	vadd.f32 $1.024000000e+03, v8;
	v6 =	vcvt.f32.s32 v6;
	v7 =	vmul.f32 $1.280000000e+02, v7  }
0x20d: {  	[tilespmem:v5+s12+$0x0] =	vst.idx.add.f32.msk $0xffff, v2  }
0x20e: {  	v5 =	vshll.u32 v6, $0x4;
	v6 =	vmax.f32 v8, $0.0e+00;
	[tilespmem:v3+s11+$0x0] =	vst.idx.add.f32.msk $0xffff, v2;
	v3 =	vadd.f32 $1.024000000e+03, v7  }
0x20f: {  	v5 =	vor.u32 v1, v5;
	v6 =	vmin.f32 v6, $2.047000000e+03;
	v7 =	vld [tilespmem:s17+$0x10]  }
0x210: {  	v6 =	vtrunc.f32 v6;
	v3 =	vmax.f32 v3, $0.0e+00;
	[tilespmem:v4+s11+$0x0] =	vst.idx.add.f32.msk $0xffff, v2  }
0x211: {  	v4 =	vcvt.f32.s32 v6;
	v3 =	vmin.f32 v3, $2.047000000e+03;
	v6 =	vld [tilespmem:s21+$0x30]  }
0x212: {  	v8 =	vld [tilespmem:s22+$0xFFFFFFC0];
	v3 =	vtrunc.f32 v3  }
0x213: {  	v4 =	vshll.u32 v4, $0x4;
	v3 =	vcvt.f32.s32 v3  }
0x214: {  	[tilespmem:v5+s11+$0x0] =	vst.idx.add.f32.msk $0xffff, v2;
	v4 =	vor.u32 v1, v4;
	v5 =	vmul.f32 $1.280000000e+02, v7  }
0x215: {  	v3 =	vshll.u32 v3, $0x4;
	v7 =	vld [tilespmem:s22+$0x50]  }
0x216: {  	v5 =	vadd.f32 $1.024000000e+03, v5;
	v3 =	vor.u32 v1, v3;
	v6 =	vmul.f32 $1.280000000e+02, v6  }
0x217: {  	v8 =	vmul.f32 $1.280000000e+02, v8  }
0x218: {  	v5 =	vmax.f32 v5, $0.0e+00;
	v6 =	vadd.f32 $1.024000000e+03, v6  }
0x219: {  	v8 =	vadd.f32 $1.024000000e+03, v8;
	[tilespmem:v4+s11+$0x0] =	vst.idx.add.f32.msk $0xffff, v2;
	v4 =	vmin.f32 v5, $2.047000000e+03  }
0x21a: {  	v5 =	vld [tilespmem:s17+$0xFFFFFF90];
	v4 =	vtrunc.f32 v4;
	v7 =	vmul.f32 $1.280000000e+02, v7;
	v6 =	vmax.f32 v6, $0.0e+00  }
0x21b: {  	v8 =	vmax.f32 v8, $0.0e+00;
	v4 =	vcvt.f32.s32 v4;
	[tilespmem:v3+s11+$0x0] =	vst.idx.add.f32.msk $0xffff, v2;
	v3 =	vmin.f32 v6, $2.047000000e+03  }
0x21c: {  	v6 =	vmin.f32 v8, $2.047000000e+03;
	v7 =	vadd.f32 $1.024000000e+03, v7;
	v3 =	vtrunc.f32 v3  }
0x21d: {  	v8 =	vld [tilespmem:s21+$0xFFFFFFB0];
	v6 =	vtrunc.f32 v6;
	v4 =	vshll.u32 v4, $0x4;
	v3 =	vcvt.f32.s32 v3  }
0x21e: {  	v6 =	vcvt.f32.s32 v6;
	v7 =	vmax.f32 v7, $0.0e+00;
	v4 =	vor.u32 v1, v4  }
0x21f: {  	v7 =	vmin.f32 v7, $2.047000000e+03;
	v3 =	vshll.u32 v3, $0x4  }
0x220: {  	v5 =	vmul.f32 $1.280000000e+02, v5;
	v6 =	vshll.u32 v6, $0x4;
	v3 =	vor.u32 v1, v3  }
0x221: {  	s18 =	simm.s32 $0x5200;
	v7 =	vtrunc.f32 v7;
	v6 =	vor.u32 v1, v6  }
0x222: {  	v9 =	vld [tilespmem:s18+$0x0];
	v7 =	vcvt.f32.s32 v7;
	v8 =	vmul.f32 $1.280000000e+02, v8;
	v5 =	vadd.f32 $1.024000000e+03, v5  }
0x223: {  	[tilespmem:v4+s12+$0x0] =	vst.idx.add.f32.msk $0xffff, v2  }
0x224: {  	v7 =	vshll.u32 v7, $0x4;
	v4 =	vadd.f32 $1.024000000e+03, v8;
	v5 =	vmax.f32 v5, $0.0e+00;
	v8 =	vld [tilespmem:s17+$0x20]  }
0x225: {  	v7 =	vor.u32 v1, v7;
	v5 =	vmin.f32 v5, $2.047000000e+03;
	[tilespmem:v3+s12+$0x0] =	vst.idx.add.f32.msk $0xffff, v2  }
0x226: {  	v3 =	vtrunc.f32 v5;
	[tilespmem:v6+s11+$0x0] =	vst.idx.add.f32.msk $0xffff, v2  }
0x227: {  	v4 =	vmax.f32 v4, $0.0e+00;
	v6 =	vmul.f32 $1.280000000e+02, v9;
	v5 =	vld [tilespmem:s21+$0x40];
	v3 =	vcvt.f32.s32 v3  }
0x228: {  	v4 =	vmin.f32 v4, $2.047000000e+03  }
0x229: {  	v9 =	vld [tilespmem:s22+$0xFFFFFFD0];
	v4 =	vtrunc.f32 v4;
	v6 =	vadd.f32 $1.024000000e+03, v6;
	v3 =	vshll.u32 v3, $0x4  }
0x22a: {  	v4 =	vcvt.f32.s32 v4;
	[tilespmem:v7+s12+$0x0] =	vst.idx.add.f32.msk $0xffff, v2;
	v3 =	vor.u32 v1, v3;
	v7 =	vmul.f32 $1.280000000e+02, v8  }
0x22b: {  	v6 =	vmax.f32 v6, $0.0e+00;
	v8 =	vld [tilespmem:s22+$0x60]  }
0x22c: {  	v4 =	vshll.u32 v4, $0x4;
	v7 =	vadd.f32 $1.024000000e+03, v7;
	v5 =	vmul.f32 $1.280000000e+02, v5  }
0x22d: {  	v6 =	vmin.f32 v6, $2.047000000e+03;
	v4 =	vor.u32 v1, v4  }
0x22e: {  	v10 =	vld [tilespmem:s18+$0xFFFFFF80];
	v6 =	vtrunc.f32 v6;
	v7 =	vmax.f32 v7, $0.0e+00;
	v5 =	vadd.f32 $1.024000000e+03, v5  }
0x22f: {  	v9 =	vmul.f32 $1.280000000e+02, v9;
	v6 =	vcvt.f32.s32 v6;
	[tilespmem:v3+s12+$0x0] =	vst.idx.add.f32.msk $0xffff, v2;
	v3 =	vmin.f32 v7, $2.047000000e+03  }
0x230: {  	v7 =	vmul.f32 $1.280000000e+02, v8;
	v8 =	vld [tilespmem:s17+$0xFFFFFFA0];
	v3 =	vtrunc.f32 v3;
	v5 =	vmax.f32 v5, $0.0e+00  }
0x231: {  	v6 =	vshll.u32 v6, $0x4;
	v3 =	vcvt.f32.s32 v3;
	v5 =	vmin.f32 v5, $2.047000000e+03  }
0x232: {  	v9 =	vadd.f32 $1.024000000e+03, v9;
	v6 =	vor.u32 v1, v6;
	v5 =	vtrunc.f32 v5  }
0x233: {  	[tilespmem:v4+s12+$0x0] =	vst.idx.add.f32.msk $0xffff, v2;
	v7 =	vadd.f32 $1.024000000e+03, v7;
	v3 =	vshll.u32 v3, $0x4;
	v4 =	vcvt.f32.s32 v5  }
0x234: {  	v5 =	vmax.f32 v9, $0.0e+00;
	v9 =	vmul.f32 $1.280000000e+02, v10;
	v10 =	vld [tilespmem:s21+$0xFFFFFFC0];
	v3 =	vor.u32 v1, v3  }
0x235: {  	v7 =	vmax.f32 v7, $0.0e+00;
	v5 =	vmin.f32 v5, $2.047000000e+03;
	v8 =	vmul.f32 $1.280000000e+02, v8  }
0x236: {  	v4 =	vshll.u32 v4, $0x4;
	v7 =	vmin.f32 v7, $2.047000000e+03;
	v9 =	vadd.f32 $1.024000000e+03, v9  }
0x237: {  	[tilespmem:v6+s11+$0x0] =	vst.idx.add.f32.msk $0xffff, v2;
	v4 =	vor.u32 v1, v4;
	v7 =	vtrunc.f32 v7;
	v6 =	vadd.f32 $1.024000000e+03, v8  }
0x238: {  	v5 =	vtrunc.f32 v5;
	v7 =	vcvt.f32.s32 v7;
	v8 =	vmax.f32 v9, $0.0e+00;
	v9 =	vld [tilespmem:s18+$0x10]  }
0x239: {  	v8 =	vmin.f32 v8, $2.047000000e+03;
	v10 =	vmul.f32 $1.280000000e+02, v10;
	v6 =	vmax.f32 v6, $0.0e+00  }
0x23a: {  	[tilespmem:v3+s11+$0x0] =	vst.idx.add.f32.msk $0xffff, v2;
	v3 =	vshll.u32 v7, $0x4;
	v7 =	vtrunc.f32 v8;
	v6 =	vmin.f32 v6, $2.047000000e+03  }
0x23b: {  	v8 =	vld [tilespmem:s17+$0x30];
	v7 =	vcvt.f32.s32 v7;
	v10 =	vadd.f32 $1.024000000e+03, v10;
	v6 =	vtrunc.f32 v6  }
0x23c: {  	v3 =	vor.u32 v1, v3;
	[tilespmem:v4+s11+$0x0] =	vst.idx.add.f32.msk $0xffff, v2;
	v4 =	vcvt.f32.s32 v5;
	v5 =	vcvt.f32.s32 v6  }
0x23d: {  	v6 =	vld [tilespmem:s21+$0x50];
	v7 =	vshll.u32 v7, $0x4;
	v10 =	vmax.f32 v10, $0.0e+00;
	v9 =	vmul.f32 $1.280000000e+02, v9  }
0x23e: {  	v7 =	vor.u32 v1, v7;
	v10 =	vmin.f32 v10, $2.047000000e+03  }
0x23f: {  	s19 =	simm.s32 $0x5300;
	v4 =	vshll.u32 v4, $0x4;
	v5 =	vshll.u32 v5, $0x4;
	v9 =	vadd.f32 $1.024000000e+03, v9  }
0x240: {  	v11 =	vld [tilespmem:s19+$0x0];
	v10 =	vtrunc.f32 v10;
	v4 =	vor.u32 v1, v4;
	v8 =	vmul.f32 $1.280000000e+02, v8  }
0x241: {  	v5 =	vor.u32 v1, v5;
	v10 =	vcvt.f32.s32 v10;
	[tilespmem:v3+s11+$0x0] =	vst.idx.add.f32.msk $0xffff, v2;
	v3 =	vmax.f32 v9, $0.0e+00  }
0x242: {  	v9 =	vld [tilespmem:s22+$0x70];
	v8 =	vadd.f32 $1.024000000e+03, v8;
	v6 =	vmul.f32 $1.280000000e+02, v6;
	v3 =	vmin.f32 v3, $2.047000000e+03  }
0x243: {  	v10 =	vshll.u32 v10, $0x4;
	[tilespmem:v7+s11+$0x0] =	vst.idx.add.f32.msk $0xffff, v2;
	v3 =	vtrunc.f32 v3  }
0x244: {  	v7 =	vmax.f32 v8, $0.0e+00;
	v6 =	vadd.f32 $1.024000000e+03, v6;
	v8 =	vld [tilespmem:s18+$0xFFFFFF90];
	v3 =	vcvt.f32.s32 v3  }
0x245: {  	v10 =	vor.u32 v1, v10;
	[tilespmem:v4+s12+$0x0] =	vst.idx.add.f32.msk $0xffff, v2;
	v7 =	vmin.f32 v7, $2.047000000e+03  }
0x246: {  	[tilespmem:v5+s11+$0x0] =	vst.idx.add.f32.msk $0xffff, v2;
	v5 =	vtrunc.f32 v7;
	v6 =	vmax.f32 v6, $0.0e+00;
	v3 =	vshll.u32 v3, $0x4  }
0x247: {  	v7 =	vld [tilespmem:s17+$0xFFFFFFB0];
	v4 =	vmul.f32 $1.280000000e+02, v9;
	v5 =	vcvt.f32.s32 v5;
	v6 =	vmin.f32 v6, $2.047000000e+03  }
0x248: {  	v12 =	vld [tilespmem:s19+$0xFFFFFF80];
	v11 =	vmul.f32 $1.280000000e+02, v11;
	v3 =	vor.u32 v1, v3;
	v6 =	vtrunc.f32 v6  }
0x249: {  	v9 =	vld [tilespmem:s22+$0xFFFFFFE0];
	v4 =	vadd.f32 $1.024000000e+03, v4;
	v5 =	vshll.u32 v5, $0x4;
	v6 =	vcvt.f32.s32 v6  }
0x24a: {  	[tilespmem:v10+s11+$0x0] =	vst.idx.add.f32.msk $0xffff, v2;
	v8 =	vmul.f32 $1.280000000e+02, v8;
	v5 =	vor.u32 v1, v5  }
0x24b: {  	v11 =	vadd.f32 $1.024000000e+03, v11;
	v10 =	vld [tilespmem:s21+$0xFFFFFFD0];
	v4 =	vmax.f32 v4, $0.0e+00;
	v6 =	vshll.u32 v6, $0x4  }
0x24c: {  	v7 =	vmul.f32 $1.280000000e+02, v7;
	v8 =	vadd.f32 $1.024000000e+03, v8;
	v6 =	vor.u32 v1, v6  }
0x24d: {  	v12 =	vmul.f32 $1.280000000e+02, v12;
	v11 =	vmax.f32 v11, $0.0e+00;
	v4 =	vmin.f32 v4, $2.047000000e+03;
	[tilespmem:v3+s12+$0x0] =	vst.idx.add.f32.msk $0xffff, v2  }
0x24e: {  	v3 =	vtrunc.f32 v4;
	v4 =	vadd.f32 $1.024000000e+03, v7;
	v7 =	vld [tilespmem:s18+$0x20];
	v8 =	vmax.f32 v8, $0.0e+00  }
0x24f: {  	v11 =	vmin.f32 v11, $2.047000000e+03;
	v9 =	vmul.f32 $1.280000000e+02, v9;
	v8 =	vmin.f32 v8, $2.047000000e+03;
	[tilespmem:v5+s12+$0x0] =	vst.idx.add.f32.msk $0xffff, v2  }
0x250: {  	v5 =	vmul.f32 $1.280000000e+02, v10;
	v4 =	vmax.f32 v4, $0.0e+00;
	v8 =	vtrunc.f32 v8;
	v10 =	vld [tilespmem:s17+$0x40]  }
0x251: {  	v11 =	vtrunc.f32 v11;
	v4 =	vmin.f32 v4, $2.047000000e+03;
	v8 =	vcvt.f32.s32 v8;
	[tilespmem:v6+s12+$0x0] =	vst.idx.add.f32.msk $0xffff, v2  }
0x252: {  	v6 =	vadd.f32 $1.024000000e+03, v9;
	v4 =	vtrunc.f32 v4;
	v5 =	vadd.f32 $1.024000000e+03, v5;
	v9 =	vld [tilespmem:s21+$0x60]  }
0x253: {  	v4 =	vcvt.f32.s32 v4;
	v8 =	vshll.u32 v8, $0x4;
	v7 =	vmul.f32 $1.280000000e+02, v7  }
0x254: {  	v11 =	vcvt.f32.s32 v11;
	v3 =	vcvt.f32.s32 v3;
	v8 =	vor.u32 v1, v8  }
0x255: {  	v5 =	vmax.f32 v5, $0.0e+00;
	v4 =	vshll.u32 v4, $0x4;
	v7 =	vadd.f32 $1.024000000e+03, v7  }
0x256: {  	v5 =	vmin.f32 v5, $2.047000000e+03;
	v10 =	vmul.f32 $1.280000000e+02, v10;
	v4 =	vor.u32 v1, v4  }
0x257: {  	v5 =	vtrunc.f32 v5;
	v7 =	vmax.f32 v7, $0.0e+00;
	v9 =	vmul.f32 $1.280000000e+02, v9  }
0x258: {  	v5 =	vcvt.f32.s32 v5;
	v10 =	vadd.f32 $1.024000000e+03, v10;
	v7 =	vmin.f32 v7, $2.047000000e+03  }
0x259: {  	[tilespmem:v8+s12+$0x0] =	vst.idx.add.f32.msk $0xffff, v2;
	v8 =	vshll.u32 v11, $0x4;
	v7 =	vtrunc.f32 v7;
	v9 =	vadd.f32 $1.024000000e+03, v9  }
0x25a: {  	v5 =	vshll.u32 v5, $0x4;
	v10 =	vmax.f32 v10, $0.0e+00;
	v11 =	vld [tilespmem:s18+$0xFFFFFFA0];
	v7 =	vcvt.f32.s32 v7  }
0x25b: {  	v8 =	vor.u32 v1, v8;
	v10 =	vmin.f32 v10, $2.047000000e+03;
	v9 =	vmax.f32 v9, $0.0e+00  }
0x25c: {  	v5 =	vor.u32 v1, v5;
	[tilespmem:v4+s12+$0x0] =	vst.idx.add.f32.msk $0xffff, v2;
	v10 =	vtrunc.f32 v10;
	v9 =	vmin.f32 v9, $2.047000000e+03  }
0x25d: {  	v4 =	vshll.u32 v7, $0x4;
	v7 =	vcvt.f32.s32 v10;
	v10 =	vld [tilespmem:s17+$0xFFFFFFC0];
	v9 =	vtrunc.f32 v9  }
0x25e: {  	v13 =	vor.u32 v1, v4;
	v4 =	vcvt.f32.s32 v9;
	v9 =	vadd.f32 $1.024000000e+03, v12  }
0x25f: {  	v3 =	vshll.u32 v3, $0x4;
	v7 =	vshll.u32 v7, $0x4;
	v11 =	vmul.f32 $1.280000000e+02, v11  }
0x260: {  	[tilespmem:v8+s11+$0x0] =	vst.idx.add.f32.msk $0xffff, v2;
	v7 =	vor.u32 v1, v7;
	v4 =	vshll.u32 v4, $0x4;
	v9 =	vmax.f32 v9, $0.0e+00  }
0x261: {  	v12 =	vld [tilespmem:s19+$0x10];
	v11 =	vadd.f32 $1.024000000e+03, v11;
	v8 =	vor.u32 v1, v4;
	v9 =	vmin.f32 v9, $2.047000000e+03  }
0x262: {  	[tilespmem:v5+s12+$0x0] =	vst.idx.add.f32.msk $0xffff, v2;
	v4 =	vor.u32 v1, v3;
	v3 =	vtrunc.f32 v9;
	v9 =	vmul.f32 $1.280000000e+02, v10  }
0x263: {  	v6 =	vmax.f32 v6, $0.0e+00;
	[tilespmem:v13+s11+$0x0] =	vst.idx.add.f32.msk $0xffff, v2;
	v10 =	vmax.f32 v11, $0.0e+00  }
0x264: {  	v11 =	vld [tilespmem:s18+$0x30];
	v3 =	vcvt.f32.s32 v3;
	v10 =	vmin.f32 v10, $2.047000000e+03;
	v9 =	vadd.f32 $1.024000000e+03, v9  }
0x265: {  	v6 =	vmin.f32 v6, $2.047000000e+03;
	[tilespmem:v7+s11+$0x0] =	vst.idx.add.f32.msk $0xffff, v2;
	v7 =	vtrunc.f32 v10  }
0x266: {  	v3 =	vshll.u32 v3, $0x4;
	[tilespmem:v8+s11+$0x0] =	vst.idx.add.f32.msk $0xffff, v2;
	v8 =	vmax.f32 v9, $0.0e+00;
	v9 =	vmul.f32 $1.280000000e+02, v12  }
0x267: {  	s20 =	simm.s32 $0x5400;
	v7 =	vcvt.f32.s32 v7;
	v3 =	vor.u32 v1, v3;
	v12 =	vld [tilespmem:s17+$0x50];
	v8 =	vmin.f32 v8, $2.047000000e+03  }
0x268: {  	v6 =	vtrunc.f32 v6;
	v13 =	vld [tilespmem:s20+$0x0];
	v8 =	vtrunc.f32 v8;
	v9 =	vadd.f32 $1.024000000e+03, v9  }
0x269: {  	v5 =	vcvt.f32.s32 v6;
	v10 =	vld [tilespmem:s21+$0x70];
	v7 =	vshll.u32 v7, $0x4;
	v8 =	vcvt.f32.s32 v8  }
0x26a: {  	v6 =	vmul.f32 $1.280000000e+02, v11;
	v7 =	vor.u32 v1, v7;
	v9 =	vmax.f32 v9, $0.0e+00  }
0x26b: {  	v5 =	vshll.u32 v5, $0x4;
	v8 =	vshll.u32 v8, $0x4;
	v9 =	vmin.f32 v9, $2.047000000e+03  }
0x26c: {  	[tilespmem:v3+s11+$0x0] =	vst.idx.add.f32.msk $0xffff, v2;
	v3 =	vadd.f32 $1.024000000e+03, v6;
	v6 =	vtrunc.f32 v9;
	v9 =	vmul.f32 $1.280000000e+02, v12  }
0x26d: {  	v5 =	vor.u32 v1, v5;
	v13 =	vmul.f32 $1.280000000e+02, v13;
	v11 =	vld [tilespmem:s21+$0xFFFFFFE0];
	v8 =	vor.u32 v1, v8  }
0x26e: {  	v10 =	vmul.f32 $1.280000000e+02, v10;
	v12 =	vld [tilespmem:s19+$0xFFFFFF90];
	v3 =	vmax.f32 v3, $0.0e+00;
	v9 =	vadd.f32 $1.024000000e+03, v9  }
0x26f: {  	v13 =	vadd.f32 $1.024000000e+03, v13;
	v6 =	vcvt.f32.s32 v6;
	[tilespmem:v7+s11+$0x0] =	vst.idx.add.f32.msk $0xffff, v2;
	v3 =	vmin.f32 v3, $2.047000000e+03  }
0x270: {  	v7 =	vadd.f32 $1.024000000e+03, v10;
	v10 =	vld [tilespmem:s18+$0xFFFFFFB0];
	v3 =	vtrunc.f32 v3;
	v9 =	vmax.f32 v9, $0.0e+00  }
0x271: {  	v6 =	vshll.u32 v6, $0x4;
	v3 =	vcvt.f32.s32 v3;
	v9 =	vmin.f32 v9, $2.047000000e+03  }
0x272: {  	v11 =	vmul.f32 $1.280000000e+02, v11;
	v6 =	vor.u32 v1, v6;
	[tilespmem:v8+s11+$0x0] =	vst.idx.add.f32.msk $0xffff, v2;
	v8 =	vtrunc.f32 v9  }
0x273: {  	v12 =	vmul.f32 $1.280000000e+02, v12;
	v3 =	vshll.u32 v3, $0x4;
	v9 =	vld [tilespmem:s17+$0xFFFFFFD0];
	v8 =	vcvt.f32.s32 v8  }
0x274: {  	v13 =	vmax.f32 v13, $0.0e+00;
	v11 =	vadd.f32 $1.024000000e+03, v11;
	v3 =	vor.u32 v1, v3  }
0x275: {  	v10 =	vmul.f32 $1.280000000e+02, v10;
	v12 =	vadd.f32 $1.024000000e+03, v12;
	v8 =	vshll.u32 v8, $0x4  }
0x276: {  	v13 =	vmin.f32 v13, $2.047000000e+03;
	v7 =	vmax.f32 v7, $0.0e+00;
	v8 =	vor.u32 v1, v8  }
0x277: {  	[tilespmem:v6+s12+$0x0] =	vst.idx.add.f32.msk $0xffff, v2;
	v6 =	vadd.f32 $1.024000000e+03, v10;
	v10 =	vmax.f32 v11, $0.0e+00;
	v11 =	vmax.f32 v12, $0.0e+00  }
0x278: {  	v12 =	vld [tilespmem:s19+$0x20];
	v10 =	vmin.f32 v10, $2.047000000e+03;
	v11 =	vmin.f32 v11, $2.047000000e+03;
	v9 =	vmul.f32 $1.280000000e+02, v9  }
0x279: {  	v7 =	vmin.f32 v7, $2.047000000e+03;
	[tilespmem:v3+s12+$0x0] =	vst.idx.add.f32.msk $0xffff, v2;
	v3 =	vtrunc.f32 v10;
	v10 =	vtrunc.f32 v11  }
0x27a: {  	v7 =	vtrunc.f32 v7;
	v11 =	vld [tilespmem:s18+$0x40];
	v9 =	vadd.f32 $1.024000000e+03, v9;
	v10 =	vcvt.f32.s32 v10  }
0x27b: {  	v13 =	vtrunc.f32 v13;
	v7 =	vcvt.f32.s32 v7;
	v6 =	vmax.f32 v6, $0.0e+00;
	[tilespmem:v8+s12+$0x0] =	vst.idx.add.f32.msk $0xffff, v2  }
0x27c: {  	v6 =	vmin.f32 v6, $2.047000000e+03;
	v8 =	vmax.f32 v9, $0.0e+00;
	v9 =	vshll.u32 v10, $0x4;
	v10 =	vld [tilespmem:s17+$0x60]  }
0x27d: {  	v13 =	vcvt.f32.s32 v13;
	v7 =	vshll.u32 v7, $0x4;
	v6 =	vtrunc.f32 v6  }
0x27e: {  	v6 =	vcvt.f32.s32 v6;
	v12 =	vmul.f32 $1.280000000e+02, v12;
	v9 =	vor.u32 v1, v9  }
0x27f: {  	v14 =	vld [tilespmem:s20+$0xFFFFFF80];
	v13 =	vshll.u32 v13, $0x4;
	v7 =	vor.u32 v1, v7;
	v3 =	vcvt.f32.s32 v3  }
0x280: {  	v6 =	vshll.u32 v6, $0x4;
	v12 =	vadd.f32 $1.024000000e+03, v12;
	v11 =	vmul.f32 $1.280000000e+02, v11  }
0x281: {  	v3 =	vshll.u32 v3, $0x4;
	v6 =	vor.u32 v1, v6;
	v10 =	vmul.f32 $1.280000000e+02, v10  }
0x282: {  	v8 =	vmin.f32 v8, $2.047000000e+03;
	v12 =	vmax.f32 v12, $0.0e+00;
	v11 =	vadd.f32 $1.024000000e+03, v11  }
0x283: {  	v8 =	vtrunc.f32 v8;
	v12 =	vmin.f32 v12, $2.047000000e+03;
	[tilespmem:v9+s12+$0x0] =	vst.idx.add.f32.msk $0xffff, v2;
	v10 =	vadd.f32 $1.024000000e+03, v10  }
0x284: {  	v9 =	vmul.f32 $1.280000000e+02, v14;
	v12 =	vtrunc.f32 v12;
	v14 =	vld [tilespmem:s19+$0xFFFFFFA0];
	v11 =	vmax.f32 v11, $0.0e+00  }
0x285: {  	v12 =	vcvt.f32.s32 v12;
	v11 =	vmin.f32 v11, $2.047000000e+03;
	v10 =	vmax.f32 v10, $0.0e+00  }
0x286: {  	[tilespmem:v6+s12+$0x0] =	vst.idx.add.f32.msk $0xffff, v2;
	v6 =	vor.u32 v1, v13;
	v11 =	vtrunc.f32 v11;
	v10 =	vmin.f32 v10, $2.047000000e+03  }
0x287: {  	v13 =	vld [tilespmem:s18+$0xFFFFFFC0];
	v12 =	vshll.u32 v12, $0x4;
	v11 =	vcvt.f32.s32 v11;
	v10 =	vtrunc.f32 v10  }
0x288: {  	[tilespmem:v5+s11+$0x0] =	vst.idx.add.f32.msk $0xffff, v2;
	v5 =	vadd.f32 $1.024000000e+03, v9;
	v9 =	vor.u32 v1, v12;
	v10 =	vcvt.f32.s32 v10  }
0x289: {  	v8 =	vcvt.f32.s32 v8;
	v12 =	vld [tilespmem:s22+$0xFFFFFFF0];
	v14 =	vmul.f32 $1.280000000e+02, v14;
	v11 =	vshll.u32 v11, $0x4  }
0x28a: {  	v5 =	vmax.f32 v5, $0.0e+00;
	v11 =	vor.u32 v1, v11;
	v10 =	vshll.u32 v10, $0x4  }
0x28b: {  	v5 =	vmin.f32 v5, $2.047000000e+03;
	[tilespmem:v6+s11+$0x0] =	vst.idx.add.f32.msk $0xffff, v2;
	v6 =	vadd.f32 $1.024000000e+03, v14;
	v10 =	vor.u32 v1, v10  }
0x28c: {  	v8 =	vshll.u32 v8, $0x4;
	v5 =	vtrunc.f32 v5;
	v13 =	vmul.f32 $1.280000000e+02, v13;
	v14 =	vld [tilespmem:s20+$0x10]  }
0x28d: {  	v8 =	vor.u32 v1, v8;
	v5 =	vcvt.f32.s32 v5;
	[tilespmem:v9+s11+$0x0] =	vst.idx.add.f32.msk $0xffff, v2;
	v6 =	vmax.f32 v6, $0.0e+00  }
0x28e: {  	v9 =	vmul.f32 $1.280000000e+02, v12;
	v13 =	vadd.f32 $1.024000000e+03, v13;
	v12 =	vld [tilespmem:s19+$0x30];
	v6 =	vmin.f32 v6, $2.047000000e+03  }
0x28f: {  	v15 =	vor.u32 v1, v3;
	v3 =	vshll.u32 v5, $0x4;
	v5 =	vtrunc.f32 v6;
	[tilespmem:v11+s11+$0x0] =	vst.idx.add.f32.msk $0xffff, v2  }
0x290: {  	v6 =	vadd.f32 $1.024000000e+03, v9;
	v9 =	vmax.f32 v13, $0.0e+00;
	v5 =	vcvt.f32.s32 v5;
	[tilespmem:v10+s11+$0x0] =	vst.idx.add.f32.msk $0xffff, v2  }
0x291: {  	v9 =	vmin.f32 v9, $2.047000000e+03;
	v10 =	vor.u32 v1, v3;
	v3 =	vmul.f32 $1.280000000e+02, v14;
	v11 =	vld [tilespmem:s17+$0x70]  }
0x292: {  	v13 =	vld [tilespmem:s18+$0x50];
	v6 =	vmax.f32 v6, $0.0e+00;
	v9 =	vtrunc.f32 v9;
	v5 =	vshll.u32 v5, $0x4  }
0x293: {  	[tilespmem:v8+s12+$0x0] =	vst.idx.add.f32.msk $0xffff, v2;
	v6 =	vmin.f32 v6, $2.047000000e+03;
	v9 =	vcvt.f32.s32 v9;
	v3 =	vadd.f32 $1.024000000e+03, v3  }
0x294: {  	v8 =	vmul.f32 $1.280000000e+02, v12;
	v12 =	vld [tilespmem:s17+$0xFFFFFFE0];
	v5 =	vor.u32 v1, v5;
	v6 =	vtrunc.f32 v6  }
0x295: {  	[tilespmem:v4+s12+$0x0] =	vst.idx.add.f32.msk $0xffff, v2;
	v9 =	vshll.u32 v9, $0x4;
	v14 =	vmax.f32 v3, $0.0e+00;
	v3 =	vcvt.f32.s32 v6  }
0x296: {  	[tilespmem:v7+s12+$0x0] =	vst.idx.add.f32.msk $0xffff, v2;
	v6 =	vadd.f32 $1.024000000e+03, v8;
	v4 =	vmin.f32 v14, $2.047000000e+03;
	v8 =	vmul.f32 $1.280000000e+02, v11  }
0x297: {  	v9 =	vor.u32 v1, v9;
	[tilespmem:v10+s11+$0x0] =	vst.idx.add.f32.msk $0xffff, v2;
	v10 =	vmul.f32 $1.280000000e+02, v13;
	v4 =	vtrunc.f32 v4  }
0x298: {  	v11 =	vld [tilespmem:s20+$0xFFFFFF90];
	v6 =	vmax.f32 v6, $0.0e+00;
	v4 =	vcvt.f32.s32 v4;
	v8 =	vadd.f32 $1.024000000e+03, v8  }
0x299: {  	v13 =	vmul.f32 $1.280000000e+02, v12;
	[tilespmem:v5+s11+$0x0] =	vst.idx.add.f32.msk $0xffff, v2;
	v5 =	vmin.f32 v6, $2.047000000e+03;
	v6 =	vadd.f32 $1.024000000e+03, v10  }
0x29a: {  	v14 =	vld [tilespmem:s19+$0xFFFFFFB0];
	v5 =	vtrunc.f32 v5;
	v4 =	vshll.u32 v4, $0x4;
	v8 =	vmax.f32 v8, $0.0e+00  }
0x29b: {  	[tilespmem:v15+s11+$0x0] =	vst.idx.add.f32.msk $0xffff, v2;
	v5 =	vcvt.f32.s32 v5;
	v6 =	vmax.f32 v6, $0.0e+00;
	v7 =	vmin.f32 v8, $2.047000000e+03  }
0x29c: {  	[tilespmem:v9+s11+$0x0] =	vst.idx.add.f32.msk $0xffff, v2;
	v10 =	vor.u32 v1, v4;
	v6 =	vmin.f32 v6, $2.047000000e+03;
	v7 =	vtrunc.f32 v7  }
0x29d: {  	v5 =	vshll.u32 v5, $0x4;
	v6 =	vtrunc.f32 v6;
	v15 =	vcvt.f32.s32 v7;
	v7 =	vld [tilespmem:s18+$0xFFFFFFD0]  }
0x29e: {  	v12 =	vmul.f32 $1.280000000e+02, v11;
	v9 =	vor.u32 v1, v5;
	v8 =	vcvt.f32.s32 v6  }
0x29f: {  	s22 =	simm.s32 $0x5500;
	v4 =	vld [tilespmem:s21+$0xFFFFFFF0];
	s21 =	simm.s32 $0xA;
	v11 =	vmul.f32 $1.280000000e+02, v14;
	v6 =	vadd.f32 $1.024000000e+03, v13;
	v5 =	vshll.u32 v15, $0x4  }
.LBB2_10:
0x2a0: {  	v13 =	vld [tilespmem:s22+$0x0];
	v12 =	vadd.f32 $1.024000000e+03, v12;
	v8 =	vshll.u32 v8, $0x4;
	v5 =	vor.u32 v1, v5  }
0x2a1: {  	[tilespmem:v10+s12+$0x0] =	vst.idx.add.f32.msk $0xffff, v2;
	v10 =	vadd.f32 $1.024000000e+03, v11;
	v8 =	vor.u32 v1, v8;
	v6 =	vmax.f32 v6, $0.0e+00  }
0x2a2: {  	v11 =	vmax.f32 v12, $0.0e+00;
	v12 =	vld [tilespmem:s20+$0x20];
	v7 =	vmul.f32 $1.280000000e+02, v7;
	v6 =	vmin.f32 v6, $2.047000000e+03  }
0x2a3: {  	v11 =	vmin.f32 v11, $2.047000000e+03;
	v10 =	vmax.f32 v10, $0.0e+00;
	[tilespmem:v9+s12+$0x0] =	vst.idx.add.f32.msk $0xffff, v2;
	v6 =	vtrunc.f32 v6  }
0x2a4: {  	v9 =	vtrunc.f32 v11;
	v10 =	vmin.f32 v10, $2.047000000e+03;
	v11 =	vld [tilespmem:s19+$0x40];
	v7 =	vadd.f32 $1.024000000e+03, v7  }
0x2a5: {  	v3 =	vshll.u32 v3, $0x4;
	v9 =	vcvt.f32.s32 v9;
	v10 =	vtrunc.f32 v10;
	[tilespmem:v5+s12+$0x0] =	vst.idx.add.f32.msk $0xffff, v2  }
0x2a6: {  	v5 =	vmul.f32 $1.280000000e+02, v13;
	v10 =	vcvt.f32.s32 v10;
	v7 =	vmax.f32 v7, $0.0e+00;
	[tilespmem:v8+s12+$0x0] =	vst.idx.add.f32.msk $0xffff, v2  }
0x2a7: {  	v6 =	vcvt.f32.s32 v6;
	v8 =	vshll.u32 v9, $0x4;
	v7 =	vmin.f32 v7, $2.047000000e+03;
	v9 =	vld [tilespmem:s18+$0x60]  }
0x2a8: {  	v5 =	vadd.f32 $1.024000000e+03, v5;
	v13 =	vld [tilespmem:s22+$0xFFFFFF80];
	v8 =	vor.u32 v1, v8;
	v10 =	vshll.u32 v10, $0x4  }
0x2a9: {  	v12 =	vmul.f32 $1.280000000e+02, v12;
	v7 =	vtrunc.f32 v7;
	v10 =	vor.u32 v1, v10  }
0x2aa: {  	s21 =	sadd.s32 $0x2, s21;
	v6 =	vshll.u32 v6, $0x4;
	v5 =	vmax.f32 v5, $0.0e+00;
	v7 =	vcvt.f32.s32 v7  }
0x2ab: {  	p0 =	slt.u32 s21, $0x9A;
	v12 =	vadd.f32 $1.024000000e+03, v12;
	v11 =	vmul.f32 $1.280000000e+02, v11;
	v5 =	vmin.f32 v5, $2.047000000e+03  }
0x2ac: {  	v5 =	vtrunc.f32 v5;
	v7 =	vshll.u32 v7, $0x4;
	v9 =	vmul.f32 $1.280000000e+02, v9  }
0x2ad: {  	v11 =	vadd.f32 $1.024000000e+03, v11;
	v5 =	vcvt.f32.s32 v5;
	[tilespmem:v8+s12+$0x0] =	vst.idx.add.f32.msk $0xffff, v2;
	v8 =	vmax.f32 v12, $0.0e+00  }
0x2ae: {  	v12 =	vmul.f32 $1.280000000e+02, v13;
	v13 =	vld [tilespmem:s20+$0xFFFFFFA0];
	v8 =	vmin.f32 v8, $2.047000000e+03;
	v9 =	vadd.f32 $1.024000000e+03, v9  }
0x2af: {  	v5 =	vshll.u32 v5, $0x4;
	v8 =	vtrunc.f32 v8;
	[tilespmem:v10+s12+$0x0] =	vst.idx.add.f32.msk $0xffff, v2;
	v10 =	vmax.f32 v11, $0.0e+00  }
0x2b0: {  	v8 =	vcvt.f32.s32 v8;
	v11 =	vld [tilespmem:s19+$0xFFFFFFC0];
	v10 =	vmin.f32 v10, $2.047000000e+03;
	v9 =	vmax.f32 v9, $0.0e+00  }
0x2b1: {  	v5 =	vor.u32 v1, v5;
	v10 =	vtrunc.f32 v10;
	v9 =	vmin.f32 v9, $2.047000000e+03  }
0x2b2: {  	v8 =	vshll.u32 v8, $0x4;
	v10 =	vcvt.f32.s32 v10;
	v9 =	vtrunc.f32 v9  }
0x2b3: {  	v12 =	vadd.f32 $1.024000000e+03, v12;
	v8 =	vor.u32 v1, v8;
	v9 =	vcvt.f32.s32 v9  }
0x2b4: {  	v7 =	vor.u32 v1, v7;
	v13 =	vmul.f32 $1.280000000e+02, v13;
	v10 =	vshll.u32 v10, $0x4  }
0x2b5: {  	v12 =	vmax.f32 v12, $0.0e+00;
	v10 =	vor.u32 v1, v10;
	v9 =	vshll.u32 v9, $0x4  }
0x2b6: {  	v12 =	vmin.f32 v12, $2.047000000e+03;
	[tilespmem:v5+s11+$0x0] =	vst.idx.add.f32.msk $0xffff, v2;
	v5 =	vadd.f32 $1.024000000e+03, v13;
	v9 =	vor.u32 v1, v9  }
0x2b7: {  	v6 =	vor.u32 v1, v6;
	v12 =	vtrunc.f32 v12;
	v11 =	vmul.f32 $1.280000000e+02, v11;
	v13 =	vld [tilespmem:s22+$0x10]  }
0x2b8: {  	v4 =	vmul.f32 $1.280000000e+02, v4;
	v12 =	vcvt.f32.s32 v12;
	v5 =	vmax.f32 v5, $0.0e+00;
	[tilespmem:v8+s11+$0x0] =	vst.idx.add.f32.msk $0xffff, v2  }
0x2b9: {  	v14 =	vor.u32 v1, v3;
	v11 =	vadd.f32 $1.024000000e+03, v11;
	v5 =	vmin.f32 v5, $2.047000000e+03;
	v8 =	vld [tilespmem:s20+$0x30]  }
0x2ba: {  	v4 =	vadd.f32 $1.024000000e+03, v4;
	v3 =	vshll.u32 v12, $0x4;
	v5 =	vtrunc.f32 v5;
	[tilespmem:v10+s11+$0x0] =	vst.idx.add.f32.msk $0xffff, v2  }
0x2bb: {  	v3 =	vor.u32 v1, v3;
	v10 =	vmax.f32 v11, $0.0e+00;
	v5 =	vcvt.f32.s32 v5;
	[tilespmem:v9+s11+$0x0] =	vst.idx.add.f32.msk $0xffff, v2  }
0x2bc: {  	v4 =	vmax.f32 v4, $0.0e+00;
	v10 =	vmin.f32 v10, $2.047000000e+03;
	v9 =	vmul.f32 $1.280000000e+02, v13;
	v11 =	vld [tilespmem:s18+$0x70]  }
0x2bd: {  	v4 =	vmin.f32 v4, $2.047000000e+03;
	v10 =	vtrunc.f32 v10;
	v5 =	vshll.u32 v5, $0x4;
	v12 =	vld [tilespmem:s19+$0x50]  }
0x2be: {  	v10 =	vcvt.f32.s32 v10;
	v9 =	vadd.f32 $1.024000000e+03, v9;
	v5 =	vor.u32 v1, v5;
	[tilespmem:v7+s12+$0x0] =	vst.idx.add.f32.msk $0xffff, v2  }
0x2bf: {  	v4 =	vtrunc.f32 v4;
	v7 =	vmul.f32 $1.280000000e+02, v8;
	v8 =	vld [tilespmem:s18+$0xFFFFFFE0]  }
0x2c0: {  	v10 =	vshll.u32 v10, $0x4;
	[tilespmem:v3+s11+$0x0] =	vst.idx.add.f32.msk $0xffff, v2;
	v9 =	vmax.f32 v9, $0.0e+00;
	v3 =	vcvt.f32.s32 v4  }
0x2c1: {  	v7 =	vadd.f32 $1.024000000e+03, v7;
	v13 =	vld [tilespmem:s22+$0xFFFFFF90];
	v4 =	vmin.f32 v9, $2.047000000e+03;
	v9 =	vmul.f32 $1.280000000e+02, v11  }
0x2c2: {  	v11 =	vor.u32 v1, v10;
	v4 =	vtrunc.f32 v4;
	v10 =	vmul.f32 $1.280000000e+02, v12;
	[tilespmem:v6+s11+$0x0] =	vst.idx.add.f32.msk $0xffff, v2  }
0x2c3: {  	v4 =	vcvt.f32.s32 v4;
	[tilespmem:v5+s11+$0x0] =	vst.idx.add.f32.msk $0xffff, v2;
	v5 =	vmax.f32 v7, $0.0e+00;
	v6 =	vadd.f32 $1.024000000e+03, v9  }
0x2c4: {  	v15 =	vld [tilespmem:s20+$0xFFFFFFB0];
	v5 =	vmin.f32 v5, $2.047000000e+03;
	v7 =	vadd.f32 $1.024000000e+03, v10;
	v16 =	vmul.f32 $1.280000000e+02, v8  }
0x2c5: {  	v8 =	vshll.u32 v4, $0x4;
	v5 =	vtrunc.f32 v5;
	v6 =	vmax.f32 v6, $0.0e+00;
	v4 =	vld [tilespmem:s17+$0xFFFFFFF0];
	s17 =	smov.u32 s18;
	s18 =	smov.u32 s19;
	s19 =	smov.u32 s20  }
.Ltmp6:
0x2c6: {  	s20 =	smov.u32 s22;
	v5 =	vcvt.f32.s32 v5;
	v7 =	vmax.f32 v7, $0.0e+00;
	v6 =	vmin.f32 v6, $2.047000000e+03;
	[tilespmem:v14+s12+$0x0] =	vst.idx.add.f32.msk $0xffff, v2;
	(pc) =	sbr.rel @p0 .LBB2_10-.Ltmp6, $4  }
0x2c7: {  	v10 =	vor.u32 v1, v8;
	[tilespmem:v11+s11+$0x0] =	vst.idx.add.f32.msk $0xffff, v2;
	v8 =	vmin.f32 v7, $2.047000000e+03;
	v6 =	vtrunc.f32 v6  }
0x2c8: {  	v5 =	vshll.u32 v5, $0x4;
	v7 =	vld [tilespmem:s18+$0xFFFFFFD0];
	v8 =	vtrunc.f32 v8;
	v14 =	vcvt.f32.s32 v6  }
0x2c9: {  	v12 =	vmul.f32 $1.280000000e+02, v13;
	v9 =	vor.u32 v1, v5;
	v8 =	vcvt.f32.s32 v8  }
0x2ca: {  	s22 =	sadd.s32 $0x100, s22;
	v6 =	vadd.f32 $1.024000000e+03, v16;
	v11 =	vmul.f32 $1.280000000e+02, v15;
	v5 =	vshll.u32 v14, $0x4  }
0x2cb: {  	v12 =	vadd.f32 $1.024000000e+03, v12;
	_ =	sdelay $0x1  }
0x2cc: {  	v12 =	vmax.f32 v12, $0.0e+00  }
0x2cd: {  	v12 =	vmin.f32 v12, $2.047000000e+03  }
0x2ce: {  	v12 =	vtrunc.f32 v12  }
0x2cf: {  	v12 =	vcvt.f32.s32 v12;
	_ =	sdelay $0x1  }
0x2d0: {  	v12 =	vshll.u32 v12, $0x4  }
0x2d1: {  	[tilespmem:v10+s12+$0x0] =	vst.idx.add.f32.msk $0xffff, v2;
	v12 =	vor.u32 v1, v12  }
0x2d2: {  	v10 =	vld [tilespmem:s20+$0x20];
	_ =	sdelay $0x3  }
0x2d3: {  	[tilespmem:v12+s12+$0x0] =	vst.idx.add.f32.msk $0xffff, v2  }
0x2d4: {  	v10 =	vmul.f32 $1.280000000e+02, v10;
	v12 =	vld [tilespmem:s20+$0xFFFFFFA0];
	_ =	sdelay $0x1  }
0x2d5: {  	v10 =	vadd.f32 $1.024000000e+03, v10;
	_ =	sdelay $0x1  }
0x2d6: {  	v10 =	vmax.f32 v10, $0.0e+00  }
0x2d7: {  	v10 =	vmin.f32 v10, $2.047000000e+03;
	v12 =	vmul.f32 $1.280000000e+02, v12  }
0x2d8: {  	v10 =	vtrunc.f32 v10  }
0x2d9: {  	v10 =	vcvt.f32.s32 v10;
	v12 =	vadd.f32 $1.024000000e+03, v12;
	_ =	sdelay $0x1  }
0x2da: {  	v10 =	vshll.u32 v10, $0x4;
	v12 =	vmax.f32 v12, $0.0e+00  }
0x2db: {  	v10 =	vor.u32 v1, v10;
	v12 =	vmin.f32 v12, $2.047000000e+03  }
0x2dc: {  	v12 =	vtrunc.f32 v12  }
0x2dd: {  	v12 =	vcvt.f32.s32 v12;
	_ =	sdelay $0x1  }
0x2de: {  	v12 =	vshll.u32 v12, $0x4  }
0x2df: {  	[tilespmem:v10+s11+$0x0] =	vst.idx.add.f32.msk $0xffff, v2;
	v12 =	vor.u32 v1, v12  }
0x2e0: {  	v10 =	vld [tilespmem:s20+$0x30];
	_ =	sdelay $0x3  }
0x2e1: {  	[tilespmem:v12+s11+$0x0] =	vst.idx.add.f32.msk $0xffff, v2  }
0x2e2: {  	v10 =	vmul.f32 $1.280000000e+02, v10;
	v12 =	vld [tilespmem:s20+$0xFFFFFFB0];
	_ =	sdelay $0x1  }
0x2e3: {  	v10 =	vadd.f32 $1.024000000e+03, v10;
	_ =	sdelay $0x1  }
0x2e4: {  	v10 =	vmax.f32 v10, $0.0e+00  }
0x2e5: {  	v11 =	vadd.f32 $1.024000000e+03, v11;
	v10 =	vmin.f32 v10, $2.047000000e+03;
	v12 =	vmul.f32 $1.280000000e+02, v12  }
0x2e6: {  	v10 =	vtrunc.f32 v10  }
0x2e7: {  	v11 =	vmax.f32 v11, $0.0e+00;
	v10 =	vcvt.f32.s32 v10;
	v12 =	vadd.f32 $1.024000000e+03, v12  }
0x2e8: {  	v11 =	vmin.f32 v11, $2.047000000e+03  }
0x2e9: {  	[tilespmem:v9+s12+$0x0] =	vst.idx.add.f32.msk $0xffff, v2;
	v18 =	vtrunc.f32 v11;
	v10 =	vshll.u32 v10, $0x4;
	v19 =	vmax.f32 v12, $0.0e+00  }
0x2ea: {  	v20 =	vld [tilespmem:s19+$0x40];
	v9 =	vcvt.f32.s32 v18;
	v10 =	vor.u32 v1, v10;
	v11 =	vmin.f32 v19, $2.047000000e+03  }
0x2eb: {  	v11 =	vtrunc.f32 v11  }
0x2ec: {  	v9 =	vshll.u32 v9, $0x4;
	v11 =	vcvt.f32.s32 v11  }
0x2ed: {  	v9 =	vor.u32 v1, v9  }
0x2ee: {  	v11 =	vshll.u32 v11, $0x4  }
0x2ef: {  	[tilespmem:v10+s12+$0x0] =	vst.idx.add.f32.msk $0xffff, v2;
	v12 =	vmul.f32 $1.280000000e+02, v20;
	v11 =	vor.u32 v1, v11  }
0x2f0: {  	v22 =	vld [tilespmem:s20+$0x40]  }
0x2f1: {  	v21 =	vadd.f32 $1.024000000e+03, v12  }
0x2f2: {  	[tilespmem:v9+s12+$0x0] =	vst.idx.add.f32.msk $0xffff, v2  }
0x2f3: {  	v24 =	vld [tilespmem:s19+$0xFFFFFFC0];
	v23 =	vmax.f32 v21, $0.0e+00  }
0x2f4: {  	v9 =	vmin.f32 v23, $2.047000000e+03;
	[tilespmem:v11+s12+$0x0] =	vst.idx.add.f32.msk $0xffff, v2  }
0x2f5: {  	v12 =	vmul.f32 $1.280000000e+02, v22;
	v9 =	vtrunc.f32 v9;
	v11 =	vld [tilespmem:s20+$0xFFFFFFC0]  }
0x2f6: {  	v9 =	vcvt.f32.s32 v9  }
0x2f7: {  	v12 =	vadd.f32 $1.024000000e+03, v12  }
0x2f8: {  	v10 =	vmul.f32 $1.280000000e+02, v24;
	v9 =	vshll.u32 v9, $0x4  }
0x2f9: {  	v12 =	vmax.f32 v12, $0.0e+00;
	v9 =	vor.u32 v1, v9  }
0x2fa: {  	v10 =	vadd.f32 $1.024000000e+03, v10;
	v12 =	vmin.f32 v12, $2.047000000e+03;
	v11 =	vmul.f32 $1.280000000e+02, v11  }
0x2fb: {  	v12 =	vtrunc.f32 v12  }
0x2fc: {  	v10 =	vmax.f32 v10, $0.0e+00;
	v12 =	vcvt.f32.s32 v12;
	v11 =	vadd.f32 $1.024000000e+03, v11  }
0x2fd: {  	v10 =	vmin.f32 v10, $2.047000000e+03  }
0x2fe: {  	v25 =	vtrunc.f32 v10;
	v12 =	vshll.u32 v12, $0x4;
	[tilespmem:v9+s11+$0x0] =	vst.idx.add.f32.msk $0xffff, v2;
	v26 =	vmax.f32 v11, $0.0e+00  }
0x2ff: {  	v12 =	vor.u32 v1, v12;
	v9 =	vcvt.f32.s32 v25;
	v27 =	vld [tilespmem:s19+$0x50];
	v10 =	vmin.f32 v26, $2.047000000e+03  }
0x300: {  	v10 =	vtrunc.f32 v10  }
0x301: {  	v9 =	vshll.u32 v9, $0x4;
	v10 =	vcvt.f32.s32 v10  }
0x302: {  	v7 =	vmul.f32 $1.280000000e+02, v7;
	v9 =	vor.u32 v1, v9  }
0x303: {  	v10 =	vshll.u32 v10, $0x4  }
0x304: {  	v7 =	vadd.f32 $1.024000000e+03, v7;
	[tilespmem:v12+s11+$0x0] =	vst.idx.add.f32.msk $0xffff, v2;
	v11 =	vmul.f32 $1.280000000e+02, v27;
	v10 =	vor.u32 v1, v10  }
0x305: {  	v12 =	vld [tilespmem:s20+$0x50]  }
0x306: {  	v7 =	vmax.f32 v7, $0.0e+00;
	v11 =	vadd.f32 $1.024000000e+03, v11  }
0x307: {  	v7 =	vmin.f32 v7, $2.047000000e+03;
	[tilespmem:v9+s11+$0x0] =	vst.idx.add.f32.msk $0xffff, v2  }
0x308: {  	v7 =	vtrunc.f32 v7;
	v29 =	vld [tilespmem:s19+$0xFFFFFFD0];
	v28 =	vmax.f32 v11, $0.0e+00  }
0x309: {  	v8 =	vshll.u32 v8, $0x4;
	v7 =	vcvt.f32.s32 v7;
	v9 =	vmin.f32 v28, $2.047000000e+03;
	[tilespmem:v10+s11+$0x0] =	vst.idx.add.f32.msk $0xffff, v2  }
0x30a: {  	v8 =	vor.u32 v1, v8;
	v12 =	vmul.f32 $1.280000000e+02, v12;
	v9 =	vtrunc.f32 v9;
	v10 =	vld [tilespmem:s20+$0xFFFFFFD0]  }
0x30b: {  	v7 =	vshll.u32 v7, $0x4;
	v9 =	vcvt.f32.s32 v9  }
0x30c: {  	v7 =	vor.u32 v1, v7;
	v12 =	vadd.f32 $1.024000000e+03, v12  }
0x30d: {  	v11 =	vmul.f32 $1.280000000e+02, v29;
	v9 =	vshll.u32 v9, $0x4  }
0x30e: {  	v31 =	vmax.f32 v12, $0.0e+00;
	v9 =	vor.u32 v1, v9  }
0x30f: {  	[tilespmem:v8+s12+$0x0] =	vst.idx.add.f32.msk $0xffff, v2;
	v30 =	vadd.f32 $1.024000000e+03, v11;
	v11 =	vmin.f32 v31, $2.047000000e+03;
	v10 =	vmul.f32 $1.280000000e+02, v10  }
0x310: {  	v32 =	vld [tilespmem:s18+$0x60];
	v11 =	vtrunc.f32 v11  }
0x311: {  	[tilespmem:v7+s12+$0x0] =	vst.idx.add.f32.msk $0xffff, v2;
	v8 =	vmax.f32 v30, $0.0e+00;
	v11 =	vcvt.f32.s32 v11;
	v10 =	vadd.f32 $1.024000000e+03, v10  }
0x312: {  	v38 =	vld [tilespmem:s18+$0xFFFFFFE0];
	v8 =	vmin.f32 v8, $2.047000000e+03  }
0x313: {  	v8 =	vtrunc.f32 v8;
	v11 =	vshll.u32 v11, $0x4;
	v33 =	vmax.f32 v10, $0.0e+00  }
0x314: {  	[tilespmem:v9+s12+$0x0] =	vst.idx.add.f32.msk $0xffff, v2;
	v8 =	vcvt.f32.s32 v8;
	v11 =	vor.u32 v1, v11;
	v9 =	vmin.f32 v33, $2.047000000e+03  }
0x315: {  	v12 =	vmul.f32 $1.280000000e+02, v32;
	v34 =	vld [tilespmem:s19+$0x60];
	v9 =	vtrunc.f32 v9  }
0x316: {  	v6 =	vmax.f32 v6, $0.0e+00;
	v35 =	vshll.u32 v8, $0x4;
	v36 =	vcvt.f32.s32 v9  }
0x317: {  	v37 =	vadd.f32 $1.024000000e+03, v12;
	v12 =	vmul.f32 $1.280000000e+02, v38;
	v7 =	vor.u32 v1, v35  }
0x318: {  	v6 =	vmin.f32 v6, $2.047000000e+03;
	v8 =	vshll.u32 v36, $0x4  }
0x319: {  	v6 =	vtrunc.f32 v6;
	v12 =	vadd.f32 $1.024000000e+03, v12;
	[tilespmem:v11+s12+$0x0] =	vst.idx.add.f32.msk $0xffff, v2;
	v8 =	vor.u32 v1, v8  }
0x31a: {  	v6 =	vcvt.f32.s32 v6;
	v10 =	vmul.f32 $1.280000000e+02, v34;
	v11 =	vld [tilespmem:s20+$0x60]  }
0x31b: {  	v12 =	vmax.f32 v12, $0.0e+00  }
0x31c: {  	v6 =	vshll.u32 v6, $0x4;
	v12 =	vmin.f32 v12, $2.047000000e+03;
	v10 =	vadd.f32 $1.024000000e+03, v10;
	[tilespmem:v7+s12+$0x0] =	vst.idx.add.f32.msk $0xffff, v2  }
0x31d: {  	v6 =	vor.u32 v1, v6;
	v12 =	vtrunc.f32 v12;
	v9 =	vmax.f32 v37, $0.0e+00;
	v40 =	vld [tilespmem:s19+$0xFFFFFFE0]  }
0x31e: {  	v12 =	vcvt.f32.s32 v12;
	v9 =	vmin.f32 v9, $2.047000000e+03;
	v39 =	vmax.f32 v10, $0.0e+00;
	[tilespmem:v8+s12+$0x0] =	vst.idx.add.f32.msk $0xffff, v2  }
0x31f: {  	v9 =	vtrunc.f32 v9;
	v7 =	vmin.f32 v39, $2.047000000e+03;
	v11 =	vmul.f32 $1.280000000e+02, v11;
	v42 =	vld [tilespmem:s20+$0xFFFFFFE0]  }
0x320: {  	v12 =	vshll.u32 v12, $0x4;
	v9 =	vcvt.f32.s32 v9;
	v7 =	vtrunc.f32 v7  }
0x321: {  	v12 =	vor.u32 v1, v12;
	v7 =	vcvt.f32.s32 v7;
	v11 =	vadd.f32 $1.024000000e+03, v11  }
0x322: {  	v9 =	vshll.u32 v9, $0x4;
	v10 =	vmul.f32 $1.280000000e+02, v40  }
0x323: {  	v41 =	vor.u32 v1, v9;
	v7 =	vshll.u32 v7, $0x4;
	v44 =	vmax.f32 v11, $0.0e+00  }
0x324: {  	[tilespmem:v6+s11+$0x0] =	vst.idx.add.f32.msk $0xffff, v2;
	v7 =	vor.u32 v1, v7;
	v43 =	vadd.f32 $1.024000000e+03, v10;
	v9 =	vmul.f32 $1.280000000e+02, v42  }
0x325: {  	v4 =	vmul.f32 $1.280000000e+02, v4;
	v48 =	vld [tilespmem:s17+$0xFFFFFFF0];
	v10 =	vmin.f32 v44, $2.047000000e+03  }
0x326: {  	[tilespmem:v12+s11+$0x0] =	vst.idx.add.f32.msk $0xffff, v2;
	v47 =	vtrunc.f32 v10;
	v46 =	vmax.f32 v43, $0.0e+00;
	v9 =	vadd.f32 $1.024000000e+03, v9  }
0x327: {  	v12 =	vld [tilespmem:s18+$0xFFFFFFF0];
	v8 =	vcvt.f32.s32 v47;
	v6 =	vmin.f32 v46, $2.047000000e+03  }
0x328: {  	v4 =	vadd.f32 $1.024000000e+03, v4;
	[tilespmem:v41+s11+$0x0] =	vst.idx.add.f32.msk $0xffff, v2;
	v6 =	vtrunc.f32 v6;
	v49 =	vmax.f32 v9, $0.0e+00  }
0x329: {  	v8 =	vshll.u32 v8, $0x4;
	[tilespmem:v7+s11+$0x0] =	vst.idx.add.f32.msk $0xffff, v2;
	v6 =	vcvt.f32.s32 v6;
	v7 =	vmin.f32 v49, $2.047000000e+03  }
0x32a: {  	v45 =	vld [tilespmem:s18+$0x70];
	v8 =	vor.u32 v1, v8;
	v7 =	vtrunc.f32 v7  }
0x32b: {  	v4 =	vmax.f32 v4, $0.0e+00;
	v50 =	vld [tilespmem:s19+$0x70];
	v6 =	vshll.u32 v6, $0x4;
	v7 =	vcvt.f32.s32 v7  }
0x32c: {  	v4 =	vmin.f32 v4, $2.047000000e+03;
	v6 =	vor.u32 v1, v6  }
0x32d: {  	v5 =	vor.u32 v1, v5;
	v4 =	vtrunc.f32 v4;
	v7 =	vshll.u32 v7, $0x4  }
0x32e: {  	v4 =	vcvt.f32.s32 v4;
	v12 =	vmul.f32 $1.280000000e+02, v12;
	v7 =	vor.u32 v1, v7  }
0x32f: {  	v3 =	vshll.u32 v3, $0x4;
	v10 =	vmul.f32 $1.280000000e+02, v48;
	v11 =	vmul.f32 $1.280000000e+02, v45;
	[tilespmem:v8+s11+$0x0] =	vst.idx.add.f32.msk $0xffff, v2  }
0x330: {  	v3 =	vor.u32 v1, v3;
	v12 =	vadd.f32 $1.024000000e+03, v12;
	v9 =	vmul.f32 $1.280000000e+02, v50;
	v52 =	vld [tilespmem:s20+$0x70]  }
0x331: {  	v4 =	vshll.u32 v4, $0x4;
	v10 =	vadd.f32 $1.024000000e+03, v10;
	v11 =	vadd.f32 $1.024000000e+03, v11;
	[tilespmem:v6+s11+$0x0] =	vst.idx.add.f32.msk $0xffff, v2  }
0x332: {  	v4 =	vor.u32 v1, v4;
	v12 =	vmax.f32 v12, $0.0e+00;
	v9 =	vadd.f32 $1.024000000e+03, v9;
	v55 =	vld [tilespmem:s19+$0xFFFFFFF0]  }
0x333: {  	v54 =	vmax.f32 v10, $0.0e+00;
	v12 =	vmin.f32 v12, $2.047000000e+03;
	v11 =	vmax.f32 v11, $0.0e+00;
	[tilespmem:v7+s11+$0x0] =	vst.idx.add.f32.msk $0xffff, v2  }
0x334: {  	v12 =	vtrunc.f32 v12;
	v51 =	vmin.f32 v11, $2.047000000e+03;
	v9 =	vmax.f32 v9, $0.0e+00;
	v58 =	vld [tilespmem:s20+$0xFFFFFFF0]  }
0x335: {  	v12 =	vcvt.f32.s32 v12;
	v8 =	vtrunc.f32 v51;
	v9 =	vmin.f32 v9, $2.047000000e+03  }
0x336: {  	v11 =	vmul.f32 $1.280000000e+02, v52;
	v53 =	vcvt.f32.s32 v8;
	v8 =	vmin.f32 v54, $2.047000000e+03  }
0x337: {  	v60 =	vshll.u32 v12, $0x4;
	v57 =	vtrunc.f32 v9;
	v56 =	vtrunc.f32 v8  }
0x338: {  	[tilespmem:v5+s12+$0x0] =	vst.idx.add.f32.msk $0xffff, v2;
	v5 =	vor.u32 v1, v60;
	v8 =	vcvt.f32.s32 v57;
	v10 =	vmul.f32 $1.280000000e+02, v55  }
0x339: {  	v11 =	vadd.f32 $1.024000000e+03, v11;
	v6 =	vshll.u32 v53, $0x4;
	v9 =	vmul.f32 $1.280000000e+02, v58  }
0x33a: {  	v6 =	vor.u32 v1, v6;
	v8 =	vshll.u32 v8, $0x4;
	v10 =	vadd.f32 $1.024000000e+03, v10  }
0x33b: {  	v11 =	vmax.f32 v11, $0.0e+00;
	v8 =	vor.u32 v1, v8;
	v9 =	vadd.f32 $1.024000000e+03, v9  }
0x33c: {  	v11 =	vmin.f32 v11, $2.047000000e+03;
	v7 =	vcvt.f32.s32 v56;
	v10 =	vmax.f32 v10, $0.0e+00  }
0x33d: {  	v11 =	vtrunc.f32 v11;
	v10 =	vmin.f32 v10, $2.047000000e+03;
	v9 =	vmax.f32 v9, $0.0e+00  }
0x33e: {  	v11 =	vcvt.f32.s32 v11;
	v10 =	vtrunc.f32 v10;
	v9 =	vmin.f32 v9, $2.047000000e+03  }
0x33f: {  	v7 =	vshll.u32 v7, $0x4;
	v10 =	vcvt.f32.s32 v10;
	v9 =	vtrunc.f32 v9  }
0x340: {  	[tilespmem:v3+s12+$0x0] =	vst.idx.add.f32.msk $0xffff, v2;
	v7 =	vor.u32 v1, v7;
	v59 =	vshll.u32 v11, $0x4;
	v9 =	vcvt.f32.s32 v9  }
0x341: {  	[tilespmem:v4+s12+$0x0] =	vst.idx.add.f32.msk $0xffff, v2;
	v3 =	vor.u32 v1, v59;
	v61 =	vshll.u32 v10, $0x4  }
0x342: {  	[tilespmem:v5+s12+$0x0] =	vst.idx.add.f32.msk $0xffff, v2;
	v62 =	vor.u32 v1, v61;
	v63 =	vshll.u32 v9, $0x4  }
0x343: {  	[tilespmem:v6+s12+$0x0] =	vst.idx.add.f32.msk $0xffff, v2;
	v6 =	vor.u32 v1, v63  }
.Ltmp7:
0x344: {  	[tilespmem:v8+s12+$0x0] =	vst.idx.add.f32.msk $0xffff, v2;
	(pc) =	sbr.rel .LBB2_12-.Ltmp7, $4  }
0x345: {  	[tilespmem:v7+s12+$0x0] =	vst.idx.add.f32.msk $0xffff, v2  }
0x346: {  	[tilespmem:v3+s12+$0x0] =	vst.idx.add.f32.msk $0xffff, v2  }
0x347: {  	[tilespmem:v62+s12+$0x0] =	vst.idx.add.f32.msk $0xffff, v2  }
0x348: {  	[tilespmem:v6+s12+$0x0] =	vst.idx.add.f32.msk $0xffff, v2  }
.LBB2_13:
0x349: {  	s16 =	simm.s32 $0x0  }
0x34a: {  	v3 =	vld [tilespmem:s16+$0x9D00]  }
0x34b: {  	s17 =	simm.s32 $0x40;
	v4 =	vld [tilespmem:s16+$0x11D00]  }
.LBB2_14:
0x34c: {  	_ = 	snop  }
0x34d: {  	p0 =	sne.s32 s17, $0x1FFC0  }
.Ltmp8:
0x34e: {  	_ = 	snop;
	(pc) =	sbr.rel @p0 .LBB2_14-.Ltmp8, $4  }
0x34f: {  	_ = 	snop  }
0x350: {  	s18 =	sshra.s32 s17, $0x2;
	v5 =	vadd.f32 v4, v3  }
0x351: {  	v3 =	vld [tilespmem:s18+$0x9D00]  }
0x352: {  	s17 =	sadd.s32 $0x40, s17;
	v4 =	vld [tilespmem:s18+$0x11D00];
	[tilespmem:s16+$0x9D00] =	vst v5;
	s16 =	smov.u32 s18  }
0x353: {  	_ =	sdelay $0x3  }
0x354: {  	s15 =	sadd.s32 $0x1, s15;
	v3 =	vadd.f32 v4, v3  }
0x355: {  	p0 =	sne.s32 s15, s9  }
.Ltmp9:
0x356: {  	[tilespmem:s16+$0x9D00] =	vst v3;
	(pc) =	sbr.rel @p0 .LBB2_1-.Ltmp9, $4  }
0x357: {  	[hbm4b:s8+s2] =	stream.linear.scatter [tilespmem:s11], [sflag:$0x3], $0x8000, $0x38;
	[tilespmem:$0x19D00] =	vst v63  }
0x358: {  	_ =	swait.ge [sflag:s14], $0x8000  }
0x359: {  	[sflag:s14] =	ssyncset.done $0x0  }
0x35a: {  	[sflag:s14] =	ssyncadd.s32 $0xFFFF8000  }
0x35b: {  	_ =	sfence.sel $0x180000  }
0x35c: {  	[bflag:$0x0] =	sbarrier.arrive $0xFFFF  }
0x35d: {  	p0 =	sne.s32 s1, $0x0;
	_ =	strace $0x90000047  }
0x35e: {  	s0 =	sadd.s32 @!p0 $0x100000, s0;
	[bflag:$0x2] =	sbarrier.arrive $0xFFFF  }
0x35f: {  	[sflag:s0] =	ssyncadd.tile.s32 @!p0 $0x1;
	_ =	shalt  }
.Lfunc_end2:
_tile_overlayer_lowered:
.L_overlay_start_2:
0x360: {  	(tag) =	ssettag $0x2  }
0x361: {  	s0 =	rddreg [dreg:$0x0];
	s2 =	stileid.u32  }
0x362: {  	s1 =	rddreg [dreg:$0x1];
	p0 =	sne.s32 s2, $0x0  }
0x363: {  	s3 =	rddreg [dreg:$0x2];
	[bflag:$0x3] =	sbarrier.arrive $0xFFFF;
	s2 =	simm.s32 @!p0 $0x1C03  }
0x364: {  	[timem:s3], [sflag:s2] =	dma.local @!p0 [hbm:s0], s1  }
0x365: {  	s0 =	simm.s32 @!p0 $0x3  }
0x366: {  	_ =	swait.ge @!p0 [sflag:s0], s1  }
0x367: {  	s1 =	ssub.s32 @!p0 $0x0, s1;
	[sflag:s0] =	ssyncset.done @!p0 $0x0  }
0x368: {  	[sflag:s0] =	ssyncadd.s32 @!p0 s1  }
0x369: {  	[bflag:$0x3] =	sbarrier.arrive $0xFFFF  }
0x36a: {  	_ =	shalt  }

</sc_bundles>
